<compile_context>
chip_gen: v7x
topology: tpu7x:2x2x1
jax: 0.10.2.dev20260603
libtpu: 0.0.44.dev20260713+nightly
codegen_flags: <defaults>
</compile_context>

<pallas_src>
import functools

import jax
import jax.numpy as jnp
from jax import lax
from jax.experimental import pallas as pl
from jax.experimental.pallas import tpu as pltpu
from jax.experimental.pallas import tpu_sc as plsc

_N = 1024
_M = 16384
_D = 128
_MT = 2048
_NW = 32
_RPW = _M // _NW
_CHR = 128
_NCH = _RPW // _CHR
_NOUT = _N + _NW



def _ex_body(lane_ref, wl_ref, ex_ref):
    s = jax.lax.dot_general(lane_ref[...], wl_ref[...], (((1,), (0,)), ((), ())),
                            preferred_element_type=jnp.float32)
    ex_ref[...] = jnp.broadcast_to(jnp.exp(s), (_MT, 16))


def _tc_ex(lane, wl):
    return pl.pallas_call(
        _ex_body,
        grid=(_M // _MT,),
        in_specs=[
            pl.BlockSpec((_MT, _D), lambda i: (i, 0)),
            pl.BlockSpec((_D, 1), lambda i: (0, 0)),
        ],
        out_specs=pl.BlockSpec((_MT, 16), lambda i: (i, 0)),
        out_shape=jax.ShapeDtypeStruct((_M, 16), jnp.float32),
    )(lane, wl)



_sc_mesh = plsc.VectorSubcoreMesh(core_axis_name="c", subcore_axis_name="s")


@functools.partial(
    pl.kernel,
    out_type=(jax.ShapeDtypeStruct((_NW, _D), jnp.float32),
              jax.ShapeDtypeStruct((_NW, _D), jnp.float32),
              jax.ShapeDtypeStruct((_NW, _D), jnp.int32)),
    mesh=_sc_mesh,
    compiler_params=pltpu.CompilerParams(needs_layout_passes=False,
                                         use_tc_tiling_on_sc=False),
    scratch_types=[
        pltpu.VMEM((_CHR, _D), jnp.float32),
        pltpu.VMEM((_CHR, _D), jnp.float32),
        pltpu.VMEM((_RPW, 16), jnp.float32),
        pltpu.VMEM((768,), jnp.int32),
        pltpu.VMEM((_RPW,), jnp.int32),
        pltpu.VMEM((768,), jnp.int32),
        pltpu.VMEM((_RPW,), jnp.int32),
        pltpu.VMEM((4, _D), jnp.int32),
        pltpu.VMEM((_RPW, _D), jnp.float32),
        pltpu.VMEM((_RPW, 16), jnp.float32),
        pltpu.VMEM((1, _D), jnp.float32),
        pltpu.VMEM((1, _D), jnp.int32),
        pltpu.SemaphoreType.DMA,
        pltpu.SemaphoreType.DMA,
        pltpu.SemaphoreType.DMA,
    ],
)
def _sc_scatter(lane_hbm, idx_hbm, ex_hbm,
                side_num, side_den, side_id,
                lane0_b, lane1_b, ex_b, idxe_b, segs_b, starts_b, ids_b,
                ids2_b, locn_b, locd_b, tmpf_b, tmpi_b, semA, semB, semC):
    c = lax.axis_index("c")
    s = lax.axis_index("s")
    w = c * 16 + s
    base = w * _RPW
    li = lax.iota(jnp.int32, 16)
    bufs = (lane0_b, lane1_b)
    sems = (semA, semB)

    handles = [None] * _NCH
    handles[0] = pltpu.async_copy(lane_hbm.at[pl.ds(base, _CHR)], lane0_b,
                                  semA)
    handles[1] = pltpu.async_copy(lane_hbm.at[pl.ds(base + _CHR, _CHR)],
                                  lane1_b, semB)
    pltpu.sync_copy(ex_hbm.at[pl.ds(base, _RPW)], ex_b)
    pltpu.sync_copy(idx_hbm.at[pl.ds(base, _RPW)], idxe_b.at[pl.ds(16, _RPW)])
    head = idxe_b[pl.ds(16, 16)]
    idxe_b[pl.ds(0, 16)] = jnp.broadcast_to(jnp.min(head), (16,))

    dumpv = jnp.full((16,), _N + w, jnp.int32)
    for k in range(_RPW // 16):
        ids_b[pl.ds(k * 16, 16)] = dumpv

    c15 = jnp.full((16,), 15, jnp.int32)
    rpwv = jnp.full((16,), _RPW, jnp.int32)
    for k in range(768 // 16):
        starts_b[pl.ds(k * 16, 16)] = rpwv
    zi = jnp.zeros((16,), jnp.int32)
    starts_b[pl.ds(0, 16)] = jnp.where(li == 0, zi, rpwv)

    def _seg(g, sbv):
        iv = idxe_b[pl.ds(16 + g * 16, 16)]
        sv = idxe_b[pl.ds(15 + g * 16, 16)]
        bnd = iv != sv
        segs = sbv + plsc.cumsum(bnd.astype(jnp.int32))
        segs_b[pl.ds(g * 16, 16)] = segs
        plsc.store_scatter(ids_b, [segs], iv)
        plsc.store_scatter(starts_b, [segs], g * 16 + li, mask=bnd)
        return jnp.take_along_axis(segs, c15, axis=0)

    sbv = lax.fori_loop(0, _RPW // 16, _seg, jnp.zeros((16,), jnp.int32))
    nseg = jnp.max(sbv) + 1

    zv = jnp.zeros((16,), jnp.float32)

    def _zr(r, carry):
        for dd in range(_D // 16):
            locn_b[r, pl.ds(dd * 16, 16)] = zv
        locd_b[r, pl.ds(0, 16)] = zv
        return carry

    lax.fori_loop(0, nseg, _zr, 0)

    zacc = jnp.zeros((16,), jnp.float32)
    for ci in range(_NCH):
        handles[ci].wait()
        buf = bufs[ci % 2]
        lob = ci * _CHR
        s_lo = jnp.min(segs_b[pl.ds(lob, 16)])
        s_hi = jnp.max(segs_b[pl.ds(lob + _CHR - 16, 16)])

        def _seg_loop(sgi, carry, buf=buf, lob=lob):
            st = jnp.maximum(jnp.min(starts_b[pl.ds(sgi, 16)]), lob)
            en = jnp.minimum(jnp.min(starts_b[pl.ds(sgi + 1, 16)]),
                             lob + _CHR)

            def _row(r, accs):
                evr = ex_b[r, pl.ds(0, 16)]
                out = []
                for dd in range(_D // 16):
                    v = buf[r - lob, pl.ds(dd * 16, 16)]
                    out.append(accs[dd] + v * evr)
                out.append(accs[_D // 16] + evr)
                return tuple(out)

            accs = plsc.parallel_loop(
                st, en, unroll=2,
                carry=(zacc,) * (_D // 16 + 1))(_row)
            for dd in range(_D // 16):
                locn_b[sgi, pl.ds(dd * 16, 16)] = (
                    locn_b[sgi, pl.ds(dd * 16, 16)] + accs[dd])
            locd_b[sgi, pl.ds(0, 16)] = (
                locd_b[sgi, pl.ds(0, 16)] + accs[_D // 16])
            return carry

        lax.fori_loop(s_lo, s_hi + 1, _seg_loop, 0)
        if ci + 2 < _NCH:
            handles[ci + 2] = pltpu.async_copy(
                lane_hbm.at[pl.ds(base + (ci + 2) * _CHR, _CHR)],
                bufs[ci % 2], sems[ci % 2])

    zv128 = jnp.zeros((16,), jnp.float32)
    for dd in range(_D // 16):
        tmpf_b[0, pl.ds(dd * 16, 16)] = zv128
        tmpi_b[0, pl.ds(dd * 16, 16)] = jnp.zeros((16,), jnp.int32)
    hside_n = pltpu.async_copy(locn_b.at[pl.ds(0, 1)],
                               side_num.at[pl.ds(w, 1)], semC)
    tmpf_b[0, pl.ds(0, 16)] = locd_b[0, pl.ds(0, 16)]
    hside_d = pltpu.async_copy(tmpf_b, side_den.at[pl.ds(w, 1)], semC)
    idv = ids_b[pl.ds(0, 16)]
    tmpi_b[0, pl.ds(0, 16)] = idv
    hside_i = pltpu.async_copy(tmpi_b, side_id.at[pl.ds(w, 1)], semC)
    ids_b[pl.ds(0, 16)] = jnp.where(li == 0, dumpv, idv)

    for k in range(_RPW // 16):
        ids2_b[k // 8, pl.ds((k % 8) * 16, 16)] = ids_b[pl.ds(k * 16, 16)]

    def _cp0(r, carry):
        lane0_b[r, pl.ds(0, 16)] = locd_b[r, pl.ds(0, 16)]
        return carry

    lax.fori_loop(0, 128, _cp0, 0)

    hside_n.wait()
    hside_d.wait()
    hside_i.wait()



def _norm_body(num_ref, den_ref, sn_ref, sd_ref, si_ref, out_ref):
    num = num_ref[...][:_N]
    den = den_ref[...][:_N, 0:1]
    sid = si_ref[...][:, 0:1]
    obs = lax.broadcasted_iota(jnp.int32, (_N, _NW), 0)
    sidb = jnp.broadcast_to(sid.T, (_N, _NW))
    sel = jnp.where(obs == sidb, 1.0, 0.0)
    num_tot = num + jax.lax.dot_general(
        sel, sn_ref[...], (((1,), (0,)), ((), ())),
        preferred_element_type=jnp.float32)
    den_tot = den + jax.lax.dot_general(
        sel, sd_ref[...], (((1,), (0,)), ((), ())),
        preferred_element_type=jnp.float32)[:, 0:1]
    ok = den_tot > 0.0
    denq = jnp.where(ok, den_tot, 1.0)
    out_ref[...] = jnp.where(jnp.broadcast_to(ok, (_N, _D)),
                             num_tot / jnp.broadcast_to(denq, (_N, _D)),
                             0.0)


def _tc_norm(num, den, side_num, side_den, side_id):
    return pl.pallas_call(
        _norm_body,
        in_specs=[
            pl.BlockSpec((_NOUT, _D), lambda: (0, 0)),
            pl.BlockSpec((_NOUT, _D), lambda: (0, 0)),
            pl.BlockSpec((_NW, _D), lambda: (0, 0)),
            pl.BlockSpec((_NW, _D), lambda: (0, 0)),
            pl.BlockSpec((_NW, _D), lambda: (0, 0)),
        ],
        out_specs=pl.BlockSpec((_N, _D), lambda: (0, 0)),
        out_shape=jax.ShapeDtypeStruct((_N, _D), jnp.float32),
    )(num, den, side_num, side_den, side_id)


def kernel(obs_encoding, lane_encoding, same_obs_mask, W, b):
    idx = same_obs_mask[:, 0].astype(jnp.int32)
    wl = W[_D:, :]
    ex = _tc_ex(lane_encoding, wl)
    num = jnp.zeros((_NOUT, _D), jnp.float32)
    den = jnp.zeros((_NOUT, _D), jnp.float32)
    side_num, side_den, side_id = _sc_scatter(lane_encoding, idx, ex)
    return _tc_norm(num, den, side_num, side_den, side_id)

# --- scband reference (transcript-rebuilt; emitter-appended) ---
"""Pipeline reference for scband-lane-attention-30786325578415 (READ-ONLY COPY).

The authoritative reference and input builder live on the scoring server;
editing this copy changes nothing except your own understanding.
"""

import jax, jax.numpy as jnp
import numpy as np

N = 1024
M = 16384
OBS_ENC = 128
LANE_ENC = 128


def setup_inputs(seed: int = 0) -> dict:
    key = jax.random.key(seed)
    k1, k2, k3, k4 = jax.random.split(key, 4)
    obs_encoding = jax.random.normal(k1, (N, OBS_ENC), dtype=jnp.float32)
    lane_encoding = jax.random.normal(k2, (M, LANE_ENC), dtype=jnp.float32)
    same_obs_mask = jnp.sort(jax.random.randint(k3, (M, 1), 0, N, dtype=jnp.int64), axis=0)
    W = jax.random.normal(k4, (OBS_ENC + LANE_ENC, 1), dtype=jnp.float32) * 0.05
    b = jnp.zeros((1,), dtype=jnp.float32)
    return {"obs_encoding": obs_encoding, "lane_encoding": lane_encoding,
            "same_obs_mask": same_obs_mask, "W": W, "b": b}


def reference(obs_encoding, lane_encoding, same_obs_mask, W, b):
    # LaneAttention: per-obstacle attention over that obstacle's candidate lanes.
    # Torch original loops over obs_id groups; here fused with gather + segment ops.
    idx = same_obs_mask[:, 0].astype(jnp.int32)          # [M] group id per lane
    n = obs_encoding.shape[0]
    obs_rep = jnp.take(obs_encoding, idx, axis=0)        # [M, OBS_ENC] gather
    feats = jnp.concatenate([obs_rep, lane_encoding], axis=1)  # [M, OBS+LANE]
    scores = (feats @ W + b)[:, 0]                       # [M] attention logits
    # group-wise softmax (numerically stable via segment max)
    seg_max = jax.ops.segment_max(scores, idx, num_segments=n)
    seg_max = jnp.where(jnp.isfinite(seg_max), seg_max, 0.0)
    ex = jnp.exp(scores - jnp.take(seg_max, idx, axis=0))
    denom = jax.ops.segment_sum(ex, idx, num_segments=n)
    denom = jnp.where(denom > 0.0, denom, 1.0)
    attn = ex / jnp.take(denom, idx, axis=0)             # [M]
    weighted = lane_encoding * attn[:, None]             # [M, LANE_ENC]
    out = jax.ops.segment_sum(weighted, idx, num_segments=n)  # [N, LANE_ENC]
    return out

if __name__ == "__main__":
    import jax
    _d = setup_inputs()
    print(jax.jit(kernel)(*tuple(_d.values())))

</pallas_src>

<mosaic_0001>
#map = affine_map<(d0, d1) -> (0, 0)>
#map1 = affine_map<(d0, d1) -> (0)>
module attributes {stable_mosaic.version = 14 : i64} {
  func.func @_sc_scatter(%arg0: i32, %arg1: i32, %arg2: memref<16384x128xf32, #tpu.memory_space<hbm>>, %arg3: memref<16384xi32, #tpu.memory_space<hbm>>, %arg4: memref<16384x16xf32, #tpu.memory_space<hbm>>, %arg5: memref<32x128xf32, #tpu.memory_space<hbm>>, %arg6: memref<32x128xf32, #tpu.memory_space<hbm>>, %arg7: memref<32x128xi32, #tpu.memory_space<hbm>>, %arg8: memref<128x128xf32, #tpu.memory_space<vmem>>, %arg9: memref<128x128xf32, #tpu.memory_space<vmem>>, %arg10: memref<512x16xf32, #tpu.memory_space<vmem>>, %arg11: memref<768xi32, #tpu.memory_space<vmem>>, %arg12: memref<512xi32, #tpu.memory_space<vmem>>, %arg13: memref<768xi32, #tpu.memory_space<vmem>>, %arg14: memref<512xi32, #tpu.memory_space<vmem>>, %arg15: memref<4x128xi32, #tpu.memory_space<vmem>>, %arg16: memref<512x128xf32, #tpu.memory_space<vmem>>, %arg17: memref<512x16xf32, #tpu.memory_space<vmem>>, %arg18: memref<1x128xf32, #tpu.memory_space<vmem>>, %arg19: memref<1x128xi32, #tpu.memory_space<vmem>>, %arg20: memref<!tpu.dma_semaphore, #tpu.memory_space<semaphore_mem>>, %arg21: memref<!tpu.dma_semaphore, #tpu.memory_space<semaphore_mem>>, %arg22: memref<!tpu.dma_semaphore, #tpu.memory_space<semaphore_mem>>) attributes {dimension_semantics = [#tpu.dimension_semantics<core_parallel>, #tpu.dimension_semantics<subcore_parallel>], iteration_bounds = array<i64: 2, 16>, scalar_prefetch = 0 : i64, scratch_operands = 15 : i64, tpu.core_type = #tpu.core_type<sc_vector_subcore>, window_params = [{transform_indices = #map}, {transform_indices = #map1}, {transform_indices = #map}, {transform_indices = #map}, {transform_indices = #map}, {transform_indices = #map}]} {
    %mul3A = arith.constant 16 : i32
    %mul3A_0 = arith.muli %arg0, %mul3A : i32
    %add3A = arith.addi %mul3A_0, %arg1 : i32
    %mul3A_1 = arith.constant 512 : i32
    %mul3A_2 = arith.muli %add3A, %mul3A_1 : i32
    %iota3A = tpu.iota {dimensions = array<i32: 0>} : vector<16xi32>
    %dma_start3A = arith.constant 0 : i32
    %dma_start3A_3 = tpu.memref_slice %arg2[%mul3A_2, %dma_start3A] : memref<16384x128xf32, #tpu.memory_space<hbm>> -> memref<128x128xf32, #tpu.memory_space<hbm>>
    %dma_start3A_4 = arith.constant 0 : i32
    %dma_start3A_5 = tpu.memref_slice %arg2[%mul3A_2, %dma_start3A_4] : memref<16384x128xf32, #tpu.memory_space<hbm>> -> memref<128x128xf32, #tpu.memory_space<hbm>>
    tpu.enqueue_dma source(%dma_start3A_5 : memref<128x128xf32, #tpu.memory_space<hbm>>) target(%arg8 : memref<128x128xf32, #tpu.memory_space<vmem>>) target_semaphore(%arg20 : memref<!tpu.dma_semaphore, #tpu.memory_space<semaphore_mem>>)
    %add3A_6 = arith.constant 128 : i32
    %add3A_7 = arith.addi %mul3A_2, %add3A_6 : i32
    %dma_start3A_8 = arith.constant 0 : i32
    %dma_start3A_9 = tpu.memref_slice %arg2[%add3A_7, %dma_start3A_8] : memref<16384x128xf32, #tpu.memory_space<hbm>> -> memref<128x128xf32, #tpu.memory_space<hbm>>
    %dma_start3A_10 = arith.constant 0 : i32
    %dma_start3A_11 = tpu.memref_slice %arg2[%add3A_7, %dma_start3A_10] : memref<16384x128xf32, #tpu.memory_space<hbm>> -> memref<128x128xf32, #tpu.memory_space<hbm>>
    tpu.enqueue_dma source(%dma_start3A_11 : memref<128x128xf32, #tpu.memory_space<hbm>>) target(%arg9 : memref<128x128xf32, #tpu.memory_space<vmem>>) target_semaphore(%arg21 : memref<!tpu.dma_semaphore, #tpu.memory_space<semaphore_mem>>)
    "tpu.region"() ({
      %run_scoped3A = tpu.sem_alloc : memref<!tpu.dma_semaphore, #tpu.memory_space<semaphore_mem>>
      %dma_start3A_710 = arith.constant 0 : i32
      %dma_start3A_711 = tpu.memref_slice %arg4[%mul3A_2, %dma_start3A_710] : memref<16384x16xf32, #tpu.memory_space<hbm>> -> memref<512x16xf32, #tpu.memory_space<hbm>>
      %dma_start3A_712 = arith.constant 0 : i32
      %dma_start3A_713 = tpu.memref_slice %arg4[%mul3A_2, %dma_start3A_712] : memref<16384x16xf32, #tpu.memory_space<hbm>> -> memref<512x16xf32, #tpu.memory_space<hbm>>
      tpu.enqueue_dma source(%dma_start3A_713 : memref<512x16xf32, #tpu.memory_space<hbm>>) target(%arg10 : memref<512x16xf32, #tpu.memory_space<vmem>>) target_semaphore(%run_scoped3A : memref<!tpu.dma_semaphore, #tpu.memory_space<semaphore_mem>>)
      %dma_wait3A_714 = arith.constant 0 : i32
      %dma_wait3A_715 = tpu.memref_slice %arg4[%mul3A_2, %dma_wait3A_714] : memref<16384x16xf32, #tpu.memory_space<hbm>> -> memref<512x16xf32, #tpu.memory_space<hbm>>
      %dma_wait3A_716 = arith.constant 0 : i32
      %dma_wait3A_717 = tpu.memref_slice %arg4[%mul3A_2, %dma_wait3A_716] : memref<16384x16xf32, #tpu.memory_space<hbm>> -> memref<512x16xf32, #tpu.memory_space<hbm>>
      tpu.wait_dma2 semaphore(%run_scoped3A : memref<!tpu.dma_semaphore, #tpu.memory_space<semaphore_mem>>) src(%dma_wait3A_717 : memref<512x16xf32, #tpu.memory_space<hbm>>) dst(%arg10 : memref<512x16xf32, #tpu.memory_space<vmem>>)
      tpu.yield
    }) : () -> ()
    "tpu.region"() ({
      %run_scoped3A = tpu.sem_alloc : memref<!tpu.dma_semaphore, #tpu.memory_space<semaphore_mem>>
      %dma_start3A_710 = arith.constant 16 : i32
      %dma_start3A_711 = tpu.memref_slice %arg11[%dma_start3A_710] : memref<768xi32, #tpu.memory_space<vmem>> -> memref<512xi32, #tpu.memory_space<vmem>>
      %dma_start3A_712 = tpu.memref_slice %arg3[%mul3A_2] : memref<16384xi32, #tpu.memory_space<hbm>> -> memref<512xi32, #tpu.memory_space<hbm>>
      %dma_start3A_713 = arith.constant 16 : i32
      %dma_start3A_714 = tpu.memref_slice %arg11[%dma_start3A_713] : memref<768xi32, #tpu.memory_space<vmem>> -> memref<512xi32, #tpu.memory_space<vmem>>
      %dma_start3A_715 = tpu.memref_slice %arg3[%mul3A_2] : memref<16384xi32, #tpu.memory_space<hbm>> -> memref<512xi32, #tpu.memory_space<hbm>>
      tpu.enqueue_dma source(%dma_start3A_715 : memref<512xi32, #tpu.memory_space<hbm>>) target(%dma_start3A_714 : memref<512xi32, #tpu.memory_space<vmem>>) target_semaphore(%run_scoped3A : memref<!tpu.dma_semaphore, #tpu.memory_space<semaphore_mem>>)
      %dma_wait3A_716 = arith.constant 16 : i32
      %dma_wait3A_717 = tpu.memref_slice %arg11[%dma_wait3A_716] : memref<768xi32, #tpu.memory_space<vmem>> -> memref<512xi32, #tpu.memory_space<vmem>>
      %dma_wait3A_718 = tpu.memref_slice %arg3[%mul3A_2] : memref<16384xi32, #tpu.memory_space<hbm>> -> memref<512xi32, #tpu.memory_space<hbm>>
      %dma_wait3A_719 = arith.constant 16 : i32
      %dma_wait3A_720 = tpu.memref_slice %arg11[%dma_wait3A_719] : memref<768xi32, #tpu.memory_space<vmem>> -> memref<512xi32, #tpu.memory_space<vmem>>
      %dma_wait3A_721 = tpu.memref_slice %arg3[%mul3A_2] : memref<16384xi32, #tpu.memory_space<hbm>> -> memref<512xi32, #tpu.memory_space<hbm>>
      tpu.wait_dma2 semaphore(%run_scoped3A : memref<!tpu.dma_semaphore, #tpu.memory_space<semaphore_mem>>) src(%dma_wait3A_721 : memref<512xi32, #tpu.memory_space<hbm>>) dst(%dma_wait3A_720 : memref<512xi32, #tpu.memory_space<vmem>>)
      tpu.yield
    }) : () -> ()
    %get3A = arith.constant 16 : index
    %get3A_12 = tpu.vector_load %arg11[%get3A] {strides = array<i32>} : memref<768xi32, #tpu.memory_space<vmem>>, vector<16xi32>,
    %reduce_min3A = arith.constant true
    %reduce_min3A_13 = vector.broadcast %reduce_min3A : i1 to vector<16xi1>
    %reduce_min3A_14 = arith.constant -2147483648 : i32
    %reduce_min3A_15 = vector.broadcast %reduce_min3A_14 : i32 to vector<16xi32>
    %reduce_min3A_16 = arith.xori %get3A_12, %reduce_min3A_15 : vector<16xi32>
    %reduce_min3A_17 = tpu.scan <min>, %reduce_min3A_16 masked %reduce_min3A_13 : vector<16xi32>, vector<16xi1> -> vector<16xi32>
    %reduce_min3A_18 = arith.xori %reduce_min3A_17, %reduce_min3A_15 : vector<16xi32>
    %reduce_min3A_19 = vector.extract %reduce_min3A_18[15] : i32 from vector<16xi32>
    %broadcast_in_dim3A = vector.broadcast %reduce_min3A_19 : i32 to vector<16xi32>
    %swap3A = arith.constant 0 : index
    %swap3A_20 = tpu.vector_load %arg11[%swap3A] {strides = array<i32>} : memref<768xi32, #tpu.memory_space<vmem>>, vector<16xi32>,
    tpu.vector_store %arg11[%swap3A], %broadcast_in_dim3A {strides = array<i32>} : memref<768xi32, #tpu.memory_space<vmem>>, vector<16xi32>,
    %add3A_21 = arith.constant 1024 : i32
    %add3A_22 = arith.addi %add3A_21, %add3A : i32
    %broadcast_in_dim3A_23 = vector.broadcast %add3A_22 : i32 to vector<16xi32>
    %swap3A_24 = arith.constant 0 : index
    %swap3A_25 = tpu.vector_load %arg14[%swap3A_24] {strides = array<i32>} : memref<512xi32, #tpu.memory_space<vmem>>, vector<16xi32>,
    tpu.vector_store %arg14[%swap3A_24], %broadcast_in_dim3A_23 {strides = array<i32>} : memref<512xi32, #tpu.memory_space<vmem>>, vector<16xi32>,
    %swap3A_26 = arith.constant 16 : index
    %swap3A_27 = tpu.vector_load %arg14[%swap3A_26] {strides = array<i32>} : memref<512xi32, #tpu.memory_space<vmem>>, vector<16xi32>,
    tpu.vector_store %arg14[%swap3A_26], %broadcast_in_dim3A_23 {strides = array<i32>} : memref<512xi32, #tpu.memory_space<vmem>>, vector<16xi32>,
    %swap3A_28 = arith.constant 32 : index
    %swap3A_29 = tpu.vector_load %arg14[%swap3A_28] {strides = array<i32>} : memref<512xi32, #tpu.memory_space<vmem>>, vector<16xi32>,
    tpu.vector_store %arg14[%swap3A_28], %broadcast_in_dim3A_23 {strides = array<i32>} : memref<512xi32, #tpu.memory_space<vmem>>, vector<16xi32>,
    %swap3A_30 = arith.constant 48 : index
    %swap3A_31 = tpu.vector_load %arg14[%swap3A_30] {strides = array<i32>} : memref<512xi32, #tpu.memory_space<vmem>>, vector<16xi32>,
    tpu.vector_store %arg14[%swap3A_30], %broadcast_in_dim3A_23 {strides = array<i32>} : memref<512xi32, #tpu.memory_space<vmem>>, vector<16xi32>,
    %swap3A_32 = arith.constant 64 : index
    %swap3A_33 = tpu.vector_load %arg14[%swap3A_32] {strides = array<i32>} : memref<512xi32, #tpu.memory_space<vmem>>, vector<16xi32>,
    tpu.vector_store %arg14[%swap3A_32], %broadcast_in_dim3A_23 {strides = array<i32>} : memref<512xi32, #tpu.memory_space<vmem>>, vector<16xi32>,
    %swap3A_34 = arith.constant 80 : index
    %swap3A_35 = tpu.vector_load %arg14[%swap3A_34] {strides = array<i32>} : memref<512xi32, #tpu.memory_space<vmem>>, vector<16xi32>,
    tpu.vector_store %arg14[%swap3A_34], %broadcast_in_dim3A_23 {strides = array<i32>} : memref<512xi32, #tpu.memory_space<vmem>>, vector<16xi32>,
    %swap3A_36 = arith.constant 96 : index
    %swap3A_37 = tpu.vector_load %arg14[%swap3A_36] {strides = array<i32>} : memref<512xi32, #tpu.memory_space<vmem>>, vector<16xi32>,
    tpu.vector_store %arg14[%swap3A_36], %broadcast_in_dim3A_23 {strides = array<i32>} : memref<512xi32, #tpu.memory_space<vmem>>, vector<16xi32>,
    %swap3A_38 = arith.constant 112 : index
    %swap3A_39 = tpu.vector_load %arg14[%swap3A_38] {strides = array<i32>} : memref<512xi32, #tpu.memory_space<vmem>>, vector<16xi32>,
    tpu.vector_store %arg14[%swap3A_38], %broadcast_in_dim3A_23 {strides = array<i32>} : memref<512xi32, #tpu.memory_space<vmem>>, vector<16xi32>,
    %swap3A_40 = arith.constant 128 : index
    %swap3A_41 = tpu.vector_load %arg14[%swap3A_40] {strides = array<i32>} : memref<512xi32, #tpu.memory_space<vmem>>, vector<16xi32>,
    tpu.vector_store %arg14[%swap3A_40], %broadcast_in_dim3A_23 {strides = array<i32>} : memref<512xi32, #tpu.memory_space<vmem>>, vector<16xi32>,
    %swap3A_42 = arith.constant 144 : index
    %swap3A_43 = tpu.vector_load %arg14[%swap3A_42] {strides = array<i32>} : memref<512xi32, #tpu.memory_space<vmem>>, vector<16xi32>,
    tpu.vector_store %arg14[%swap3A_42], %broadcast_in_dim3A_23 {strides = array<i32>} : memref<512xi32, #tpu.memory_space<vmem>>, vector<16xi32>,
    %swap3A_44 = arith.constant 160 : index
    %swap3A_45 = tpu.vector_load %arg14[%swap3A_44] {strides = array<i32>} : memref<512xi32, #tpu.memory_space<vmem>>, vector<16xi32>,
    tpu.vector_store %arg14[%swap3A_44], %broadcast_in_dim3A_23 {strides = array<i32>} : memref<512xi32, #tpu.memory_space<vmem>>, vector<16xi32>,
    %swap3A_46 = arith.constant 176 : index
    %swap3A_47 = tpu.vector_load %arg14[%swap3A_46] {strides = array<i32>} : memref<512xi32, #tpu.memory_space<vmem>>, vector<16xi32>,
    tpu.vector_store %arg14[%swap3A_46], %broadcast_in_dim3A_23 {strides = array<i32>} : memref<512xi32, #tpu.memory_space<vmem>>, vector<16xi32>,
    %swap3A_48 = arith.constant 192 : index
    %swap3A_49 = tpu.vector_load %arg14[%swap3A_48] {strides = array<i32>} : memref<512xi32, #tpu.memory_space<vmem>>, vector<16xi32>,
    tpu.vector_store %arg14[%swap3A_48], %broadcast_in_dim3A_23 {strides = array<i32>} : memref<512xi32, #tpu.memory_space<vmem>>, vector<16xi32>,
    %swap3A_50 = arith.constant 208 : index
    %swap3A_51 = tpu.vector_load %arg14[%swap3A_50] {strides = array<i32>} : memref<512xi32, #tpu.memory_space<vmem>>, vector<16xi32>,
    tpu.vector_store %arg14[%swap3A_50], %broadcast_in_dim3A_23 {strides = array<i32>} : memref<512xi32, #tpu.memory_space<vmem>>, vector<16xi32>,
    %swap3A_52 = arith.constant 224 : index
    %swap3A_53 = tpu.vector_load %arg14[%swap3A_52] {strides = array<i32>} : memref<512xi32, #tpu.memory_space<vmem>>, vector<16xi32>,
    tpu.vector_store %arg14[%swap3A_52], %broadcast_in_dim3A_23 {strides = array<i32>} : memref<512xi32, #tpu.memory_space<vmem>>, vector<16xi32>,
    %swap3A_54 = arith.constant 240 : index
    %swap3A_55 = tpu.vector_load %arg14[%swap3A_54] {strides = array<i32>} : memref<512xi32, #tpu.memory_space<vmem>>, vector<16xi32>,
    tpu.vector_store %arg14[%swap3A_54], %broadcast_in_dim3A_23 {strides = array<i32>} : memref<512xi32, #tpu.memory_space<vmem>>, vector<16xi32>,
    %swap3A_56 = arith.constant 256 : index
    %swap3A_57 = tpu.vector_load %arg14[%swap3A_56] {strides = array<i32>} : memref<512xi32, #tpu.memory_space<vmem>>, vector<16xi32>,
    tpu.vector_store %arg14[%swap3A_56], %broadcast_in_dim3A_23 {strides = array<i32>} : memref<512xi32, #tpu.memory_space<vmem>>, vector<16xi32>,
    %swap3A_58 = arith.constant 272 : index
    %swap3A_59 = tpu.vector_load %arg14[%swap3A_58] {strides = array<i32>} : memref<512xi32, #tpu.memory_space<vmem>>, vector<16xi32>,
    tpu.vector_store %arg14[%swap3A_58], %broadcast_in_dim3A_23 {strides = array<i32>} : memref<512xi32, #tpu.memory_space<vmem>>, vector<16xi32>,
    %swap3A_60 = arith.constant 288 : index
    %swap3A_61 = tpu.vector_load %arg14[%swap3A_60] {strides = array<i32>} : memref<512xi32, #tpu.memory_space<vmem>>, vector<16xi32>,
    tpu.vector_store %arg14[%swap3A_60], %broadcast_in_dim3A_23 {strides = array<i32>} : memref<512xi32, #tpu.memory_space<vmem>>, vector<16xi32>,
    %swap3A_62 = arith.constant 304 : index
    %swap3A_63 = tpu.vector_load %arg14[%swap3A_62] {strides = array<i32>} : memref<512xi32, #tpu.memory_space<vmem>>, vector<16xi32>,
    tpu.vector_store %arg14[%swap3A_62], %broadcast_in_dim3A_23 {strides = array<i32>} : memref<512xi32, #tpu.memory_space<vmem>>, vector<16xi32>,
    %swap3A_64 = arith.constant 320 : index
    %swap3A_65 = tpu.vector_load %arg14[%swap3A_64] {strides = array<i32>} : memref<512xi32, #tpu.memory_space<vmem>>, vector<16xi32>,
    tpu.vector_store %arg14[%swap3A_64], %broadcast_in_dim3A_23 {strides = array<i32>} : memref<512xi32, #tpu.memory_space<vmem>>, vector<16xi32>,
    %swap3A_66 = arith.constant 336 : index
    %swap3A_67 = tpu.vector_load %arg14[%swap3A_66] {strides = array<i32>} : memref<512xi32, #tpu.memory_space<vmem>>, vector<16xi32>,
    tpu.vector_store %arg14[%swap3A_66], %broadcast_in_dim3A_23 {strides = array<i32>} : memref<512xi32, #tpu.memory_space<vmem>>, vector<16xi32>,
    %swap3A_68 = arith.constant 352 : index
    %swap3A_69 = tpu.vector_load %arg14[%swap3A_68] {strides = array<i32>} : memref<512xi32, #tpu.memory_space<vmem>>, vector<16xi32>,
    tpu.vector_store %arg14[%swap3A_68], %broadcast_in_dim3A_23 {strides = array<i32>} : memref<512xi32, #tpu.memory_space<vmem>>, vector<16xi32>,
    %swap3A_70 = arith.constant 368 : index
    %swap3A_71 = tpu.vector_load %arg14[%swap3A_70] {strides = array<i32>} : memref<512xi32, #tpu.memory_space<vmem>>, vector<16xi32>,
    tpu.vector_store %arg14[%swap3A_70], %broadcast_in_dim3A_23 {strides = array<i32>} : memref<512xi32, #tpu.memory_space<vmem>>, vector<16xi32>,
    %swap3A_72 = arith.constant 384 : index
    %swap3A_73 = tpu.vector_load %arg14[%swap3A_72] {strides = array<i32>} : memref<512xi32, #tpu.memory_space<vmem>>, vector<16xi32>,
    tpu.vector_store %arg14[%swap3A_72], %broadcast_in_dim3A_23 {strides = array<i32>} : memref<512xi32, #tpu.memory_space<vmem>>, vector<16xi32>,
    %swap3A_74 = arith.constant 400 : index
    %swap3A_75 = tpu.vector_load %arg14[%swap3A_74] {strides = array<i32>} : memref<512xi32, #tpu.memory_space<vmem>>, vector<16xi32>,
    tpu.vector_store %arg14[%swap3A_74], %broadcast_in_dim3A_23 {strides = array<i32>} : memref<512xi32, #tpu.memory_space<vmem>>, vector<16xi32>,
    %swap3A_76 = arith.constant 416 : index
    %swap3A_77 = tpu.vector_load %arg14[%swap3A_76] {strides = array<i32>} : memref<512xi32, #tpu.memory_space<vmem>>, vector<16xi32>,
    tpu.vector_store %arg14[%swap3A_76], %broadcast_in_dim3A_23 {strides = array<i32>} : memref<512xi32, #tpu.memory_space<vmem>>, vector<16xi32>,
    %swap3A_78 = arith.constant 432 : index
    %swap3A_79 = tpu.vector_load %arg14[%swap3A_78] {strides = array<i32>} : memref<512xi32, #tpu.memory_space<vmem>>, vector<16xi32>,
    tpu.vector_store %arg14[%swap3A_78], %broadcast_in_dim3A_23 {strides = array<i32>} : memref<512xi32, #tpu.memory_space<vmem>>, vector<16xi32>,
    %swap3A_80 = arith.constant 448 : index
    %swap3A_81 = tpu.vector_load %arg14[%swap3A_80] {strides = array<i32>} : memref<512xi32, #tpu.memory_space<vmem>>, vector<16xi32>,
    tpu.vector_store %arg14[%swap3A_80], %broadcast_in_dim3A_23 {strides = array<i32>} : memref<512xi32, #tpu.memory_space<vmem>>, vector<16xi32>,
    %swap3A_82 = arith.constant 464 : index
    %swap3A_83 = tpu.vector_load %arg14[%swap3A_82] {strides = array<i32>} : memref<512xi32, #tpu.memory_space<vmem>>, vector<16xi32>,
    tpu.vector_store %arg14[%swap3A_82], %broadcast_in_dim3A_23 {strides = array<i32>} : memref<512xi32, #tpu.memory_space<vmem>>, vector<16xi32>,
    %swap3A_84 = arith.constant 480 : index
    %swap3A_85 = tpu.vector_load %arg14[%swap3A_84] {strides = array<i32>} : memref<512xi32, #tpu.memory_space<vmem>>, vector<16xi32>,
    tpu.vector_store %arg14[%swap3A_84], %broadcast_in_dim3A_23 {strides = array<i32>} : memref<512xi32, #tpu.memory_space<vmem>>, vector<16xi32>,
    %swap3A_86 = arith.constant 496 : index
    %swap3A_87 = tpu.vector_load %arg14[%swap3A_86] {strides = array<i32>} : memref<512xi32, #tpu.memory_space<vmem>>, vector<16xi32>,
    tpu.vector_store %arg14[%swap3A_86], %broadcast_in_dim3A_23 {strides = array<i32>} : memref<512xi32, #tpu.memory_space<vmem>>, vector<16xi32>,
    %broadcast_in_dim3A_88 = arith.constant 15 : i32
    %broadcast_in_dim3A_89 = vector.broadcast %broadcast_in_dim3A_88 : i32 to vector<16xi32>
    %broadcast_in_dim3A_90 = arith.constant 512 : i32
    %broadcast_in_dim3A_91 = vector.broadcast %broadcast_in_dim3A_90 : i32 to vector<16xi32>
    %swap3A_92 = arith.constant 0 : index
    %swap3A_93 = tpu.vector_load %arg13[%swap3A_92] {strides = array<i32>} : memref<768xi32, #tpu.memory_space<vmem>>, vector<16xi32>,
    tpu.vector_store %arg13[%swap3A_92], %broadcast_in_dim3A_91 {strides = array<i32>} : memref<768xi32, #tpu.memory_space<vmem>>, vector<16xi32>,
    %swap3A_94 = arith.constant 16 : index
    %swap3A_95 = tpu.vector_load %arg13[%swap3A_94] {strides = array<i32>} : memref<768xi32, #tpu.memory_space<vmem>>, vector<16xi32>,
    tpu.vector_store %arg13[%swap3A_94], %broadcast_in_dim3A_91 {strides = array<i32>} : memref<768xi32, #tpu.memory_space<vmem>>, vector<16xi32>,
    %swap3A_96 = arith.constant 32 : index
    %swap3A_97 = tpu.vector_load %arg13[%swap3A_96] {strides = array<i32>} : memref<768xi32, #tpu.memory_space<vmem>>, vector<16xi32>,
    tpu.vector_store %arg13[%swap3A_96], %broadcast_in_dim3A_91 {strides = array<i32>} : memref<768xi32, #tpu.memory_space<vmem>>, vector<16xi32>,
    %swap3A_98 = arith.constant 48 : index
    %swap3A_99 = tpu.vector_load %arg13[%swap3A_98] {strides = array<i32>} : memref<768xi32, #tpu.memory_space<vmem>>, vector<16xi32>,
    tpu.vector_store %arg13[%swap3A_98], %broadcast_in_dim3A_91 {strides = array<i32>} : memref<768xi32, #tpu.memory_space<vmem>>, vector<16xi32>,
    %swap3A_100 = arith.constant 64 : index
    %swap3A_101 = tpu.vector_load %arg13[%swap3A_100] {strides = array<i32>} : memref<768xi32, #tpu.memory_space<vmem>>, vector<16xi32>,
    tpu.vector_store %arg13[%swap3A_100], %broadcast_in_dim3A_91 {strides = array<i32>} : memref<768xi32, #tpu.memory_space<vmem>>, vector<16xi32>,
    %swap3A_102 = arith.constant 80 : index
    %swap3A_103 = tpu.vector_load %arg13[%swap3A_102] {strides = array<i32>} : memref<768xi32, #tpu.memory_space<vmem>>, vector<16xi32>,
    tpu.vector_store %arg13[%swap3A_102], %broadcast_in_dim3A_91 {strides = array<i32>} : memref<768xi32, #tpu.memory_space<vmem>>, vector<16xi32>,
    %swap3A_104 = arith.constant 96 : index
    %swap3A_105 = tpu.vector_load %arg13[%swap3A_104] {strides = array<i32>} : memref<768xi32, #tpu.memory_space<vmem>>, vector<16xi32>,
    tpu.vector_store %arg13[%swap3A_104], %broadcast_in_dim3A_91 {strides = array<i32>} : memref<768xi32, #tpu.memory_space<vmem>>, vector<16xi32>,
    %swap3A_106 = arith.constant 112 : index
    %swap3A_107 = tpu.vector_load %arg13[%swap3A_106] {strides = array<i32>} : memref<768xi32, #tpu.memory_space<vmem>>, vector<16xi32>,
    tpu.vector_store %arg13[%swap3A_106], %broadcast_in_dim3A_91 {strides = array<i32>} : memref<768xi32, #tpu.memory_space<vmem>>, vector<16xi32>,
    %swap3A_108 = arith.constant 128 : index
    %swap3A_109 = tpu.vector_load %arg13[%swap3A_108] {strides = array<i32>} : memref<768xi32, #tpu.memory_space<vmem>>, vector<16xi32>,
    tpu.vector_store %arg13[%swap3A_108], %broadcast_in_dim3A_91 {strides = array<i32>} : memref<768xi32, #tpu.memory_space<vmem>>, vector<16xi32>,
    %swap3A_110 = arith.constant 144 : index
    %swap3A_111 = tpu.vector_load %arg13[%swap3A_110] {strides = array<i32>} : memref<768xi32, #tpu.memory_space<vmem>>, vector<16xi32>,
    tpu.vector_store %arg13[%swap3A_110], %broadcast_in_dim3A_91 {strides = array<i32>} : memref<768xi32, #tpu.memory_space<vmem>>, vector<16xi32>,
    %swap3A_112 = arith.constant 160 : index
    %swap3A_113 = tpu.vector_load %arg13[%swap3A_112] {strides = array<i32>} : memref<768xi32, #tpu.memory_space<vmem>>, vector<16xi32>,
    tpu.vector_store %arg13[%swap3A_112], %broadcast_in_dim3A_91 {strides = array<i32>} : memref<768xi32, #tpu.memory_space<vmem>>, vector<16xi32>,
    %swap3A_114 = arith.constant 176 : index
    %swap3A_115 = tpu.vector_load %arg13[%swap3A_114] {strides = array<i32>} : memref<768xi32, #tpu.memory_space<vmem>>, vector<16xi32>,
    tpu.vector_store %arg13[%swap3A_114], %broadcast_in_dim3A_91 {strides = array<i32>} : memref<768xi32, #tpu.memory_space<vmem>>, vector<16xi32>,
    %swap3A_116 = arith.constant 192 : index
    %swap3A_117 = tpu.vector_load %arg13[%swap3A_116] {strides = array<i32>} : memref<768xi32, #tpu.memory_space<vmem>>, vector<16xi32>,
    tpu.vector_store %arg13[%swap3A_116], %broadcast_in_dim3A_91 {strides = array<i32>} : memref<768xi32, #tpu.memory_space<vmem>>, vector<16xi32>,
    %swap3A_118 = arith.constant 208 : index
    %swap3A_119 = tpu.vector_load %arg13[%swap3A_118] {strides = array<i32>} : memref<768xi32, #tpu.memory_space<vmem>>, vector<16xi32>,
    tpu.vector_store %arg13[%swap3A_118], %broadcast_in_dim3A_91 {strides = array<i32>} : memref<768xi32, #tpu.memory_space<vmem>>, vector<16xi32>,
    %swap3A_120 = arith.constant 224 : index
    %swap3A_121 = tpu.vector_load %arg13[%swap3A_120] {strides = array<i32>} : memref<768xi32, #tpu.memory_space<vmem>>, vector<16xi32>,
    tpu.vector_store %arg13[%swap3A_120], %broadcast_in_dim3A_91 {strides = array<i32>} : memref<768xi32, #tpu.memory_space<vmem>>, vector<16xi32>,
    %swap3A_122 = arith.constant 240 : index
    %swap3A_123 = tpu.vector_load %arg13[%swap3A_122] {strides = array<i32>} : memref<768xi32, #tpu.memory_space<vmem>>, vector<16xi32>,
    tpu.vector_store %arg13[%swap3A_122], %broadcast_in_dim3A_91 {strides = array<i32>} : memref<768xi32, #tpu.memory_space<vmem>>, vector<16xi32>,
    %swap3A_124 = arith.constant 256 : index
    %swap3A_125 = tpu.vector_load %arg13[%swap3A_124] {strides = array<i32>} : memref<768xi32, #tpu.memory_space<vmem>>, vector<16xi32>,
    tpu.vector_store %arg13[%swap3A_124], %broadcast_in_dim3A_91 {strides = array<i32>} : memref<768xi32, #tpu.memory_space<vmem>>, vector<16xi32>,
    %swap3A_126 = arith.constant 272 : index
    %swap3A_127 = tpu.vector_load %arg13[%swap3A_126] {strides = array<i32>} : memref<768xi32, #tpu.memory_space<vmem>>, vector<16xi32>,
    tpu.vector_store %arg13[%swap3A_126], %broadcast_in_dim3A_91 {strides = array<i32>} : memref<768xi32, #tpu.memory_space<vmem>>, vector<16xi32>,
    %swap3A_128 = arith.constant 288 : index
    %swap3A_129 = tpu.vector_load %arg13[%swap3A_128] {strides = array<i32>} : memref<768xi32, #tpu.memory_space<vmem>>, vector<16xi32>,
    tpu.vector_store %arg13[%swap3A_128], %broadcast_in_dim3A_91 {strides = array<i32>} : memref<768xi32, #tpu.memory_space<vmem>>, vector<16xi32>,
    %swap3A_130 = arith.constant 304 : index
    %swap3A_131 = tpu.vector_load %arg13[%swap3A_130] {strides = array<i32>} : memref<768xi32, #tpu.memory_space<vmem>>, vector<16xi32>,
    tpu.vector_store %arg13[%swap3A_130], %broadcast_in_dim3A_91 {strides = array<i32>} : memref<768xi32, #tpu.memory_space<vmem>>, vector<16xi32>,
    %swap3A_132 = arith.constant 320 : index
    %swap3A_133 = tpu.vector_load %arg13[%swap3A_132] {strides = array<i32>} : memref<768xi32, #tpu.memory_space<vmem>>, vector<16xi32>,
    tpu.vector_store %arg13[%swap3A_132], %broadcast_in_dim3A_91 {strides = array<i32>} : memref<768xi32, #tpu.memory_space<vmem>>, vector<16xi32>,
    %swap3A_134 = arith.constant 336 : index
    %swap3A_135 = tpu.vector_load %arg13[%swap3A_134] {strides = array<i32>} : memref<768xi32, #tpu.memory_space<vmem>>, vector<16xi32>,
    tpu.vector_store %arg13[%swap3A_134], %broadcast_in_dim3A_91 {strides = array<i32>} : memref<768xi32, #tpu.memory_space<vmem>>, vector<16xi32>,
    %swap3A_136 = arith.constant 352 : index
    %swap3A_137 = tpu.vector_load %arg13[%swap3A_136] {strides = array<i32>} : memref<768xi32, #tpu.memory_space<vmem>>, vector<16xi32>,
    tpu.vector_store %arg13[%swap3A_136], %broadcast_in_dim3A_91 {strides = array<i32>} : memref<768xi32, #tpu.memory_space<vmem>>, vector<16xi32>,
    %swap3A_138 = arith.constant 368 : index
    %swap3A_139 = tpu.vector_load %arg13[%swap3A_138] {strides = array<i32>} : memref<768xi32, #tpu.memory_space<vmem>>, vector<16xi32>,
    tpu.vector_store %arg13[%swap3A_138], %broadcast_in_dim3A_91 {strides = array<i32>} : memref<768xi32, #tpu.memory_space<vmem>>, vector<16xi32>,
    %swap3A_140 = arith.constant 384 : index
    %swap3A_141 = tpu.vector_load %arg13[%swap3A_140] {strides = array<i32>} : memref<768xi32, #tpu.memory_space<vmem>>, vector<16xi32>,
    tpu.vector_store %arg13[%swap3A_140], %broadcast_in_dim3A_91 {strides = array<i32>} : memref<768xi32, #tpu.memory_space<vmem>>, vector<16xi32>,
    %swap3A_142 = arith.constant 400 : index
    %swap3A_143 = tpu.vector_load %arg13[%swap3A_142] {strides = array<i32>} : memref<768xi32, #tpu.memory_space<vmem>>, vector<16xi32>,
    tpu.vector_store %arg13[%swap3A_142], %broadcast_in_dim3A_91 {strides = array<i32>} : memref<768xi32, #tpu.memory_space<vmem>>, vector<16xi32>,
    %swap3A_144 = arith.constant 416 : index
    %swap3A_145 = tpu.vector_load %arg13[%swap3A_144] {strides = array<i32>} : memref<768xi32, #tpu.memory_space<vmem>>, vector<16xi32>,
    tpu.vector_store %arg13[%swap3A_144], %broadcast_in_dim3A_91 {strides = array<i32>} : memref<768xi32, #tpu.memory_space<vmem>>, vector<16xi32>,
    %swap3A_146 = arith.constant 432 : index
    %swap3A_147 = tpu.vector_load %arg13[%swap3A_146] {strides = array<i32>} : memref<768xi32, #tpu.memory_space<vmem>>, vector<16xi32>,
    tpu.vector_store %arg13[%swap3A_146], %broadcast_in_dim3A_91 {strides = array<i32>} : memref<768xi32, #tpu.memory_space<vmem>>, vector<16xi32>,
    %swap3A_148 = arith.constant 448 : index
    %swap3A_149 = tpu.vector_load %arg13[%swap3A_148] {strides = array<i32>} : memref<768xi32, #tpu.memory_space<vmem>>, vector<16xi32>,
    tpu.vector_store %arg13[%swap3A_148], %broadcast_in_dim3A_91 {strides = array<i32>} : memref<768xi32, #tpu.memory_space<vmem>>, vector<16xi32>,
    %swap3A_150 = arith.constant 464 : index
    %swap3A_151 = tpu.vector_load %arg13[%swap3A_150] {strides = array<i32>} : memref<768xi32, #tpu.memory_space<vmem>>, vector<16xi32>,
    tpu.vector_store %arg13[%swap3A_150], %broadcast_in_dim3A_91 {strides = array<i32>} : memref<768xi32, #tpu.memory_space<vmem>>, vector<16xi32>,
    %swap3A_152 = arith.constant 480 : index
    %swap3A_153 = tpu.vector_load %arg13[%swap3A_152] {strides = array<i32>} : memref<768xi32, #tpu.memory_space<vmem>>, vector<16xi32>,
    tpu.vector_store %arg13[%swap3A_152], %broadcast_in_dim3A_91 {strides = array<i32>} : memref<768xi32, #tpu.memory_space<vmem>>, vector<16xi32>,
    %swap3A_154 = arith.constant 496 : index
    %swap3A_155 = tpu.vector_load %arg13[%swap3A_154] {strides = array<i32>} : memref<768xi32, #tpu.memory_space<vmem>>, vector<16xi32>,
    tpu.vector_store %arg13[%swap3A_154], %broadcast_in_dim3A_91 {strides = array<i32>} : memref<768xi32, #tpu.memory_space<vmem>>, vector<16xi32>,
    %swap3A_156 = arith.constant 512 : index
    %swap3A_157 = tpu.vector_load %arg13[%swap3A_156] {strides = array<i32>} : memref<768xi32, #tpu.memory_space<vmem>>, vector<16xi32>,
    tpu.vector_store %arg13[%swap3A_156], %broadcast_in_dim3A_91 {strides = array<i32>} : memref<768xi32, #tpu.memory_space<vmem>>, vector<16xi32>,
    %swap3A_158 = arith.constant 528 : index
    %swap3A_159 = tpu.vector_load %arg13[%swap3A_158] {strides = array<i32>} : memref<768xi32, #tpu.memory_space<vmem>>, vector<16xi32>,
    tpu.vector_store %arg13[%swap3A_158], %broadcast_in_dim3A_91 {strides = array<i32>} : memref<768xi32, #tpu.memory_space<vmem>>, vector<16xi32>,
    %swap3A_160 = arith.constant 544 : index
    %swap3A_161 = tpu.vector_load %arg13[%swap3A_160] {strides = array<i32>} : memref<768xi32, #tpu.memory_space<vmem>>, vector<16xi32>,
    tpu.vector_store %arg13[%swap3A_160], %broadcast_in_dim3A_91 {strides = array<i32>} : memref<768xi32, #tpu.memory_space<vmem>>, vector<16xi32>,
    %swap3A_162 = arith.constant 560 : index
    %swap3A_163 = tpu.vector_load %arg13[%swap3A_162] {strides = array<i32>} : memref<768xi32, #tpu.memory_space<vmem>>, vector<16xi32>,
    tpu.vector_store %arg13[%swap3A_162], %broadcast_in_dim3A_91 {strides = array<i32>} : memref<768xi32, #tpu.memory_space<vmem>>, vector<16xi32>,
    %swap3A_164 = arith.constant 576 : index
    %swap3A_165 = tpu.vector_load %arg13[%swap3A_164] {strides = array<i32>} : memref<768xi32, #tpu.memory_space<vmem>>, vector<16xi32>,
    tpu.vector_store %arg13[%swap3A_164], %broadcast_in_dim3A_91 {strides = array<i32>} : memref<768xi32, #tpu.memory_space<vmem>>, vector<16xi32>,
    %swap3A_166 = arith.constant 592 : index
    %swap3A_167 = tpu.vector_load %arg13[%swap3A_166] {strides = array<i32>} : memref<768xi32, #tpu.memory_space<vmem>>, vector<16xi32>,
    tpu.vector_store %arg13[%swap3A_166], %broadcast_in_dim3A_91 {strides = array<i32>} : memref<768xi32, #tpu.memory_space<vmem>>, vector<16xi32>,
    %swap3A_168 = arith.constant 608 : index
    %swap3A_169 = tpu.vector_load %arg13[%swap3A_168] {strides = array<i32>} : memref<768xi32, #tpu.memory_space<vmem>>, vector<16xi32>,
    tpu.vector_store %arg13[%swap3A_168], %broadcast_in_dim3A_91 {strides = array<i32>} : memref<768xi32, #tpu.memory_space<vmem>>, vector<16xi32>,
    %swap3A_170 = arith.constant 624 : index
    %swap3A_171 = tpu.vector_load %arg13[%swap3A_170] {strides = array<i32>} : memref<768xi32, #tpu.memory_space<vmem>>, vector<16xi32>,
    tpu.vector_store %arg13[%swap3A_170], %broadcast_in_dim3A_91 {strides = array<i32>} : memref<768xi32, #tpu.memory_space<vmem>>, vector<16xi32>,
    %swap3A_172 = arith.constant 640 : index
    %swap3A_173 = tpu.vector_load %arg13[%swap3A_172] {strides = array<i32>} : memref<768xi32, #tpu.memory_space<vmem>>, vector<16xi32>,
    tpu.vector_store %arg13[%swap3A_172], %broadcast_in_dim3A_91 {strides = array<i32>} : memref<768xi32, #tpu.memory_space<vmem>>, vector<16xi32>,
    %swap3A_174 = arith.constant 656 : index
    %swap3A_175 = tpu.vector_load %arg13[%swap3A_174] {strides = array<i32>} : memref<768xi32, #tpu.memory_space<vmem>>, vector<16xi32>,
    tpu.vector_store %arg13[%swap3A_174], %broadcast_in_dim3A_91 {strides = array<i32>} : memref<768xi32, #tpu.memory_space<vmem>>, vector<16xi32>,
    %swap3A_176 = arith.constant 672 : index
    %swap3A_177 = tpu.vector_load %arg13[%swap3A_176] {strides = array<i32>} : memref<768xi32, #tpu.memory_space<vmem>>, vector<16xi32>,
    tpu.vector_store %arg13[%swap3A_176], %broadcast_in_dim3A_91 {strides = array<i32>} : memref<768xi32, #tpu.memory_space<vmem>>, vector<16xi32>,
    %swap3A_178 = arith.constant 688 : index
    %swap3A_179 = tpu.vector_load %arg13[%swap3A_178] {strides = array<i32>} : memref<768xi32, #tpu.memory_space<vmem>>, vector<16xi32>,
    tpu.vector_store %arg13[%swap3A_178], %broadcast_in_dim3A_91 {strides = array<i32>} : memref<768xi32, #tpu.memory_space<vmem>>, vector<16xi32>,
    %swap3A_180 = arith.constant 704 : index
    %swap3A_181 = tpu.vector_load %arg13[%swap3A_180] {strides = array<i32>} : memref<768xi32, #tpu.memory_space<vmem>>, vector<16xi32>,
    tpu.vector_store %arg13[%swap3A_180], %broadcast_in_dim3A_91 {strides = array<i32>} : memref<768xi32, #tpu.memory_space<vmem>>, vector<16xi32>,
    %swap3A_182 = arith.constant 720 : index
    %swap3A_183 = tpu.vector_load %arg13[%swap3A_182] {strides = array<i32>} : memref<768xi32, #tpu.memory_space<vmem>>, vector<16xi32>,
    tpu.vector_store %arg13[%swap3A_182], %broadcast_in_dim3A_91 {strides = array<i32>} : memref<768xi32, #tpu.memory_space<vmem>>, vector<16xi32>,
    %swap3A_184 = arith.constant 736 : index
    %swap3A_185 = tpu.vector_load %arg13[%swap3A_184] {strides = array<i32>} : memref<768xi32, #tpu.memory_space<vmem>>, vector<16xi32>,
    tpu.vector_store %arg13[%swap3A_184], %broadcast_in_dim3A_91 {strides = array<i32>} : memref<768xi32, #tpu.memory_space<vmem>>, vector<16xi32>,
    %swap3A_186 = arith.constant 752 : index
    %swap3A_187 = tpu.vector_load %arg13[%swap3A_186] {strides = array<i32>} : memref<768xi32, #tpu.memory_space<vmem>>, vector<16xi32>,
    tpu.vector_store %arg13[%swap3A_186], %broadcast_in_dim3A_91 {strides = array<i32>} : memref<768xi32, #tpu.memory_space<vmem>>, vector<16xi32>,
    %broadcast_in_dim3A_188 = arith.constant 0 : i32
    %broadcast_in_dim3A_189 = vector.broadcast %broadcast_in_dim3A_188 : i32 to vector<16xi32>
    %eq3A = arith.constant 0 : i32
    %eq3A_190 = vector.broadcast %eq3A : i32 to vector<16xi32>
    %eq3A_191 = arith.cmpi eq, %iota3A, %eq3A_190 : vector<16xi32>
    %select_n3A = arith.select %eq3A_191, %broadcast_in_dim3A_189, %broadcast_in_dim3A_91 : vector<16xi1>, vector<16xi32>
    %swap3A_192 = arith.constant 0 : index
    %swap3A_193 = tpu.vector_load %arg13[%swap3A_192] {strides = array<i32>} : memref<768xi32, #tpu.memory_space<vmem>>, vector<16xi32>,
    tpu.vector_store %arg13[%swap3A_192], %select_n3A {strides = array<i32>} : memref<768xi32, #tpu.memory_space<vmem>>, vector<16xi32>,
    %broadcast_in_dim3A_194 = arith.constant 0 : i32
    %broadcast_in_dim3A_195 = vector.broadcast %broadcast_in_dim3A_194 : i32 to vector<16xi32>
    %scan3A = arith.constant 0 : i32
    %scan3A_196 = arith.constant 32 : i32
    %scan3A_197 = arith.addi %scan3A, %scan3A_196 : i32
    %scan3A_198 = arith.constant 1 : i32
    %scan3A_199 = scf.for %scan3A_710 = %scan3A to %scan3A_197 step %scan3A_198 iter_args(%scan3A_711 = %broadcast_in_dim3A_195) -> (vector<16xi32>)  : i32 {
      %mul3A_712 = arith.constant 16 : i32
      %mul3A_713 = arith.muli %scan3A_710, %mul3A_712 : i32
      %add3A_714 = arith.constant 16 : i32
      %add3A_715 = arith.addi %add3A_714, %mul3A_713 : i32
      %get3A_716 = arith.index_cast %add3A_715 : i32 to index
      %get3A_717 = tpu.vector_load %arg11[%get3A_716] {strides = array<i32>} : memref<768xi32, #tpu.memory_space<vmem>>, vector<16xi32>,
      %mul3A_718 = arith.constant 16 : i32
      %mul3A_719 = arith.muli %scan3A_710, %mul3A_718 : i32
      %add3A_720 = arith.constant 15 : i32
      %add3A_721 = arith.addi %add3A_720, %mul3A_719 : i32
      %get3A_722 = arith.index_cast %add3A_721 : i32 to index
      %get3A_723 = tpu.vector_load %arg11[%get3A_722] {strides = array<i32>} : memref<768xi32, #tpu.memory_space<vmem>>, vector<16xi32>,
      %ne3A = arith.cmpi ne, %get3A_717, %get3A_723 : vector<16xi32>
      %convert_element_type3A = arith.extui %ne3A : vector<16xi1> to vector<16xi32>
      %broadcast_in_dim3A_724 = arith.constant true
      %broadcast_in_dim3A_725 = vector.broadcast %broadcast_in_dim3A_724 : i1 to vector<16xi1>
      %masked_cumsum3A = tpu.scan <sum>, %convert_element_type3A masked %broadcast_in_dim3A_725 : vector<16xi32>, vector<16xi1> -> vector<16xi32>
      %add3A_726 = arith.addi %scan3A_711, %masked_cumsum3A : vector<16xi32>
      %mul3A_727 = arith.constant 16 : i32
      %mul3A_728 = arith.muli %scan3A_710, %mul3A_727 : i32
      %swap3A_729 = arith.index_cast %mul3A_728 : i32 to index
      %swap3A_730 = tpu.vector_load %arg12[%swap3A_729] {strides = array<i32>} : memref<512xi32, #tpu.memory_space<vmem>>, vector<16xi32>,
      tpu.vector_store %arg12[%swap3A_729], %add3A_726 {strides = array<i32>} : memref<512xi32, #tpu.memory_space<vmem>>, vector<16xi32>,
      tpu.vector_store_idx %arg14[%add3A_726], %get3A_717 : memref<512xi32, #tpu.memory_space<vmem>>[vector<16xi32>], vector<16xi32>,
      %mul3A_731 = arith.constant 16 : i32
      %mul3A_732 = arith.muli %scan3A_710, %mul3A_731 : i32
      %add3A_733 = vector.broadcast %mul3A_732 : i32 to vector<16xi32>
      %add3A_734 = arith.addi %add3A_733, %iota3A : vector<16xi32>
      tpu.vector_store_idx %arg13[%add3A_726], %add3A_734 masked %ne3A : memref<768xi32, #tpu.memory_space<vmem>>[vector<16xi32>], vector<16xi32>, vector<16xi1>
      %lt3A = arith.constant 0 : i32
      %lt3A_735 = vector.broadcast %lt3A : i32 to vector<16xi32>
      %lt3A_736 = arith.cmpi slt, %broadcast_in_dim3A_89, %lt3A_735 : vector<16xi32>
      %add3A_737 = arith.constant 16 : i32
      %add3A_738 = vector.broadcast %add3A_737 : i32 to vector<16xi32>
      %add3A_739 = arith.addi %broadcast_in_dim3A_89, %add3A_738 : vector<16xi32>
      %select_n3A_740 = arith.select %lt3A_736, %add3A_739, %broadcast_in_dim3A_89 : vector<16xi1>, vector<16xi32>
      %reshape3A = vector.shape_cast %select_n3A_740 : vector<16xi32> to vector<16x1xi32>
      %gather3A = vector.shape_cast %reshape3A : vector<16x1xi32> to vector<16xi32>
      %gather3A_741 = tpu.dynamic_gather %add3A_726[%gather3A] in [0] : vector<16xi32>, vector<16xi32> -> vector<16xi32>
      scf.yield %gather3A_741 : vector<16xi32>
    }
    %scan3A_200 = arith.constant 32 : i32
    %reduce_max3A = arith.constant true
    %reduce_max3A_201 = vector.broadcast %reduce_max3A : i1 to vector<16xi1>
    %reduce_max3A_202 = arith.constant -2147483648 : i32
    %reduce_max3A_203 = vector.broadcast %reduce_max3A_202 : i32 to vector<16xi32>
    %reduce_max3A_204 = arith.xori %scan3A_199, %reduce_max3A_203 : vector<16xi32>
    %reduce_max3A_205 = tpu.scan <max>, %reduce_max3A_204 masked %reduce_max3A_201 : vector<16xi32>, vector<16xi1> -> vector<16xi32>
    %reduce_max3A_206 = arith.xori %reduce_max3A_205, %reduce_max3A_203 : vector<16xi32>
    %reduce_max3A_207 = vector.extract %reduce_max3A_206[15] : i32 from vector<16xi32>
    %add3A_208 = arith.constant 1 : i32
    %add3A_209 = arith.addi %reduce_max3A_207, %add3A_208 : i32
    %broadcast_in_dim3A_210 = arith.constant 0.000000e+00 : f32
    %broadcast_in_dim3A_211 = vector.broadcast %broadcast_in_dim3A_210 : f32 to vector<16xf32>
    %while3A = arith.constant 0 : i32
    %while3A_212 = arith.constant 0 : i32
    %while3A_213 = arith.subi %add3A_209, %while3A_212 : i32
    %while3A_214 = arith.addi %while3A_212, %while3A_213 : i32
    %while3A_215 = arith.constant 1 : i32
    %while3A_216 = arith.divsi %while3A_213, %while3A_215 : i32
    %while3A_217 = arith.muli %while3A_216, %while3A_215 : i32
    %while3A_218 = arith.addi %while3A_212, %while3A_217 : i32
    %while3A_219 = arith.constant 1 : i32
    scf.for %while3A_710 = %while3A_212 to %while3A_218 step %while3A_219  : i32 {
      %swap3A_711 = arith.index_cast %while3A_710 : i32 to index
      %swap3A_712 = arith.constant 0 : index
      %swap3A_713 = tpu.vector_load %arg16[%swap3A_711, %swap3A_712] {strides = array<i32>} : memref<512x128xf32, #tpu.memory_space<vmem>>, vector<16xf32>,
      tpu.vector_store %arg16[%swap3A_711, %swap3A_712], %broadcast_in_dim3A_211 {strides = array<i32>} : memref<512x128xf32, #tpu.memory_space<vmem>>, vector<16xf32>,
      %swap3A_714 = arith.index_cast %while3A_710 : i32 to index
      %swap3A_715 = arith.constant 16 : index
      %swap3A_716 = tpu.vector_load %arg16[%swap3A_714, %swap3A_715] {strides = array<i32>} : memref<512x128xf32, #tpu.memory_space<vmem>>, vector<16xf32>,
      tpu.vector_store %arg16[%swap3A_714, %swap3A_715], %broadcast_in_dim3A_211 {strides = array<i32>} : memref<512x128xf32, #tpu.memory_space<vmem>>, vector<16xf32>,
      %swap3A_717 = arith.index_cast %while3A_710 : i32 to index
      %swap3A_718 = arith.constant 32 : index
      %swap3A_719 = tpu.vector_load %arg16[%swap3A_717, %swap3A_718] {strides = array<i32>} : memref<512x128xf32, #tpu.memory_space<vmem>>, vector<16xf32>,
      tpu.vector_store %arg16[%swap3A_717, %swap3A_718], %broadcast_in_dim3A_211 {strides = array<i32>} : memref<512x128xf32, #tpu.memory_space<vmem>>, vector<16xf32>,
      %swap3A_720 = arith.index_cast %while3A_710 : i32 to index
      %swap3A_721 = arith.constant 48 : index
      %swap3A_722 = tpu.vector_load %arg16[%swap3A_720, %swap3A_721] {strides = array<i32>} : memref<512x128xf32, #tpu.memory_space<vmem>>, vector<16xf32>,
      tpu.vector_store %arg16[%swap3A_720, %swap3A_721], %broadcast_in_dim3A_211 {strides = array<i32>} : memref<512x128xf32, #tpu.memory_space<vmem>>, vector<16xf32>,
      %swap3A_723 = arith.index_cast %while3A_710 : i32 to index
      %swap3A_724 = arith.constant 64 : index
      %swap3A_725 = tpu.vector_load %arg16[%swap3A_723, %swap3A_724] {strides = array<i32>} : memref<512x128xf32, #tpu.memory_space<vmem>>, vector<16xf32>,
      tpu.vector_store %arg16[%swap3A_723, %swap3A_724], %broadcast_in_dim3A_211 {strides = array<i32>} : memref<512x128xf32, #tpu.memory_space<vmem>>, vector<16xf32>,
      %swap3A_726 = arith.index_cast %while3A_710 : i32 to index
      %swap3A_727 = arith.constant 80 : index
      %swap3A_728 = tpu.vector_load %arg16[%swap3A_726, %swap3A_727] {strides = array<i32>} : memref<512x128xf32, #tpu.memory_space<vmem>>, vector<16xf32>,
      tpu.vector_store %arg16[%swap3A_726, %swap3A_727], %broadcast_in_dim3A_211 {strides = array<i32>} : memref<512x128xf32, #tpu.memory_space<vmem>>, vector<16xf32>,
      %swap3A_729 = arith.index_cast %while3A_710 : i32 to index
      %swap3A_730 = arith.constant 96 : index
      %swap3A_731 = tpu.vector_load %arg16[%swap3A_729, %swap3A_730] {strides = array<i32>} : memref<512x128xf32, #tpu.memory_space<vmem>>, vector<16xf32>,
      tpu.vector_store %arg16[%swap3A_729, %swap3A_730], %broadcast_in_dim3A_211 {strides = array<i32>} : memref<512x128xf32, #tpu.memory_space<vmem>>, vector<16xf32>,
      %swap3A_732 = arith.index_cast %while3A_710 : i32 to index
      %swap3A_733 = arith.constant 112 : index
      %swap3A_734 = tpu.vector_load %arg16[%swap3A_732, %swap3A_733] {strides = array<i32>} : memref<512x128xf32, #tpu.memory_space<vmem>>, vector<16xf32>,
      tpu.vector_store %arg16[%swap3A_732, %swap3A_733], %broadcast_in_dim3A_211 {strides = array<i32>} : memref<512x128xf32, #tpu.memory_space<vmem>>, vector<16xf32>,
      %swap3A_735 = arith.index_cast %while3A_710 : i32 to index
      %swap3A_736 = arith.constant 0 : index
      %swap3A_737 = tpu.vector_load %arg17[%swap3A_735, %swap3A_736] {strides = array<i32>} : memref<512x16xf32, #tpu.memory_space<vmem>>, vector<16xf32>,
      tpu.vector_store %arg17[%swap3A_735, %swap3A_736], %broadcast_in_dim3A_211 {strides = array<i32>} : memref<512x16xf32, #tpu.memory_space<vmem>>, vector<16xf32>,
    }
    %while3A_220 = arith.constant 1 : i32
    scf.for %while3A_710 = %while3A_218 to %while3A_214 step %while3A_220  : i32 {
      %swap3A_711 = arith.index_cast %while3A_710 : i32 to index
      %swap3A_712 = arith.constant 0 : index
      %swap3A_713 = tpu.vector_load %arg16[%swap3A_711, %swap3A_712] {strides = array<i32>} : memref<512x128xf32, #tpu.memory_space<vmem>>, vector<16xf32>,
      tpu.vector_store %arg16[%swap3A_711, %swap3A_712], %broadcast_in_dim3A_211 {strides = array<i32>} : memref<512x128xf32, #tpu.memory_space<vmem>>, vector<16xf32>,
      %swap3A_714 = arith.index_cast %while3A_710 : i32 to index
      %swap3A_715 = arith.constant 16 : index
      %swap3A_716 = tpu.vector_load %arg16[%swap3A_714, %swap3A_715] {strides = array<i32>} : memref<512x128xf32, #tpu.memory_space<vmem>>, vector<16xf32>,
      tpu.vector_store %arg16[%swap3A_714, %swap3A_715], %broadcast_in_dim3A_211 {strides = array<i32>} : memref<512x128xf32, #tpu.memory_space<vmem>>, vector<16xf32>,
      %swap3A_717 = arith.index_cast %while3A_710 : i32 to index
      %swap3A_718 = arith.constant 32 : index
      %swap3A_719 = tpu.vector_load %arg16[%swap3A_717, %swap3A_718] {strides = array<i32>} : memref<512x128xf32, #tpu.memory_space<vmem>>, vector<16xf32>,
      tpu.vector_store %arg16[%swap3A_717, %swap3A_718], %broadcast_in_dim3A_211 {strides = array<i32>} : memref<512x128xf32, #tpu.memory_space<vmem>>, vector<16xf32>,
      %swap3A_720 = arith.index_cast %while3A_710 : i32 to index
      %swap3A_721 = arith.constant 48 : index
      %swap3A_722 = tpu.vector_load %arg16[%swap3A_720, %swap3A_721] {strides = array<i32>} : memref<512x128xf32, #tpu.memory_space<vmem>>, vector<16xf32>,
      tpu.vector_store %arg16[%swap3A_720, %swap3A_721], %broadcast_in_dim3A_211 {strides = array<i32>} : memref<512x128xf32, #tpu.memory_space<vmem>>, vector<16xf32>,
      %swap3A_723 = arith.index_cast %while3A_710 : i32 to index
      %swap3A_724 = arith.constant 64 : index
      %swap3A_725 = tpu.vector_load %arg16[%swap3A_723, %swap3A_724] {strides = array<i32>} : memref<512x128xf32, #tpu.memory_space<vmem>>, vector<16xf32>,
      tpu.vector_store %arg16[%swap3A_723, %swap3A_724], %broadcast_in_dim3A_211 {strides = array<i32>} : memref<512x128xf32, #tpu.memory_space<vmem>>, vector<16xf32>,
      %swap3A_726 = arith.index_cast %while3A_710 : i32 to index
      %swap3A_727 = arith.constant 80 : index
      %swap3A_728 = tpu.vector_load %arg16[%swap3A_726, %swap3A_727] {strides = array<i32>} : memref<512x128xf32, #tpu.memory_space<vmem>>, vector<16xf32>,
      tpu.vector_store %arg16[%swap3A_726, %swap3A_727], %broadcast_in_dim3A_211 {strides = array<i32>} : memref<512x128xf32, #tpu.memory_space<vmem>>, vector<16xf32>,
      %swap3A_729 = arith.index_cast %while3A_710 : i32 to index
      %swap3A_730 = arith.constant 96 : index
      %swap3A_731 = tpu.vector_load %arg16[%swap3A_729, %swap3A_730] {strides = array<i32>} : memref<512x128xf32, #tpu.memory_space<vmem>>, vector<16xf32>,
      tpu.vector_store %arg16[%swap3A_729, %swap3A_730], %broadcast_in_dim3A_211 {strides = array<i32>} : memref<512x128xf32, #tpu.memory_space<vmem>>, vector<16xf32>,
      %swap3A_732 = arith.index_cast %while3A_710 : i32 to index
      %swap3A_733 = arith.constant 112 : index
      %swap3A_734 = tpu.vector_load %arg16[%swap3A_732, %swap3A_733] {strides = array<i32>} : memref<512x128xf32, #tpu.memory_space<vmem>>, vector<16xf32>,
      tpu.vector_store %arg16[%swap3A_732, %swap3A_733], %broadcast_in_dim3A_211 {strides = array<i32>} : memref<512x128xf32, #tpu.memory_space<vmem>>, vector<16xf32>,
      %swap3A_735 = arith.index_cast %while3A_710 : i32 to index
      %swap3A_736 = arith.constant 0 : index
      %swap3A_737 = tpu.vector_load %arg17[%swap3A_735, %swap3A_736] {strides = array<i32>} : memref<512x16xf32, #tpu.memory_space<vmem>>, vector<16xf32>,
      tpu.vector_store %arg17[%swap3A_735, %swap3A_736], %broadcast_in_dim3A_211 {strides = array<i32>} : memref<512x16xf32, #tpu.memory_space<vmem>>, vector<16xf32>,
    }
    %broadcast_in_dim3A_221 = arith.constant 0.000000e+00 : f32
    %broadcast_in_dim3A_222 = vector.broadcast %broadcast_in_dim3A_221 : f32 to vector<16xf32>
    %dma_wait3A = arith.constant 0 : i32
    %dma_wait3A_223 = tpu.memref_slice %arg2[%mul3A_2, %dma_wait3A] : memref<16384x128xf32, #tpu.memory_space<hbm>> -> memref<128x128xf32, #tpu.memory_space<hbm>>
    %dma_wait3A_224 = arith.constant 0 : i32
    %dma_wait3A_225 = tpu.memref_slice %arg2[%mul3A_2, %dma_wait3A_224] : memref<16384x128xf32, #tpu.memory_space<hbm>> -> memref<128x128xf32, #tpu.memory_space<hbm>>
    tpu.wait_dma2 semaphore(%arg20 : memref<!tpu.dma_semaphore, #tpu.memory_space<semaphore_mem>>) src(%dma_wait3A_225 : memref<128x128xf32, #tpu.memory_space<hbm>>) dst(%arg8 : memref<128x128xf32, #tpu.memory_space<vmem>>)
    %get3A_226 = arith.constant 0 : index
    %get3A_227 = tpu.vector_load %arg12[%get3A_226] {strides = array<i32>} : memref<512xi32, #tpu.memory_space<vmem>>, vector<16xi32>,
    %reduce_min3A_228 = arith.constant true
    %reduce_min3A_229 = vector.broadcast %reduce_min3A_228 : i1 to vector<16xi1>
    %reduce_min3A_230 = arith.constant -2147483648 : i32
    %reduce_min3A_231 = vector.broadcast %reduce_min3A_230 : i32 to vector<16xi32>
    %reduce_min3A_232 = arith.xori %get3A_227, %reduce_min3A_231 : vector<16xi32>
    %reduce_min3A_233 = tpu.scan <min>, %reduce_min3A_232 masked %reduce_min3A_229 : vector<16xi32>, vector<16xi1> -> vector<16xi32>
    %reduce_min3A_234 = arith.xori %reduce_min3A_233, %reduce_min3A_231 : vector<16xi32>
    %reduce_min3A_235 = vector.extract %reduce_min3A_234[15] : i32 from vector<16xi32>
    %get3A_236 = arith.constant 112 : index
    %get3A_237 = tpu.vector_load %arg12[%get3A_236] {strides = array<i32>} : memref<512xi32, #tpu.memory_space<vmem>>, vector<16xi32>,
    %reduce_max3A_238 = arith.constant true
    %reduce_max3A_239 = vector.broadcast %reduce_max3A_238 : i1 to vector<16xi1>
    %reduce_max3A_240 = arith.constant -2147483648 : i32
    %reduce_max3A_241 = vector.broadcast %reduce_max3A_240 : i32 to vector<16xi32>
    %reduce_max3A_242 = arith.xori %get3A_237, %reduce_max3A_241 : vector<16xi32>
    %reduce_max3A_243 = tpu.scan <max>, %reduce_max3A_242 masked %reduce_max3A_239 : vector<16xi32>, vector<16xi1> -> vector<16xi32>
    %reduce_max3A_244 = arith.xori %reduce_max3A_243, %reduce_max3A_241 : vector<16xi32>
    %reduce_max3A_245 = vector.extract %reduce_max3A_244[15] : i32 from vector<16xi32>
    %add3A_246 = arith.constant 1 : i32
    %add3A_247 = arith.addi %reduce_max3A_245, %add3A_246 : i32
    %while3A_248 = arith.constant 0 : i32
    %while3A_249 = arith.subi %add3A_247, %reduce_min3A_235 : i32
    %while3A_250 = arith.addi %reduce_min3A_235, %while3A_249 : i32
    %while3A_251 = arith.constant 1 : i32
    %while3A_252 = arith.divsi %while3A_249, %while3A_251 : i32
    %while3A_253 = arith.muli %while3A_252, %while3A_251 : i32
    %while3A_254 = arith.addi %reduce_min3A_235, %while3A_253 : i32
    %while3A_255 = arith.constant 1 : i32
    scf.for %while3A_710 = %reduce_min3A_235 to %while3A_254 step %while3A_255  : i32 {
      %get3A_711 = arith.index_cast %while3A_710 : i32 to index
      %get3A_712 = tpu.vector_load %arg13[%get3A_711] {strides = array<i32>} : memref<768xi32, #tpu.memory_space<vmem>>, vector<16xi32>,
      %reduce_min3A_713 = arith.constant true
      %reduce_min3A_714 = vector.broadcast %reduce_min3A_713 : i1 to vector<16xi1>
      %reduce_min3A_715 = arith.constant -2147483648 : i32
      %reduce_min3A_716 = vector.broadcast %reduce_min3A_715 : i32 to vector<16xi32>
      %reduce_min3A_717 = arith.xori %get3A_712, %reduce_min3A_716 : vector<16xi32>
      %reduce_min3A_718 = tpu.scan <min>, %reduce_min3A_717 masked %reduce_min3A_714 : vector<16xi32>, vector<16xi1> -> vector<16xi32>
      %reduce_min3A_719 = arith.xori %reduce_min3A_718, %reduce_min3A_716 : vector<16xi32>
      %reduce_min3A_720 = vector.extract %reduce_min3A_719[15] : i32 from vector<16xi32>
      %max3A = arith.constant 0 : i32
      %max3A_721 = arith.maxsi %reduce_min3A_720, %max3A : i32
      %add3A_722 = arith.constant 1 : i32
      %add3A_723 = arith.addi %while3A_710, %add3A_722 : i32
      %get3A_724 = arith.index_cast %add3A_723 : i32 to index
      %get3A_725 = tpu.vector_load %arg13[%get3A_724] {strides = array<i32>} : memref<768xi32, #tpu.memory_space<vmem>>, vector<16xi32>,
      %reduce_min3A_726 = arith.constant true
      %reduce_min3A_727 = vector.broadcast %reduce_min3A_726 : i1 to vector<16xi1>
      %reduce_min3A_728 = arith.constant -2147483648 : i32
      %reduce_min3A_729 = vector.broadcast %reduce_min3A_728 : i32 to vector<16xi32>
      %reduce_min3A_730 = arith.xori %get3A_725, %reduce_min3A_729 : vector<16xi32>
      %reduce_min3A_731 = tpu.scan <min>, %reduce_min3A_730 masked %reduce_min3A_727 : vector<16xi32>, vector<16xi1> -> vector<16xi32>
      %reduce_min3A_732 = arith.xori %reduce_min3A_731, %reduce_min3A_729 : vector<16xi32>
      %reduce_min3A_733 = vector.extract %reduce_min3A_732[15] : i32 from vector<16xi32>
      %min3A = arith.constant 128 : i32
      %min3A_734 = arith.minsi %reduce_min3A_733, %min3A : i32
      %parallel_loop3A = arith.constant 1 : i32
      %parallel_loop3A_735:9 = scf.for %parallel_loop3A_799 = %max3A_721 to %min3A_734 step %parallel_loop3A iter_args(%parallel_loop3A_800 = %broadcast_in_dim3A_222, %parallel_loop3A_801 = %broadcast_in_dim3A_222, %parallel_loop3A_802 = %broadcast_in_dim3A_222, %parallel_loop3A_803 = %broadcast_in_dim3A_222, %parallel_loop3A_804 = %broadcast_in_dim3A_222, %parallel_loop3A_805 = %broadcast_in_dim3A_222, %parallel_loop3A_806 = %broadcast_in_dim3A_222, %parallel_loop3A_807 = %broadcast_in_dim3A_222, %parallel_loop3A_808 = %broadcast_in_dim3A_222) -> (vector<16xf32>, vector<16xf32>, vector<16xf32>, vector<16xf32>, vector<16xf32>, vector<16xf32>, vector<16xf32>, vector<16xf32>, vector<16xf32>)  : i32 {
        %parallel_loop3A_809 = arith.index_cast %parallel_loop3A_799 : i32 to index
        %parallel_loop3A_810 = arith.constant 0 : index
        %parallel_loop3A_811 = tpu.vector_load %arg10[%parallel_loop3A_809, %parallel_loop3A_810] {strides = array<i32>} : memref<512x16xf32, #tpu.memory_space<vmem>>, vector<16xf32>,
        %parallel_loop3A_812 = arith.constant 0 : i32
        %parallel_loop3A_813 = arith.subi %parallel_loop3A_799, %parallel_loop3A_812 : i32
        %parallel_loop3A_814 = arith.index_cast %parallel_loop3A_813 : i32 to index
        %parallel_loop3A_815 = arith.constant 0 : index
        %parallel_loop3A_816 = tpu.vector_load %arg8[%parallel_loop3A_814, %parallel_loop3A_815] {strides = array<i32>} : memref<128x128xf32, #tpu.memory_space<vmem>>, vector<16xf32>,
        %parallel_loop3A_817 = arith.mulf %parallel_loop3A_816, %parallel_loop3A_811 : vector<16xf32>
        %parallel_loop3A_818 = arith.addf %parallel_loop3A_800, %parallel_loop3A_817 : vector<16xf32>
        %parallel_loop3A_819 = arith.constant 0 : i32
        %parallel_loop3A_820 = arith.subi %parallel_loop3A_799, %parallel_loop3A_819 : i32
        %parallel_loop3A_821 = arith.index_cast %parallel_loop3A_820 : i32 to index
        %parallel_loop3A_822 = arith.constant 16 : index
        %parallel_loop3A_823 = tpu.vector_load %arg8[%parallel_loop3A_821, %parallel_loop3A_822] {strides = array<i32>} : memref<128x128xf32, #tpu.memory_space<vmem>>, vector<16xf32>,
        %parallel_loop3A_824 = arith.mulf %parallel_loop3A_823, %parallel_loop3A_811 : vector<16xf32>
        %parallel_loop3A_825 = arith.addf %parallel_loop3A_801, %parallel_loop3A_824 : vector<16xf32>
        %parallel_loop3A_826 = arith.constant 0 : i32
        %parallel_loop3A_827 = arith.subi %parallel_loop3A_799, %parallel_loop3A_826 : i32
        %parallel_loop3A_828 = arith.index_cast %parallel_loop3A_827 : i32 to index
        %parallel_loop3A_829 = arith.constant 32 : index
        %parallel_loop3A_830 = tpu.vector_load %arg8[%parallel_loop3A_828, %parallel_loop3A_829] {strides = array<i32>} : memref<128x128xf32, #tpu.memory_space<vmem>>, vector<16xf32>,
        %parallel_loop3A_831 = arith.mulf %parallel_loop3A_830, %parallel_loop3A_811 : vector<16xf32>
        %parallel_loop3A_832 = arith.addf %parallel_loop3A_802, %parallel_loop3A_831 : vector<16xf32>
        %parallel_loop3A_833 = arith.constant 0 : i32
        %parallel_loop3A_834 = arith.subi %parallel_loop3A_799, %parallel_loop3A_833 : i32
        %parallel_loop3A_835 = arith.index_cast %parallel_loop3A_834 : i32 to index
        %parallel_loop3A_836 = arith.constant 48 : index
        %parallel_loop3A_837 = tpu.vector_load %arg8[%parallel_loop3A_835, %parallel_loop3A_836] {strides = array<i32>} : memref<128x128xf32, #tpu.memory_space<vmem>>, vector<16xf32>,
        %parallel_loop3A_838 = arith.mulf %parallel_loop3A_837, %parallel_loop3A_811 : vector<16xf32>
        %parallel_loop3A_839 = arith.addf %parallel_loop3A_803, %parallel_loop3A_838 : vector<16xf32>
        %parallel_loop3A_840 = arith.constant 0 : i32
        %parallel_loop3A_841 = arith.subi %parallel_loop3A_799, %parallel_loop3A_840 : i32
        %parallel_loop3A_842 = arith.index_cast %parallel_loop3A_841 : i32 to index
        %parallel_loop3A_843 = arith.constant 64 : index
        %parallel_loop3A_844 = tpu.vector_load %arg8[%parallel_loop3A_842, %parallel_loop3A_843] {strides = array<i32>} : memref<128x128xf32, #tpu.memory_space<vmem>>, vector<16xf32>,
        %parallel_loop3A_845 = arith.mulf %parallel_loop3A_844, %parallel_loop3A_811 : vector<16xf32>
        %parallel_loop3A_846 = arith.addf %parallel_loop3A_804, %parallel_loop3A_845 : vector<16xf32>
        %parallel_loop3A_847 = arith.constant 0 : i32
        %parallel_loop3A_848 = arith.subi %parallel_loop3A_799, %parallel_loop3A_847 : i32
        %parallel_loop3A_849 = arith.index_cast %parallel_loop3A_848 : i32 to index
        %parallel_loop3A_850 = arith.constant 80 : index
        %parallel_loop3A_851 = tpu.vector_load %arg8[%parallel_loop3A_849, %parallel_loop3A_850] {strides = array<i32>} : memref<128x128xf32, #tpu.memory_space<vmem>>, vector<16xf32>,
        %parallel_loop3A_852 = arith.mulf %parallel_loop3A_851, %parallel_loop3A_811 : vector<16xf32>
        %parallel_loop3A_853 = arith.addf %parallel_loop3A_805, %parallel_loop3A_852 : vector<16xf32>
        %parallel_loop3A_854 = arith.constant 0 : i32
        %parallel_loop3A_855 = arith.subi %parallel_loop3A_799, %parallel_loop3A_854 : i32
        %parallel_loop3A_856 = arith.index_cast %parallel_loop3A_855 : i32 to index
        %parallel_loop3A_857 = arith.constant 96 : index
        %parallel_loop3A_858 = tpu.vector_load %arg8[%parallel_loop3A_856, %parallel_loop3A_857] {strides = array<i32>} : memref<128x128xf32, #tpu.memory_space<vmem>>, vector<16xf32>,
        %parallel_loop3A_859 = arith.mulf %parallel_loop3A_858, %parallel_loop3A_811 : vector<16xf32>
        %parallel_loop3A_860 = arith.addf %parallel_loop3A_806, %parallel_loop3A_859 : vector<16xf32>
        %parallel_loop3A_861 = arith.constant 0 : i32
        %parallel_loop3A_862 = arith.subi %parallel_loop3A_799, %parallel_loop3A_861 : i32
        %parallel_loop3A_863 = arith.index_cast %parallel_loop3A_862 : i32 to index
        %parallel_loop3A_864 = arith.constant 112 : index
        %parallel_loop3A_865 = tpu.vector_load %arg8[%parallel_loop3A_863, %parallel_loop3A_864] {strides = array<i32>} : memref<128x128xf32, #tpu.memory_space<vmem>>, vector<16xf32>,
        %parallel_loop3A_866 = arith.mulf %parallel_loop3A_865, %parallel_loop3A_811 : vector<16xf32>
        %parallel_loop3A_867 = arith.addf %parallel_loop3A_807, %parallel_loop3A_866 : vector<16xf32>
        %parallel_loop3A_868 = arith.addf %parallel_loop3A_808, %parallel_loop3A_811 : vector<16xf32>
        scf.yield %parallel_loop3A_818, %parallel_loop3A_825, %parallel_loop3A_832, %parallel_loop3A_839, %parallel_loop3A_846, %parallel_loop3A_853, %parallel_loop3A_860, %parallel_loop3A_867, %parallel_loop3A_868 : vector<16xf32>, vector<16xf32>, vector<16xf32>, vector<16xf32>, vector<16xf32>, vector<16xf32>, vector<16xf32>, vector<16xf32>, vector<16xf32>
      } {sc.loop_unroll_factor = 2 : i64, sc.parallel_access}
      %get3A_736 = arith.index_cast %while3A_710 : i32 to index
      %get3A_737 = arith.constant 0 : index
      %get3A_738 = tpu.vector_load %arg16[%get3A_736, %get3A_737] {strides = array<i32>} : memref<512x128xf32, #tpu.memory_space<vmem>>, vector<16xf32>,
      %add3A_739 = arith.addf %get3A_738, %parallel_loop3A_735#0 : vector<16xf32>
      %swap3A_740 = arith.index_cast %while3A_710 : i32 to index
      %swap3A_741 = arith.constant 0 : index
      %swap3A_742 = tpu.vector_load %arg16[%swap3A_740, %swap3A_741] {strides = array<i32>} : memref<512x128xf32, #tpu.memory_space<vmem>>, vector<16xf32>,
      tpu.vector_store %arg16[%swap3A_740, %swap3A_741], %add3A_739 {strides = array<i32>} : memref<512x128xf32, #tpu.memory_space<vmem>>, vector<16xf32>,
      %get3A_743 = arith.index_cast %while3A_710 : i32 to index
      %get3A_744 = arith.constant 16 : index
      %get3A_745 = tpu.vector_load %arg16[%get3A_743, %get3A_744] {strides = array<i32>} : memref<512x128xf32, #tpu.memory_space<vmem>>, vector<16xf32>,
      %add3A_746 = arith.addf %get3A_745, %parallel_loop3A_735#1 : vector<16xf32>
      %swap3A_747 = arith.index_cast %while3A_710 : i32 to index
      %swap3A_748 = arith.constant 16 : index
      %swap3A_749 = tpu.vector_load %arg16[%swap3A_747, %swap3A_748] {strides = array<i32>} : memref<512x128xf32, #tpu.memory_space<vmem>>, vector<16xf32>,
      tpu.vector_store %arg16[%swap3A_747, %swap3A_748], %add3A_746 {strides = array<i32>} : memref<512x128xf32, #tpu.memory_space<vmem>>, vector<16xf32>,
      %get3A_750 = arith.index_cast %while3A_710 : i32 to index
      %get3A_751 = arith.constant 32 : index
      %get3A_752 = tpu.vector_load %arg16[%get3A_750, %get3A_751] {strides = array<i32>} : memref<512x128xf32, #tpu.memory_space<vmem>>, vector<16xf32>,
      %add3A_753 = arith.addf %get3A_752, %parallel_loop3A_735#2 : vector<16xf32>
      %swap3A_754 = arith.index_cast %while3A_710 : i32 to index
      %swap3A_755 = arith.constant 32 : index
      %swap3A_756 = tpu.vector_load %arg16[%swap3A_754, %swap3A_755] {strides = array<i32>} : memref<512x128xf32, #tpu.memory_space<vmem>>, vector<16xf32>,
      tpu.vector_store %arg16[%swap3A_754, %swap3A_755], %add3A_753 {strides = array<i32>} : memref<512x128xf32, #tpu.memory_space<vmem>>, vector<16xf32>,
      %get3A_757 = arith.index_cast %while3A_710 : i32 to index
      %get3A_758 = arith.constant 48 : index
      %get3A_759 = tpu.vector_load %arg16[%get3A_757, %get3A_758] {strides = array<i32>} : memref<512x128xf32, #tpu.memory_space<vmem>>, vector<16xf32>,
      %add3A_760 = arith.addf %get3A_759, %parallel_loop3A_735#3 : vector<16xf32>
      %swap3A_761 = arith.index_cast %while3A_710 : i32 to index
      %swap3A_762 = arith.constant 48 : index
      %swap3A_763 = tpu.vector_load %arg16[%swap3A_761, %swap3A_762] {strides = array<i32>} : memref<512x128xf32, #tpu.memory_space<vmem>>, vector<16xf32>,
      tpu.vector_store %arg16[%swap3A_761, %swap3A_762], %add3A_760 {strides = array<i32>} : memref<512x128xf32, #tpu.memory_space<vmem>>, vector<16xf32>,
      %get3A_764 = arith.index_cast %while3A_710 : i32 to index
      %get3A_765 = arith.constant 64 : index
      %get3A_766 = tpu.vector_load %arg16[%get3A_764, %get3A_765] {strides = array<i32>} : memref<512x128xf32, #tpu.memory_space<vmem>>, vector<16xf32>,
      %add3A_767 = arith.addf %get3A_766, %parallel_loop3A_735#4 : vector<16xf32>
      %swap3A_768 = arith.index_cast %while3A_710 : i32 to index
      %swap3A_769 = arith.constant 64 : index
      %swap3A_770 = tpu.vector_load %arg16[%swap3A_768, %swap3A_769] {strides = array<i32>} : memref<512x128xf32, #tpu.memory_space<vmem>>, vector<16xf32>,
      tpu.vector_store %arg16[%swap3A_768, %swap3A_769], %add3A_767 {strides = array<i32>} : memref<512x128xf32, #tpu.memory_space<vmem>>, vector<16xf32>,
      %get3A_771 = arith.index_cast %while3A_710 : i32 to index
      %get3A_772 = arith.constant 80 : index
      %get3A_773 = tpu.vector_load %arg16[%get3A_771, %get3A_772] {strides = array<i32>} : memref<512x128xf32, #tpu.memory_space<vmem>>, vector<16xf32>,
      %add3A_774 = arith.addf %get3A_773, %parallel_loop3A_735#5 : vector<16xf32>
      %swap3A_775 = arith.index_cast %while3A_710 : i32 to index
      %swap3A_776 = arith.constant 80 : index
      %swap3A_777 = tpu.vector_load %arg16[%swap3A_775, %swap3A_776] {strides = array<i32>} : memref<512x128xf32, #tpu.memory_space<vmem>>, vector<16xf32>,
      tpu.vector_store %arg16[%swap3A_775, %swap3A_776], %add3A_774 {strides = array<i32>} : memref<512x128xf32, #tpu.memory_space<vmem>>, vector<16xf32>,
      %get3A_778 = arith.index_cast %while3A_710 : i32 to index
      %get3A_779 = arith.constant 96 : index
      %get3A_780 = tpu.vector_load %arg16[%get3A_778, %get3A_779] {strides = array<i32>} : memref<512x128xf32, #tpu.memory_space<vmem>>, vector<16xf32>,
      %add3A_781 = arith.addf %get3A_780, %parallel_loop3A_735#6 : vector<16xf32>
      %swap3A_782 = arith.index_cast %while3A_710 : i32 to index
      %swap3A_783 = arith.constant 96 : index
      %swap3A_784 = tpu.vector_load %arg16[%swap3A_782, %swap3A_783] {strides = array<i32>} : memref<512x128xf32, #tpu.memory_space<vmem>>, vector<16xf32>,
      tpu.vector_store %arg16[%swap3A_782, %swap3A_783], %add3A_781 {strides = array<i32>} : memref<512x128xf32, #tpu.memory_space<vmem>>, vector<16xf32>,
      %get3A_785 = arith.index_cast %while3A_710 : i32 to index
      %get3A_786 = arith.constant 112 : index
      %get3A_787 = tpu.vector_load %arg16[%get3A_785, %get3A_786] {strides = array<i32>} : memref<512x128xf32, #tpu.memory_space<vmem>>, vector<16xf32>,
      %add3A_788 = arith.addf %get3A_787, %parallel_loop3A_735#7 : vector<16xf32>
      %swap3A_789 = arith.index_cast %while3A_710 : i32 to index
      %swap3A_790 = arith.constant 112 : index
      %swap3A_791 = tpu.vector_load %arg16[%swap3A_789, %swap3A_790] {strides = array<i32>} : memref<512x128xf32, #tpu.memory_space<vmem>>, vector<16xf32>,
      tpu.vector_store %arg16[%swap3A_789, %swap3A_790], %add3A_788 {strides = array<i32>} : memref<512x128xf32, #tpu.memory_space<vmem>>, vector<16xf32>,
      %get3A_792 = arith.index_cast %while3A_710 : i32 to index
      %get3A_793 = arith.constant 0 : index
      %get3A_794 = tpu.vector_load %arg17[%get3A_792, %get3A_793] {strides = array<i32>} : memref<512x16xf32, #tpu.memory_space<vmem>>, vector<16xf32>,
      %add3A_795 = arith.addf %get3A_794, %parallel_loop3A_735#8 : vector<16xf32>
      %swap3A_796 = arith.index_cast %while3A_710 : i32 to index
      %swap3A_797 = arith.constant 0 : index
      %swap3A_798 = tpu.vector_load %arg17[%swap3A_796, %swap3A_797] {strides = array<i32>} : memref<512x16xf32, #tpu.memory_space<vmem>>, vector<16xf32>,
      tpu.vector_store %arg17[%swap3A_796, %swap3A_797], %add3A_795 {strides = array<i32>} : memref<512x16xf32, #tpu.memory_space<vmem>>, vector<16xf32>,
    }
    %while3A_256 = arith.constant 1 : i32
    scf.for %while3A_710 = %while3A_254 to %while3A_250 step %while3A_256  : i32 {
      %get3A_711 = arith.index_cast %while3A_710 : i32 to index
      %get3A_712 = tpu.vector_load %arg13[%get3A_711] {strides = array<i32>} : memref<768xi32, #tpu.memory_space<vmem>>, vector<16xi32>,
      %reduce_min3A_713 = arith.constant true
      %reduce_min3A_714 = vector.broadcast %reduce_min3A_713 : i1 to vector<16xi1>
      %reduce_min3A_715 = arith.constant -2147483648 : i32
      %reduce_min3A_716 = vector.broadcast %reduce_min3A_715 : i32 to vector<16xi32>
      %reduce_min3A_717 = arith.xori %get3A_712, %reduce_min3A_716 : vector<16xi32>
      %reduce_min3A_718 = tpu.scan <min>, %reduce_min3A_717 masked %reduce_min3A_714 : vector<16xi32>, vector<16xi1> -> vector<16xi32>
      %reduce_min3A_719 = arith.xori %reduce_min3A_718, %reduce_min3A_716 : vector<16xi32>
      %reduce_min3A_720 = vector.extract %reduce_min3A_719[15] : i32 from vector<16xi32>
      %max3A = arith.constant 0 : i32
      %max3A_721 = arith.maxsi %reduce_min3A_720, %max3A : i32
      %add3A_722 = arith.constant 1 : i32
      %add3A_723 = arith.addi %while3A_710, %add3A_722 : i32
      %get3A_724 = arith.index_cast %add3A_723 : i32 to index
      %get3A_725 = tpu.vector_load %arg13[%get3A_724] {strides = array<i32>} : memref<768xi32, #tpu.memory_space<vmem>>, vector<16xi32>,
      %reduce_min3A_726 = arith.constant true
      %reduce_min3A_727 = vector.broadcast %reduce_min3A_726 : i1 to vector<16xi1>
      %reduce_min3A_728 = arith.constant -2147483648 : i32
      %reduce_min3A_729 = vector.broadcast %reduce_min3A_728 : i32 to vector<16xi32>
      %reduce_min3A_730 = arith.xori %get3A_725, %reduce_min3A_729 : vector<16xi32>
      %reduce_min3A_731 = tpu.scan <min>, %reduce_min3A_730 masked %reduce_min3A_727 : vector<16xi32>, vector<16xi1> -> vector<16xi32>
      %reduce_min3A_732 = arith.xori %reduce_min3A_731, %reduce_min3A_729 : vector<16xi32>
      %reduce_min3A_733 = vector.extract %reduce_min3A_732[15] : i32 from vector<16xi32>
      %min3A = arith.constant 128 : i32
      %min3A_734 = arith.minsi %reduce_min3A_733, %min3A : i32
      %parallel_loop3A = arith.constant 1 : i32
      %parallel_loop3A_735:9 = scf.for %parallel_loop3A_799 = %max3A_721 to %min3A_734 step %parallel_loop3A iter_args(%parallel_loop3A_800 = %broadcast_in_dim3A_222, %parallel_loop3A_801 = %broadcast_in_dim3A_222, %parallel_loop3A_802 = %broadcast_in_dim3A_222, %parallel_loop3A_803 = %broadcast_in_dim3A_222, %parallel_loop3A_804 = %broadcast_in_dim3A_222, %parallel_loop3A_805 = %broadcast_in_dim3A_222, %parallel_loop3A_806 = %broadcast_in_dim3A_222, %parallel_loop3A_807 = %broadcast_in_dim3A_222, %parallel_loop3A_808 = %broadcast_in_dim3A_222) -> (vector<16xf32>, vector<16xf32>, vector<16xf32>, vector<16xf32>, vector<16xf32>, vector<16xf32>, vector<16xf32>, vector<16xf32>, vector<16xf32>)  : i32 {
        %parallel_loop3A_809 = arith.index_cast %parallel_loop3A_799 : i32 to index
        %parallel_loop3A_810 = arith.constant 0 : index
        %parallel_loop3A_811 = tpu.vector_load %arg10[%parallel_loop3A_809, %parallel_loop3A_810] {strides = array<i32>} : memref<512x16xf32, #tpu.memory_space<vmem>>, vector<16xf32>,
        %parallel_loop3A_812 = arith.constant 0 : i32
        %parallel_loop3A_813 = arith.subi %parallel_loop3A_799, %parallel_loop3A_812 : i32
        %parallel_loop3A_814 = arith.index_cast %parallel_loop3A_813 : i32 to index
        %parallel_loop3A_815 = arith.constant 0 : index
        %parallel_loop3A_816 = tpu.vector_load %arg8[%parallel_loop3A_814, %parallel_loop3A_815] {strides = array<i32>} : memref<128x128xf32, #tpu.memory_space<vmem>>, vector<16xf32>,
        %parallel_loop3A_817 = arith.mulf %parallel_loop3A_816, %parallel_loop3A_811 : vector<16xf32>
        %parallel_loop3A_818 = arith.addf %parallel_loop3A_800, %parallel_loop3A_817 : vector<16xf32>
        %parallel_loop3A_819 = arith.constant 0 : i32
        %parallel_loop3A_820 = arith.subi %parallel_loop3A_799, %parallel_loop3A_819 : i32
        %parallel_loop3A_821 = arith.index_cast %parallel_loop3A_820 : i32 to index
        %parallel_loop3A_822 = arith.constant 16 : index
        %parallel_loop3A_823 = tpu.vector_load %arg8[%parallel_loop3A_821, %parallel_loop3A_822] {strides = array<i32>} : memref<128x128xf32, #tpu.memory_space<vmem>>, vector<16xf32>,
        %parallel_loop3A_824 = arith.mulf %parallel_loop3A_823, %parallel_loop3A_811 : vector<16xf32>
        %parallel_loop3A_825 = arith.addf %parallel_loop3A_801, %parallel_loop3A_824 : vector<16xf32>
        %parallel_loop3A_826 = arith.constant 0 : i32
        %parallel_loop3A_827 = arith.subi %parallel_loop3A_799, %parallel_loop3A_826 : i32
        %parallel_loop3A_828 = arith.index_cast %parallel_loop3A_827 : i32 to index
        %parallel_loop3A_829 = arith.constant 32 : index
        %parallel_loop3A_830 = tpu.vector_load %arg8[%parallel_loop3A_828, %parallel_loop3A_829] {strides = array<i32>} : memref<128x128xf32, #tpu.memory_space<vmem>>, vector<16xf32>,
        %parallel_loop3A_831 = arith.mulf %parallel_loop3A_830, %parallel_loop3A_811 : vector<16xf32>
        %parallel_loop3A_832 = arith.addf %parallel_loop3A_802, %parallel_loop3A_831 : vector<16xf32>
        %parallel_loop3A_833 = arith.constant 0 : i32
        %parallel_loop3A_834 = arith.subi %parallel_loop3A_799, %parallel_loop3A_833 : i32
        %parallel_loop3A_835 = arith.index_cast %parallel_loop3A_834 : i32 to index
        %parallel_loop3A_836 = arith.constant 48 : index
        %parallel_loop3A_837 = tpu.vector_load %arg8[%parallel_loop3A_835, %parallel_loop3A_836] {strides = array<i32>} : memref<128x128xf32, #tpu.memory_space<vmem>>, vector<16xf32>,
        %parallel_loop3A_838 = arith.mulf %parallel_loop3A_837, %parallel_loop3A_811 : vector<16xf32>
        %parallel_loop3A_839 = arith.addf %parallel_loop3A_803, %parallel_loop3A_838 : vector<16xf32>
        %parallel_loop3A_840 = arith.constant 0 : i32
        %parallel_loop3A_841 = arith.subi %parallel_loop3A_799, %parallel_loop3A_840 : i32
        %parallel_loop3A_842 = arith.index_cast %parallel_loop3A_841 : i32 to index
        %parallel_loop3A_843 = arith.constant 64 : index
        %parallel_loop3A_844 = tpu.vector_load %arg8[%parallel_loop3A_842, %parallel_loop3A_843] {strides = array<i32>} : memref<128x128xf32, #tpu.memory_space<vmem>>, vector<16xf32>,
        %parallel_loop3A_845 = arith.mulf %parallel_loop3A_844, %parallel_loop3A_811 : vector<16xf32>
        %parallel_loop3A_846 = arith.addf %parallel_loop3A_804, %parallel_loop3A_845 : vector<16xf32>
        %parallel_loop3A_847 = arith.constant 0 : i32
        %parallel_loop3A_848 = arith.subi %parallel_loop3A_799, %parallel_loop3A_847 : i32
        %parallel_loop3A_849 = arith.index_cast %parallel_loop3A_848 : i32 to index
        %parallel_loop3A_850 = arith.constant 80 : index
        %parallel_loop3A_851 = tpu.vector_load %arg8[%parallel_loop3A_849, %parallel_loop3A_850] {strides = array<i32>} : memref<128x128xf32, #tpu.memory_space<vmem>>, vector<16xf32>,
        %parallel_loop3A_852 = arith.mulf %parallel_loop3A_851, %parallel_loop3A_811 : vector<16xf32>
        %parallel_loop3A_853 = arith.addf %parallel_loop3A_805, %parallel_loop3A_852 : vector<16xf32>
        %parallel_loop3A_854 = arith.constant 0 : i32
        %parallel_loop3A_855 = arith.subi %parallel_loop3A_799, %parallel_loop3A_854 : i32
        %parallel_loop3A_856 = arith.index_cast %parallel_loop3A_855 : i32 to index
        %parallel_loop3A_857 = arith.constant 96 : index
        %parallel_loop3A_858 = tpu.vector_load %arg8[%parallel_loop3A_856, %parallel_loop3A_857] {strides = array<i32>} : memref<128x128xf32, #tpu.memory_space<vmem>>, vector<16xf32>,
        %parallel_loop3A_859 = arith.mulf %parallel_loop3A_858, %parallel_loop3A_811 : vector<16xf32>
        %parallel_loop3A_860 = arith.addf %parallel_loop3A_806, %parallel_loop3A_859 : vector<16xf32>
        %parallel_loop3A_861 = arith.constant 0 : i32
        %parallel_loop3A_862 = arith.subi %parallel_loop3A_799, %parallel_loop3A_861 : i32
        %parallel_loop3A_863 = arith.index_cast %parallel_loop3A_862 : i32 to index
        %parallel_loop3A_864 = arith.constant 112 : index
        %parallel_loop3A_865 = tpu.vector_load %arg8[%parallel_loop3A_863, %parallel_loop3A_864] {strides = array<i32>} : memref<128x128xf32, #tpu.memory_space<vmem>>, vector<16xf32>,
        %parallel_loop3A_866 = arith.mulf %parallel_loop3A_865, %parallel_loop3A_811 : vector<16xf32>
        %parallel_loop3A_867 = arith.addf %parallel_loop3A_807, %parallel_loop3A_866 : vector<16xf32>
        %parallel_loop3A_868 = arith.addf %parallel_loop3A_808, %parallel_loop3A_811 : vector<16xf32>
        scf.yield %parallel_loop3A_818, %parallel_loop3A_825, %parallel_loop3A_832, %parallel_loop3A_839, %parallel_loop3A_846, %parallel_loop3A_853, %parallel_loop3A_860, %parallel_loop3A_867, %parallel_loop3A_868 : vector<16xf32>, vector<16xf32>, vector<16xf32>, vector<16xf32>, vector<16xf32>, vector<16xf32>, vector<16xf32>, vector<16xf32>, vector<16xf32>
      } {sc.loop_unroll_factor = 2 : i64, sc.parallel_access}
      %get3A_736 = arith.index_cast %while3A_710 : i32 to index
      %get3A_737 = arith.constant 0 : index
      %get3A_738 = tpu.vector_load %arg16[%get3A_736, %get3A_737] {strides = array<i32>} : memref<512x128xf32, #tpu.memory_space<vmem>>, vector<16xf32>,
      %add3A_739 = arith.addf %get3A_738, %parallel_loop3A_735#0 : vector<16xf32>
      %swap3A_740 = arith.index_cast %while3A_710 : i32 to index
      %swap3A_741 = arith.constant 0 : index
      %swap3A_742 = tpu.vector_load %arg16[%swap3A_740, %swap3A_741] {strides = array<i32>} : memref<512x128xf32, #tpu.memory_space<vmem>>, vector<16xf32>,
      tpu.vector_store %arg16[%swap3A_740, %swap3A_741], %add3A_739 {strides = array<i32>} : memref<512x128xf32, #tpu.memory_space<vmem>>, vector<16xf32>,
      %get3A_743 = arith.index_cast %while3A_710 : i32 to index
      %get3A_744 = arith.constant 16 : index
      %get3A_745 = tpu.vector_load %arg16[%get3A_743, %get3A_744] {strides = array<i32>} : memref<512x128xf32, #tpu.memory_space<vmem>>, vector<16xf32>,
      %add3A_746 = arith.addf %get3A_745, %parallel_loop3A_735#1 : vector<16xf32>
      %swap3A_747 = arith.index_cast %while3A_710 : i32 to index
      %swap3A_748 = arith.constant 16 : index
      %swap3A_749 = tpu.vector_load %arg16[%swap3A_747, %swap3A_748] {strides = array<i32>} : memref<512x128xf32, #tpu.memory_space<vmem>>, vector<16xf32>,
      tpu.vector_store %arg16[%swap3A_747, %swap3A_748], %add3A_746 {strides = array<i32>} : memref<512x128xf32, #tpu.memory_space<vmem>>, vector<16xf32>,
      %get3A_750 = arith.index_cast %while3A_710 : i32 to index
      %get3A_751 = arith.constant 32 : index
      %get3A_752 = tpu.vector_load %arg16[%get3A_750, %get3A_751] {strides = array<i32>} : memref<512x128xf32, #tpu.memory_space<vmem>>, vector<16xf32>,
      %add3A_753 = arith.addf %get3A_752, %parallel_loop3A_735#2 : vector<16xf32>
      %swap3A_754 = arith.index_cast %while3A_710 : i32 to index
      %swap3A_755 = arith.constant 32 : index
      %swap3A_756 = tpu.vector_load %arg16[%swap3A_754, %swap3A_755] {strides = array<i32>} : memref<512x128xf32, #tpu.memory_space<vmem>>, vector<16xf32>,
      tpu.vector_store %arg16[%swap3A_754, %swap3A_755], %add3A_753 {strides = array<i32>} : memref<512x128xf32, #tpu.memory_space<vmem>>, vector<16xf32>,
      %get3A_757 = arith.index_cast %while3A_710 : i32 to index
      %get3A_758 = arith.constant 48 : index
      %get3A_759 = tpu.vector_load %arg16[%get3A_757, %get3A_758] {strides = array<i32>} : memref<512x128xf32, #tpu.memory_space<vmem>>, vector<16xf32>,
      %add3A_760 = arith.addf %get3A_759, %parallel_loop3A_735#3 : vector<16xf32>
      %swap3A_761 = arith.index_cast %while3A_710 : i32 to index
      %swap3A_762 = arith.constant 48 : index
      %swap3A_763 = tpu.vector_load %arg16[%swap3A_761, %swap3A_762] {strides = array<i32>} : memref<512x128xf32, #tpu.memory_space<vmem>>, vector<16xf32>,
      tpu.vector_store %arg16[%swap3A_761, %swap3A_762], %add3A_760 {strides = array<i32>} : memref<512x128xf32, #tpu.memory_space<vmem>>, vector<16xf32>,
      %get3A_764 = arith.index_cast %while3A_710 : i32 to index
      %get3A_765 = arith.constant 64 : index
      %get3A_766 = tpu.vector_load %arg16[%get3A_764, %get3A_765] {strides = array<i32>} : memref<512x128xf32, #tpu.memory_space<vmem>>, vector<16xf32>,
      %add3A_767 = arith.addf %get3A_766, %parallel_loop3A_735#4 : vector<16xf32>
      %swap3A_768 = arith.index_cast %while3A_710 : i32 to index
      %swap3A_769 = arith.constant 64 : index
      %swap3A_770 = tpu.vector_load %arg16[%swap3A_768, %swap3A_769] {strides = array<i32>} : memref<512x128xf32, #tpu.memory_space<vmem>>, vector<16xf32>,
      tpu.vector_store %arg16[%swap3A_768, %swap3A_769], %add3A_767 {strides = array<i32>} : memref<512x128xf32, #tpu.memory_space<vmem>>, vector<16xf32>,
      %get3A_771 = arith.index_cast %while3A_710 : i32 to index
      %get3A_772 = arith.constant 80 : index
      %get3A_773 = tpu.vector_load %arg16[%get3A_771, %get3A_772] {strides = array<i32>} : memref<512x128xf32, #tpu.memory_space<vmem>>, vector<16xf32>,
      %add3A_774 = arith.addf %get3A_773, %parallel_loop3A_735#5 : vector<16xf32>
      %swap3A_775 = arith.index_cast %while3A_710 : i32 to index
      %swap3A_776 = arith.constant 80 : index
      %swap3A_777 = tpu.vector_load %arg16[%swap3A_775, %swap3A_776] {strides = array<i32>} : memref<512x128xf32, #tpu.memory_space<vmem>>, vector<16xf32>,
      tpu.vector_store %arg16[%swap3A_775, %swap3A_776], %add3A_774 {strides = array<i32>} : memref<512x128xf32, #tpu.memory_space<vmem>>, vector<16xf32>,
      %get3A_778 = arith.index_cast %while3A_710 : i32 to index
      %get3A_779 = arith.constant 96 : index
      %get3A_780 = tpu.vector_load %arg16[%get3A_778, %get3A_779] {strides = array<i32>} : memref<512x128xf32, #tpu.memory_space<vmem>>, vector<16xf32>,
      %add3A_781 = arith.addf %get3A_780, %parallel_loop3A_735#6 : vector<16xf32>
      %swap3A_782 = arith.index_cast %while3A_710 : i32 to index
      %swap3A_783 = arith.constant 96 : index
      %swap3A_784 = tpu.vector_load %arg16[%swap3A_782, %swap3A_783] {strides = array<i32>} : memref<512x128xf32, #tpu.memory_space<vmem>>, vector<16xf32>,
      tpu.vector_store %arg16[%swap3A_782, %swap3A_783], %add3A_781 {strides = array<i32>} : memref<512x128xf32, #tpu.memory_space<vmem>>, vector<16xf32>,
      %get3A_785 = arith.index_cast %while3A_710 : i32 to index
      %get3A_786 = arith.constant 112 : index
      %get3A_787 = tpu.vector_load %arg16[%get3A_785, %get3A_786] {strides = array<i32>} : memref<512x128xf32, #tpu.memory_space<vmem>>, vector<16xf32>,
      %add3A_788 = arith.addf %get3A_787, %parallel_loop3A_735#7 : vector<16xf32>
      %swap3A_789 = arith.index_cast %while3A_710 : i32 to index
      %swap3A_790 = arith.constant 112 : index
      %swap3A_791 = tpu.vector_load %arg16[%swap3A_789, %swap3A_790] {strides = array<i32>} : memref<512x128xf32, #tpu.memory_space<vmem>>, vector<16xf32>,
      tpu.vector_store %arg16[%swap3A_789, %swap3A_790], %add3A_788 {strides = array<i32>} : memref<512x128xf32, #tpu.memory_space<vmem>>, vector<16xf32>,
      %get3A_792 = arith.index_cast %while3A_710 : i32 to index
      %get3A_793 = arith.constant 0 : index
      %get3A_794 = tpu.vector_load %arg17[%get3A_792, %get3A_793] {strides = array<i32>} : memref<512x16xf32, #tpu.memory_space<vmem>>, vector<16xf32>,
      %add3A_795 = arith.addf %get3A_794, %parallel_loop3A_735#8 : vector<16xf32>
      %swap3A_796 = arith.index_cast %while3A_710 : i32 to index
      %swap3A_797 = arith.constant 0 : index
      %swap3A_798 = tpu.vector_load %arg17[%swap3A_796, %swap3A_797] {strides = array<i32>} : memref<512x16xf32, #tpu.memory_space<vmem>>, vector<16xf32>,
      tpu.vector_store %arg17[%swap3A_796, %swap3A_797], %add3A_795 {strides = array<i32>} : memref<512x16xf32, #tpu.memory_space<vmem>>, vector<16xf32>,
    }
    %add3A_257 = arith.constant 256 : i32
    %add3A_258 = arith.addi %mul3A_2, %add3A_257 : i32
    %dma_start3A_259 = arith.constant 0 : i32
    %dma_start3A_260 = tpu.memref_slice %arg2[%add3A_258, %dma_start3A_259] : memref<16384x128xf32, #tpu.memory_space<hbm>> -> memref<128x128xf32, #tpu.memory_space<hbm>>
    %dma_start3A_261 = arith.constant 0 : i32
    %dma_start3A_262 = tpu.memref_slice %arg2[%add3A_258, %dma_start3A_261] : memref<16384x128xf32, #tpu.memory_space<hbm>> -> memref<128x128xf32, #tpu.memory_space<hbm>>
    tpu.enqueue_dma source(%dma_start3A_262 : memref<128x128xf32, #tpu.memory_space<hbm>>) target(%arg8 : memref<128x128xf32, #tpu.memory_space<vmem>>) target_semaphore(%arg20 : memref<!tpu.dma_semaphore, #tpu.memory_space<semaphore_mem>>)
    %dma_wait3A_263 = arith.constant 0 : i32
    %dma_wait3A_264 = tpu.memref_slice %arg2[%add3A_7, %dma_wait3A_263] : memref<16384x128xf32, #tpu.memory_space<hbm>> -> memref<128x128xf32, #tpu.memory_space<hbm>>
    %dma_wait3A_265 = arith.constant 0 : i32
    %dma_wait3A_266 = tpu.memref_slice %arg2[%add3A_7, %dma_wait3A_265] : memref<16384x128xf32, #tpu.memory_space<hbm>> -> memref<128x128xf32, #tpu.memory_space<hbm>>
    tpu.wait_dma2 semaphore(%arg21 : memref<!tpu.dma_semaphore, #tpu.memory_space<semaphore_mem>>) src(%dma_wait3A_266 : memref<128x128xf32, #tpu.memory_space<hbm>>) dst(%arg9 : memref<128x128xf32, #tpu.memory_space<vmem>>)
    %get3A_267 = arith.constant 128 : index
    %get3A_268 = tpu.vector_load %arg12[%get3A_267] {strides = array<i32>} : memref<512xi32, #tpu.memory_space<vmem>>, vector<16xi32>,
    %reduce_min3A_269 = arith.constant true
    %reduce_min3A_270 = vector.broadcast %reduce_min3A_269 : i1 to vector<16xi1>
    %reduce_min3A_271 = arith.constant -2147483648 : i32
    %reduce_min3A_272 = vector.broadcast %reduce_min3A_271 : i32 to vector<16xi32>
    %reduce_min3A_273 = arith.xori %get3A_268, %reduce_min3A_272 : vector<16xi32>
    %reduce_min3A_274 = tpu.scan <min>, %reduce_min3A_273 masked %reduce_min3A_270 : vector<16xi32>, vector<16xi1> -> vector<16xi32>
    %reduce_min3A_275 = arith.xori %reduce_min3A_274, %reduce_min3A_272 : vector<16xi32>
    %reduce_min3A_276 = vector.extract %reduce_min3A_275[15] : i32 from vector<16xi32>
    %get3A_277 = arith.constant 240 : index
    %get3A_278 = tpu.vector_load %arg12[%get3A_277] {strides = array<i32>} : memref<512xi32, #tpu.memory_space<vmem>>, vector<16xi32>,
    %reduce_max3A_279 = arith.constant true
    %reduce_max3A_280 = vector.broadcast %reduce_max3A_279 : i1 to vector<16xi1>
    %reduce_max3A_281 = arith.constant -2147483648 : i32
    %reduce_max3A_282 = vector.broadcast %reduce_max3A_281 : i32 to vector<16xi32>
    %reduce_max3A_283 = arith.xori %get3A_278, %reduce_max3A_282 : vector<16xi32>
    %reduce_max3A_284 = tpu.scan <max>, %reduce_max3A_283 masked %reduce_max3A_280 : vector<16xi32>, vector<16xi1> -> vector<16xi32>
    %reduce_max3A_285 = arith.xori %reduce_max3A_284, %reduce_max3A_282 : vector<16xi32>
    %reduce_max3A_286 = vector.extract %reduce_max3A_285[15] : i32 from vector<16xi32>
    %add3A_287 = arith.constant 1 : i32
    %add3A_288 = arith.addi %reduce_max3A_286, %add3A_287 : i32
    %while3A_289 = arith.constant 0 : i32
    %while3A_290 = arith.subi %add3A_288, %reduce_min3A_276 : i32
    %while3A_291 = arith.addi %reduce_min3A_276, %while3A_290 : i32
    %while3A_292 = arith.constant 1 : i32
    %while3A_293 = arith.divsi %while3A_290, %while3A_292 : i32
    %while3A_294 = arith.muli %while3A_293, %while3A_292 : i32
    %while3A_295 = arith.addi %reduce_min3A_276, %while3A_294 : i32
    %while3A_296 = arith.constant 1 : i32
    scf.for %while3A_710 = %reduce_min3A_276 to %while3A_295 step %while3A_296  : i32 {
      %get3A_711 = arith.index_cast %while3A_710 : i32 to index
      %get3A_712 = tpu.vector_load %arg13[%get3A_711] {strides = array<i32>} : memref<768xi32, #tpu.memory_space<vmem>>, vector<16xi32>,
      %reduce_min3A_713 = arith.constant true
      %reduce_min3A_714 = vector.broadcast %reduce_min3A_713 : i1 to vector<16xi1>
      %reduce_min3A_715 = arith.constant -2147483648 : i32
      %reduce_min3A_716 = vector.broadcast %reduce_min3A_715 : i32 to vector<16xi32>
      %reduce_min3A_717 = arith.xori %get3A_712, %reduce_min3A_716 : vector<16xi32>
      %reduce_min3A_718 = tpu.scan <min>, %reduce_min3A_717 masked %reduce_min3A_714 : vector<16xi32>, vector<16xi1> -> vector<16xi32>
      %reduce_min3A_719 = arith.xori %reduce_min3A_718, %reduce_min3A_716 : vector<16xi32>
      %reduce_min3A_720 = vector.extract %reduce_min3A_719[15] : i32 from vector<16xi32>
      %max3A = arith.constant 128 : i32
      %max3A_721 = arith.maxsi %reduce_min3A_720, %max3A : i32
      %add3A_722 = arith.constant 1 : i32
      %add3A_723 = arith.addi %while3A_710, %add3A_722 : i32
      %get3A_724 = arith.index_cast %add3A_723 : i32 to index
      %get3A_725 = tpu.vector_load %arg13[%get3A_724] {strides = array<i32>} : memref<768xi32, #tpu.memory_space<vmem>>, vector<16xi32>,
      %reduce_min3A_726 = arith.constant true
      %reduce_min3A_727 = vector.broadcast %reduce_min3A_726 : i1 to vector<16xi1>
      %reduce_min3A_728 = arith.constant -2147483648 : i32
      %reduce_min3A_729 = vector.broadcast %reduce_min3A_728 : i32 to vector<16xi32>
      %reduce_min3A_730 = arith.xori %get3A_725, %reduce_min3A_729 : vector<16xi32>
      %reduce_min3A_731 = tpu.scan <min>, %reduce_min3A_730 masked %reduce_min3A_727 : vector<16xi32>, vector<16xi1> -> vector<16xi32>
      %reduce_min3A_732 = arith.xori %reduce_min3A_731, %reduce_min3A_729 : vector<16xi32>
      %reduce_min3A_733 = vector.extract %reduce_min3A_732[15] : i32 from vector<16xi32>
      %min3A = arith.constant 256 : i32
      %min3A_734 = arith.minsi %reduce_min3A_733, %min3A : i32
      %parallel_loop3A = arith.constant 1 : i32
      %parallel_loop3A_735:9 = scf.for %parallel_loop3A_799 = %max3A_721 to %min3A_734 step %parallel_loop3A iter_args(%parallel_loop3A_800 = %broadcast_in_dim3A_222, %parallel_loop3A_801 = %broadcast_in_dim3A_222, %parallel_loop3A_802 = %broadcast_in_dim3A_222, %parallel_loop3A_803 = %broadcast_in_dim3A_222, %parallel_loop3A_804 = %broadcast_in_dim3A_222, %parallel_loop3A_805 = %broadcast_in_dim3A_222, %parallel_loop3A_806 = %broadcast_in_dim3A_222, %parallel_loop3A_807 = %broadcast_in_dim3A_222, %parallel_loop3A_808 = %broadcast_in_dim3A_222) -> (vector<16xf32>, vector<16xf32>, vector<16xf32>, vector<16xf32>, vector<16xf32>, vector<16xf32>, vector<16xf32>, vector<16xf32>, vector<16xf32>)  : i32 {
        %parallel_loop3A_809 = arith.index_cast %parallel_loop3A_799 : i32 to index
        %parallel_loop3A_810 = arith.constant 0 : index
        %parallel_loop3A_811 = tpu.vector_load %arg10[%parallel_loop3A_809, %parallel_loop3A_810] {strides = array<i32>} : memref<512x16xf32, #tpu.memory_space<vmem>>, vector<16xf32>,
        %parallel_loop3A_812 = arith.constant 128 : i32
        %parallel_loop3A_813 = arith.subi %parallel_loop3A_799, %parallel_loop3A_812 : i32
        %parallel_loop3A_814 = arith.index_cast %parallel_loop3A_813 : i32 to index
        %parallel_loop3A_815 = arith.constant 0 : index
        %parallel_loop3A_816 = tpu.vector_load %arg9[%parallel_loop3A_814, %parallel_loop3A_815] {strides = array<i32>} : memref<128x128xf32, #tpu.memory_space<vmem>>, vector<16xf32>,
        %parallel_loop3A_817 = arith.mulf %parallel_loop3A_816, %parallel_loop3A_811 : vector<16xf32>
        %parallel_loop3A_818 = arith.addf %parallel_loop3A_800, %parallel_loop3A_817 : vector<16xf32>
        %parallel_loop3A_819 = arith.constant 128 : i32
        %parallel_loop3A_820 = arith.subi %parallel_loop3A_799, %parallel_loop3A_819 : i32
        %parallel_loop3A_821 = arith.index_cast %parallel_loop3A_820 : i32 to index
        %parallel_loop3A_822 = arith.constant 16 : index
        %parallel_loop3A_823 = tpu.vector_load %arg9[%parallel_loop3A_821, %parallel_loop3A_822] {strides = array<i32>} : memref<128x128xf32, #tpu.memory_space<vmem>>, vector<16xf32>,
        %parallel_loop3A_824 = arith.mulf %parallel_loop3A_823, %parallel_loop3A_811 : vector<16xf32>
        %parallel_loop3A_825 = arith.addf %parallel_loop3A_801, %parallel_loop3A_824 : vector<16xf32>
        %parallel_loop3A_826 = arith.constant 128 : i32
        %parallel_loop3A_827 = arith.subi %parallel_loop3A_799, %parallel_loop3A_826 : i32
        %parallel_loop3A_828 = arith.index_cast %parallel_loop3A_827 : i32 to index
        %parallel_loop3A_829 = arith.constant 32 : index
        %parallel_loop3A_830 = tpu.vector_load %arg9[%parallel_loop3A_828, %parallel_loop3A_829] {strides = array<i32>} : memref<128x128xf32, #tpu.memory_space<vmem>>, vector<16xf32>,
        %parallel_loop3A_831 = arith.mulf %parallel_loop3A_830, %parallel_loop3A_811 : vector<16xf32>
        %parallel_loop3A_832 = arith.addf %parallel_loop3A_802, %parallel_loop3A_831 : vector<16xf32>
        %parallel_loop3A_833 = arith.constant 128 : i32
        %parallel_loop3A_834 = arith.subi %parallel_loop3A_799, %parallel_loop3A_833 : i32
        %parallel_loop3A_835 = arith.index_cast %parallel_loop3A_834 : i32 to index
        %parallel_loop3A_836 = arith.constant 48 : index
        %parallel_loop3A_837 = tpu.vector_load %arg9[%parallel_loop3A_835, %parallel_loop3A_836] {strides = array<i32>} : memref<128x128xf32, #tpu.memory_space<vmem>>, vector<16xf32>,
        %parallel_loop3A_838 = arith.mulf %parallel_loop3A_837, %parallel_loop3A_811 : vector<16xf32>
        %parallel_loop3A_839 = arith.addf %parallel_loop3A_803, %parallel_loop3A_838 : vector<16xf32>
        %parallel_loop3A_840 = arith.constant 128 : i32
        %parallel_loop3A_841 = arith.subi %parallel_loop3A_799, %parallel_loop3A_840 : i32
        %parallel_loop3A_842 = arith.index_cast %parallel_loop3A_841 : i32 to index
        %parallel_loop3A_843 = arith.constant 64 : index
        %parallel_loop3A_844 = tpu.vector_load %arg9[%parallel_loop3A_842, %parallel_loop3A_843] {strides = array<i32>} : memref<128x128xf32, #tpu.memory_space<vmem>>, vector<16xf32>,
        %parallel_loop3A_845 = arith.mulf %parallel_loop3A_844, %parallel_loop3A_811 : vector<16xf32>
        %parallel_loop3A_846 = arith.addf %parallel_loop3A_804, %parallel_loop3A_845 : vector<16xf32>
        %parallel_loop3A_847 = arith.constant 128 : i32
        %parallel_loop3A_848 = arith.subi %parallel_loop3A_799, %parallel_loop3A_847 : i32
        %parallel_loop3A_849 = arith.index_cast %parallel_loop3A_848 : i32 to index
        %parallel_loop3A_850 = arith.constant 80 : index
        %parallel_loop3A_851 = tpu.vector_load %arg9[%parallel_loop3A_849, %parallel_loop3A_850] {strides = array<i32>} : memref<128x128xf32, #tpu.memory_space<vmem>>, vector<16xf32>,
        %parallel_loop3A_852 = arith.mulf %parallel_loop3A_851, %parallel_loop3A_811 : vector<16xf32>
        %parallel_loop3A_853 = arith.addf %parallel_loop3A_805, %parallel_loop3A_852 : vector<16xf32>
        %parallel_loop3A_854 = arith.constant 128 : i32
        %parallel_loop3A_855 = arith.subi %parallel_loop3A_799, %parallel_loop3A_854 : i32
        %parallel_loop3A_856 = arith.index_cast %parallel_loop3A_855 : i32 to index
        %parallel_loop3A_857 = arith.constant 96 : index
        %parallel_loop3A_858 = tpu.vector_load %arg9[%parallel_loop3A_856, %parallel_loop3A_857] {strides = array<i32>} : memref<128x128xf32, #tpu.memory_space<vmem>>, vector<16xf32>,
        %parallel_loop3A_859 = arith.mulf %parallel_loop3A_858, %parallel_loop3A_811 : vector<16xf32>
        %parallel_loop3A_860 = arith.addf %parallel_loop3A_806, %parallel_loop3A_859 : vector<16xf32>
        %parallel_loop3A_861 = arith.constant 128 : i32
        %parallel_loop3A_862 = arith.subi %parallel_loop3A_799, %parallel_loop3A_861 : i32
        %parallel_loop3A_863 = arith.index_cast %parallel_loop3A_862 : i32 to index
        %parallel_loop3A_864 = arith.constant 112 : index
        %parallel_loop3A_865 = tpu.vector_load %arg9[%parallel_loop3A_863, %parallel_loop3A_864] {strides = array<i32>} : memref<128x128xf32, #tpu.memory_space<vmem>>, vector<16xf32>,
        %parallel_loop3A_866 = arith.mulf %parallel_loop3A_865, %parallel_loop3A_811 : vector<16xf32>
        %parallel_loop3A_867 = arith.addf %parallel_loop3A_807, %parallel_loop3A_866 : vector<16xf32>
        %parallel_loop3A_868 = arith.addf %parallel_loop3A_808, %parallel_loop3A_811 : vector<16xf32>
        scf.yield %parallel_loop3A_818, %parallel_loop3A_825, %parallel_loop3A_832, %parallel_loop3A_839, %parallel_loop3A_846, %parallel_loop3A_853, %parallel_loop3A_860, %parallel_loop3A_867, %parallel_loop3A_868 : vector<16xf32>, vector<16xf32>, vector<16xf32>, vector<16xf32>, vector<16xf32>, vector<16xf32>, vector<16xf32>, vector<16xf32>, vector<16xf32>
      } {sc.loop_unroll_factor = 2 : i64, sc.parallel_access}
      %get3A_736 = arith.index_cast %while3A_710 : i32 to index
      %get3A_737 = arith.constant 0 : index
      %get3A_738 = tpu.vector_load %arg16[%get3A_736, %get3A_737] {strides = array<i32>} : memref<512x128xf32, #tpu.memory_space<vmem>>, vector<16xf32>,
      %add3A_739 = arith.addf %get3A_738, %parallel_loop3A_735#0 : vector<16xf32>
      %swap3A_740 = arith.index_cast %while3A_710 : i32 to index
      %swap3A_741 = arith.constant 0 : index
      %swap3A_742 = tpu.vector_load %arg16[%swap3A_740, %swap3A_741] {strides = array<i32>} : memref<512x128xf32, #tpu.memory_space<vmem>>, vector<16xf32>,
      tpu.vector_store %arg16[%swap3A_740, %swap3A_741], %add3A_739 {strides = array<i32>} : memref<512x128xf32, #tpu.memory_space<vmem>>, vector<16xf32>,
      %get3A_743 = arith.index_cast %while3A_710 : i32 to index
      %get3A_744 = arith.constant 16 : index
      %get3A_745 = tpu.vector_load %arg16[%get3A_743, %get3A_744] {strides = array<i32>} : memref<512x128xf32, #tpu.memory_space<vmem>>, vector<16xf32>,
      %add3A_746 = arith.addf %get3A_745, %parallel_loop3A_735#1 : vector<16xf32>
      %swap3A_747 = arith.index_cast %while3A_710 : i32 to index
      %swap3A_748 = arith.constant 16 : index
      %swap3A_749 = tpu.vector_load %arg16[%swap3A_747, %swap3A_748] {strides = array<i32>} : memref<512x128xf32, #tpu.memory_space<vmem>>, vector<16xf32>,
      tpu.vector_store %arg16[%swap3A_747, %swap3A_748], %add3A_746 {strides = array<i32>} : memref<512x128xf32, #tpu.memory_space<vmem>>, vector<16xf32>,
      %get3A_750 = arith.index_cast %while3A_710 : i32 to index
      %get3A_751 = arith.constant 32 : index
      %get3A_752 = tpu.vector_load %arg16[%get3A_750, %get3A_751] {strides = array<i32>} : memref<512x128xf32, #tpu.memory_space<vmem>>, vector<16xf32>,
      %add3A_753 = arith.addf %get3A_752, %parallel_loop3A_735#2 : vector<16xf32>
      %swap3A_754 = arith.index_cast %while3A_710 : i32 to index
      %swap3A_755 = arith.constant 32 : index
      %swap3A_756 = tpu.vector_load %arg16[%swap3A_754, %swap3A_755] {strides = array<i32>} : memref<512x128xf32, #tpu.memory_space<vmem>>, vector<16xf32>,
      tpu.vector_store %arg16[%swap3A_754, %swap3A_755], %add3A_753 {strides = array<i32>} : memref<512x128xf32, #tpu.memory_space<vmem>>, vector<16xf32>,
      %get3A_757 = arith.index_cast %while3A_710 : i32 to index
      %get3A_758 = arith.constant 48 : index
      %get3A_759 = tpu.vector_load %arg16[%get3A_757, %get3A_758] {strides = array<i32>} : memref<512x128xf32, #tpu.memory_space<vmem>>, vector<16xf32>,
      %add3A_760 = arith.addf %get3A_759, %parallel_loop3A_735#3 : vector<16xf32>
      %swap3A_761 = arith.index_cast %while3A_710 : i32 to index
      %swap3A_762 = arith.constant 48 : index
      %swap3A_763 = tpu.vector_load %arg16[%swap3A_761, %swap3A_762] {strides = array<i32>} : memref<512x128xf32, #tpu.memory_space<vmem>>, vector<16xf32>,
      tpu.vector_store %arg16[%swap3A_761, %swap3A_762], %add3A_760 {strides = array<i32>} : memref<512x128xf32, #tpu.memory_space<vmem>>, vector<16xf32>,
      %get3A_764 = arith.index_cast %while3A_710 : i32 to index
      %get3A_765 = arith.constant 64 : index
      %get3A_766 = tpu.vector_load %arg16[%get3A_764, %get3A_765] {strides = array<i32>} : memref<512x128xf32, #tpu.memory_space<vmem>>, vector<16xf32>,
      %add3A_767 = arith.addf %get3A_766, %parallel_loop3A_735#4 : vector<16xf32>
      %swap3A_768 = arith.index_cast %while3A_710 : i32 to index
      %swap3A_769 = arith.constant 64 : index
      %swap3A_770 = tpu.vector_load %arg16[%swap3A_768, %swap3A_769] {strides = array<i32>} : memref<512x128xf32, #tpu.memory_space<vmem>>, vector<16xf32>,
      tpu.vector_store %arg16[%swap3A_768, %swap3A_769], %add3A_767 {strides = array<i32>} : memref<512x128xf32, #tpu.memory_space<vmem>>, vector<16xf32>,
      %get3A_771 = arith.index_cast %while3A_710 : i32 to index
      %get3A_772 = arith.constant 80 : index
      %get3A_773 = tpu.vector_load %arg16[%get3A_771, %get3A_772] {strides = array<i32>} : memref<512x128xf32, #tpu.memory_space<vmem>>, vector<16xf32>,
      %add3A_774 = arith.addf %get3A_773, %parallel_loop3A_735#5 : vector<16xf32>
      %swap3A_775 = arith.index_cast %while3A_710 : i32 to index
      %swap3A_776 = arith.constant 80 : index
      %swap3A_777 = tpu.vector_load %arg16[%swap3A_775, %swap3A_776] {strides = array<i32>} : memref<512x128xf32, #tpu.memory_space<vmem>>, vector<16xf32>,
      tpu.vector_store %arg16[%swap3A_775, %swap3A_776], %add3A_774 {strides = array<i32>} : memref<512x128xf32, #tpu.memory_space<vmem>>, vector<16xf32>,
      %get3A_778 = arith.index_cast %while3A_710 : i32 to index
      %get3A_779 = arith.constant 96 : index
      %get3A_780 = tpu.vector_load %arg16[%get3A_778, %get3A_779] {strides = array<i32>} : memref<512x128xf32, #tpu.memory_space<vmem>>, vector<16xf32>,
      %add3A_781 = arith.addf %get3A_780, %parallel_loop3A_735#6 : vector<16xf32>
      %swap3A_782 = arith.index_cast %while3A_710 : i32 to index
      %swap3A_783 = arith.constant 96 : index
      %swap3A_784 = tpu.vector_load %arg16[%swap3A_782, %swap3A_783] {strides = array<i32>} : memref<512x128xf32, #tpu.memory_space<vmem>>, vector<16xf32>,
      tpu.vector_store %arg16[%swap3A_782, %swap3A_783], %add3A_781 {strides = array<i32>} : memref<512x128xf32, #tpu.memory_space<vmem>>, vector<16xf32>,
      %get3A_785 = arith.index_cast %while3A_710 : i32 to index
      %get3A_786 = arith.constant 112 : index
      %get3A_787 = tpu.vector_load %arg16[%get3A_785, %get3A_786] {strides = array<i32>} : memref<512x128xf32, #tpu.memory_space<vmem>>, vector<16xf32>,
      %add3A_788 = arith.addf %get3A_787, %parallel_loop3A_735#7 : vector<16xf32>
      %swap3A_789 = arith.index_cast %while3A_710 : i32 to index
      %swap3A_790 = arith.constant 112 : index
      %swap3A_791 = tpu.vector_load %arg16[%swap3A_789, %swap3A_790] {strides = array<i32>} : memref<512x128xf32, #tpu.memory_space<vmem>>, vector<16xf32>,
      tpu.vector_store %arg16[%swap3A_789, %swap3A_790], %add3A_788 {strides = array<i32>} : memref<512x128xf32, #tpu.memory_space<vmem>>, vector<16xf32>,
      %get3A_792 = arith.index_cast %while3A_710 : i32 to index
      %get3A_793 = arith.constant 0 : index
      %get3A_794 = tpu.vector_load %arg17[%get3A_792, %get3A_793] {strides = array<i32>} : memref<512x16xf32, #tpu.memory_space<vmem>>, vector<16xf32>,
      %add3A_795 = arith.addf %get3A_794, %parallel_loop3A_735#8 : vector<16xf32>
      %swap3A_796 = arith.index_cast %while3A_710 : i32 to index
      %swap3A_797 = arith.constant 0 : index
      %swap3A_798 = tpu.vector_load %arg17[%swap3A_796, %swap3A_797] {strides = array<i32>} : memref<512x16xf32, #tpu.memory_space<vmem>>, vector<16xf32>,
      tpu.vector_store %arg17[%swap3A_796, %swap3A_797], %add3A_795 {strides = array<i32>} : memref<512x16xf32, #tpu.memory_space<vmem>>, vector<16xf32>,
    }
    %while3A_297 = arith.constant 1 : i32
    scf.for %while3A_710 = %while3A_295 to %while3A_291 step %while3A_297  : i32 {
      %get3A_711 = arith.index_cast %while3A_710 : i32 to index
      %get3A_712 = tpu.vector_load %arg13[%get3A_711] {strides = array<i32>} : memref<768xi32, #tpu.memory_space<vmem>>, vector<16xi32>,
      %reduce_min3A_713 = arith.constant true
      %reduce_min3A_714 = vector.broadcast %reduce_min3A_713 : i1 to vector<16xi1>
      %reduce_min3A_715 = arith.constant -2147483648 : i32
      %reduce_min3A_716 = vector.broadcast %reduce_min3A_715 : i32 to vector<16xi32>
      %reduce_min3A_717 = arith.xori %get3A_712, %reduce_min3A_716 : vector<16xi32>
      %reduce_min3A_718 = tpu.scan <min>, %reduce_min3A_717 masked %reduce_min3A_714 : vector<16xi32>, vector<16xi1> -> vector<16xi32>
      %reduce_min3A_719 = arith.xori %reduce_min3A_718, %reduce_min3A_716 : vector<16xi32>
      %reduce_min3A_720 = vector.extract %reduce_min3A_719[15] : i32 from vector<16xi32>
      %max3A = arith.constant 128 : i32
      %max3A_721 = arith.maxsi %reduce_min3A_720, %max3A : i32
      %add3A_722 = arith.constant 1 : i32
      %add3A_723 = arith.addi %while3A_710, %add3A_722 : i32
      %get3A_724 = arith.index_cast %add3A_723 : i32 to index
      %get3A_725 = tpu.vector_load %arg13[%get3A_724] {strides = array<i32>} : memref<768xi32, #tpu.memory_space<vmem>>, vector<16xi32>,
      %reduce_min3A_726 = arith.constant true
      %reduce_min3A_727 = vector.broadcast %reduce_min3A_726 : i1 to vector<16xi1>
      %reduce_min3A_728 = arith.constant -2147483648 : i32
      %reduce_min3A_729 = vector.broadcast %reduce_min3A_728 : i32 to vector<16xi32>
      %reduce_min3A_730 = arith.xori %get3A_725, %reduce_min3A_729 : vector<16xi32>
      %reduce_min3A_731 = tpu.scan <min>, %reduce_min3A_730 masked %reduce_min3A_727 : vector<16xi32>, vector<16xi1> -> vector<16xi32>
      %reduce_min3A_732 = arith.xori %reduce_min3A_731, %reduce_min3A_729 : vector<16xi32>
      %reduce_min3A_733 = vector.extract %reduce_min3A_732[15] : i32 from vector<16xi32>
      %min3A = arith.constant 256 : i32
      %min3A_734 = arith.minsi %reduce_min3A_733, %min3A : i32
      %parallel_loop3A = arith.constant 1 : i32
      %parallel_loop3A_735:9 = scf.for %parallel_loop3A_799 = %max3A_721 to %min3A_734 step %parallel_loop3A iter_args(%parallel_loop3A_800 = %broadcast_in_dim3A_222, %parallel_loop3A_801 = %broadcast_in_dim3A_222, %parallel_loop3A_802 = %broadcast_in_dim3A_222, %parallel_loop3A_803 = %broadcast_in_dim3A_222, %parallel_loop3A_804 = %broadcast_in_dim3A_222, %parallel_loop3A_805 = %broadcast_in_dim3A_222, %parallel_loop3A_806 = %broadcast_in_dim3A_222, %parallel_loop3A_807 = %broadcast_in_dim3A_222, %parallel_loop3A_808 = %broadcast_in_dim3A_222) -> (vector<16xf32>, vector<16xf32>, vector<16xf32>, vector<16xf32>, vector<16xf32>, vector<16xf32>, vector<16xf32>, vector<16xf32>, vector<16xf32>)  : i32 {
        %parallel_loop3A_809 = arith.index_cast %parallel_loop3A_799 : i32 to index
        %parallel_loop3A_810 = arith.constant 0 : index
        %parallel_loop3A_811 = tpu.vector_load %arg10[%parallel_loop3A_809, %parallel_loop3A_810] {strides = array<i32>} : memref<512x16xf32, #tpu.memory_space<vmem>>, vector<16xf32>,
        %parallel_loop3A_812 = arith.constant 128 : i32
        %parallel_loop3A_813 = arith.subi %parallel_loop3A_799, %parallel_loop3A_812 : i32
        %parallel_loop3A_814 = arith.index_cast %parallel_loop3A_813 : i32 to index
        %parallel_loop3A_815 = arith.constant 0 : index
        %parallel_loop3A_816 = tpu.vector_load %arg9[%parallel_loop3A_814, %parallel_loop3A_815] {strides = array<i32>} : memref<128x128xf32, #tpu.memory_space<vmem>>, vector<16xf32>,
        %parallel_loop3A_817 = arith.mulf %parallel_loop3A_816, %parallel_loop3A_811 : vector<16xf32>
        %parallel_loop3A_818 = arith.addf %parallel_loop3A_800, %parallel_loop3A_817 : vector<16xf32>
        %parallel_loop3A_819 = arith.constant 128 : i32
        %parallel_loop3A_820 = arith.subi %parallel_loop3A_799, %parallel_loop3A_819 : i32
        %parallel_loop3A_821 = arith.index_cast %parallel_loop3A_820 : i32 to index
        %parallel_loop3A_822 = arith.constant 16 : index
        %parallel_loop3A_823 = tpu.vector_load %arg9[%parallel_loop3A_821, %parallel_loop3A_822] {strides = array<i32>} : memref<128x128xf32, #tpu.memory_space<vmem>>, vector<16xf32>,
        %parallel_loop3A_824 = arith.mulf %parallel_loop3A_823, %parallel_loop3A_811 : vector<16xf32>
        %parallel_loop3A_825 = arith.addf %parallel_loop3A_801, %parallel_loop3A_824 : vector<16xf32>
        %parallel_loop3A_826 = arith.constant 128 : i32
        %parallel_loop3A_827 = arith.subi %parallel_loop3A_799, %parallel_loop3A_826 : i32
        %parallel_loop3A_828 = arith.index_cast %parallel_loop3A_827 : i32 to index
        %parallel_loop3A_829 = arith.constant 32 : index
        %parallel_loop3A_830 = tpu.vector_load %arg9[%parallel_loop3A_828, %parallel_loop3A_829] {strides = array<i32>} : memref<128x128xf32, #tpu.memory_space<vmem>>, vector<16xf32>,
        %parallel_loop3A_831 = arith.mulf %parallel_loop3A_830, %parallel_loop3A_811 : vector<16xf32>
        %parallel_loop3A_832 = arith.addf %parallel_loop3A_802, %parallel_loop3A_831 : vector<16xf32>
        %parallel_loop3A_833 = arith.constant 128 : i32
        %parallel_loop3A_834 = arith.subi %parallel_loop3A_799, %parallel_loop3A_833 : i32
        %parallel_loop3A_835 = arith.index_cast %parallel_loop3A_834 : i32 to index
        %parallel_loop3A_836 = arith.constant 48 : index
        %parallel_loop3A_837 = tpu.vector_load %arg9[%parallel_loop3A_835, %parallel_loop3A_836] {strides = array<i32>} : memref<128x128xf32, #tpu.memory_space<vmem>>, vector<16xf32>,
        %parallel_loop3A_838 = arith.mulf %parallel_loop3A_837, %parallel_loop3A_811 : vector<16xf32>
        %parallel_loop3A_839 = arith.addf %parallel_loop3A_803, %parallel_loop3A_838 : vector<16xf32>
        %parallel_loop3A_840 = arith.constant 128 : i32
        %parallel_loop3A_841 = arith.subi %parallel_loop3A_799, %parallel_loop3A_840 : i32
        %parallel_loop3A_842 = arith.index_cast %parallel_loop3A_841 : i32 to index
        %parallel_loop3A_843 = arith.constant 64 : index
        %parallel_loop3A_844 = tpu.vector_load %arg9[%parallel_loop3A_842, %parallel_loop3A_843] {strides = array<i32>} : memref<128x128xf32, #tpu.memory_space<vmem>>, vector<16xf32>,
        %parallel_loop3A_845 = arith.mulf %parallel_loop3A_844, %parallel_loop3A_811 : vector<16xf32>
        %parallel_loop3A_846 = arith.addf %parallel_loop3A_804, %parallel_loop3A_845 : vector<16xf32>
        %parallel_loop3A_847 = arith.constant 128 : i32
        %parallel_loop3A_848 = arith.subi %parallel_loop3A_799, %parallel_loop3A_847 : i32
        %parallel_loop3A_849 = arith.index_cast %parallel_loop3A_848 : i32 to index
        %parallel_loop3A_850 = arith.constant 80 : index
        %parallel_loop3A_851 = tpu.vector_load %arg9[%parallel_loop3A_849, %parallel_loop3A_850] {strides = array<i32>} : memref<128x128xf32, #tpu.memory_space<vmem>>, vector<16xf32>,
        %parallel_loop3A_852 = arith.mulf %parallel_loop3A_851, %parallel_loop3A_811 : vector<16xf32>
        %parallel_loop3A_853 = arith.addf %parallel_loop3A_805, %parallel_loop3A_852 : vector<16xf32>
        %parallel_loop3A_854 = arith.constant 128 : i32
        %parallel_loop3A_855 = arith.subi %parallel_loop3A_799, %parallel_loop3A_854 : i32
        %parallel_loop3A_856 = arith.index_cast %parallel_loop3A_855 : i32 to index
        %parallel_loop3A_857 = arith.constant 96 : index
        %parallel_loop3A_858 = tpu.vector_load %arg9[%parallel_loop3A_856, %parallel_loop3A_857] {strides = array<i32>} : memref<128x128xf32, #tpu.memory_space<vmem>>, vector<16xf32>,
        %parallel_loop3A_859 = arith.mulf %parallel_loop3A_858, %parallel_loop3A_811 : vector<16xf32>
        %parallel_loop3A_860 = arith.addf %parallel_loop3A_806, %parallel_loop3A_859 : vector<16xf32>
        %parallel_loop3A_861 = arith.constant 128 : i32
        %parallel_loop3A_862 = arith.subi %parallel_loop3A_799, %parallel_loop3A_861 : i32
        %parallel_loop3A_863 = arith.index_cast %parallel_loop3A_862 : i32 to index
        %parallel_loop3A_864 = arith.constant 112 : index
        %parallel_loop3A_865 = tpu.vector_load %arg9[%parallel_loop3A_863, %parallel_loop3A_864] {strides = array<i32>} : memref<128x128xf32, #tpu.memory_space<vmem>>, vector<16xf32>,
        %parallel_loop3A_866 = arith.mulf %parallel_loop3A_865, %parallel_loop3A_811 : vector<16xf32>
        %parallel_loop3A_867 = arith.addf %parallel_loop3A_807, %parallel_loop3A_866 : vector<16xf32>
        %parallel_loop3A_868 = arith.addf %parallel_loop3A_808, %parallel_loop3A_811 : vector<16xf32>
        scf.yield %parallel_loop3A_818, %parallel_loop3A_825, %parallel_loop3A_832, %parallel_loop3A_839, %parallel_loop3A_846, %parallel_loop3A_853, %parallel_loop3A_860, %parallel_loop3A_867, %parallel_loop3A_868 : vector<16xf32>, vector<16xf32>, vector<16xf32>, vector<16xf32>, vector<16xf32>, vector<16xf32>, vector<16xf32>, vector<16xf32>, vector<16xf32>
      } {sc.loop_unroll_factor = 2 : i64, sc.parallel_access}
      %get3A_736 = arith.index_cast %while3A_710 : i32 to index
      %get3A_737 = arith.constant 0 : index
      %get3A_738 = tpu.vector_load %arg16[%get3A_736, %get3A_737] {strides = array<i32>} : memref<512x128xf32, #tpu.memory_space<vmem>>, vector<16xf32>,
      %add3A_739 = arith.addf %get3A_738, %parallel_loop3A_735#0 : vector<16xf32>
      %swap3A_740 = arith.index_cast %while3A_710 : i32 to index
      %swap3A_741 = arith.constant 0 : index
      %swap3A_742 = tpu.vector_load %arg16[%swap3A_740, %swap3A_741] {strides = array<i32>} : memref<512x128xf32, #tpu.memory_space<vmem>>, vector<16xf32>,
      tpu.vector_store %arg16[%swap3A_740, %swap3A_741], %add3A_739 {strides = array<i32>} : memref<512x128xf32, #tpu.memory_space<vmem>>, vector<16xf32>,
      %get3A_743 = arith.index_cast %while3A_710 : i32 to index
      %get3A_744 = arith.constant 16 : index
      %get3A_745 = tpu.vector_load %arg16[%get3A_743, %get3A_744] {strides = array<i32>} : memref<512x128xf32, #tpu.memory_space<vmem>>, vector<16xf32>,
      %add3A_746 = arith.addf %get3A_745, %parallel_loop3A_735#1 : vector<16xf32>
      %swap3A_747 = arith.index_cast %while3A_710 : i32 to index
      %swap3A_748 = arith.constant 16 : index
      %swap3A_749 = tpu.vector_load %arg16[%swap3A_747, %swap3A_748] {strides = array<i32>} : memref<512x128xf32, #tpu.memory_space<vmem>>, vector<16xf32>,
      tpu.vector_store %arg16[%swap3A_747, %swap3A_748], %add3A_746 {strides = array<i32>} : memref<512x128xf32, #tpu.memory_space<vmem>>, vector<16xf32>,
      %get3A_750 = arith.index_cast %while3A_710 : i32 to index
      %get3A_751 = arith.constant 32 : index
      %get3A_752 = tpu.vector_load %arg16[%get3A_750, %get3A_751] {strides = array<i32>} : memref<512x128xf32, #tpu.memory_space<vmem>>, vector<16xf32>,
      %add3A_753 = arith.addf %get3A_752, %parallel_loop3A_735#2 : vector<16xf32>
      %swap3A_754 = arith.index_cast %while3A_710 : i32 to index
      %swap3A_755 = arith.constant 32 : index
      %swap3A_756 = tpu.vector_load %arg16[%swap3A_754, %swap3A_755] {strides = array<i32>} : memref<512x128xf32, #tpu.memory_space<vmem>>, vector<16xf32>,
      tpu.vector_store %arg16[%swap3A_754, %swap3A_755], %add3A_753 {strides = array<i32>} : memref<512x128xf32, #tpu.memory_space<vmem>>, vector<16xf32>,
      %get3A_757 = arith.index_cast %while3A_710 : i32 to index
      %get3A_758 = arith.constant 48 : index
      %get3A_759 = tpu.vector_load %arg16[%get3A_757, %get3A_758] {strides = array<i32>} : memref<512x128xf32, #tpu.memory_space<vmem>>, vector<16xf32>,
      %add3A_760 = arith.addf %get3A_759, %parallel_loop3A_735#3 : vector<16xf32>
      %swap3A_761 = arith.index_cast %while3A_710 : i32 to index
      %swap3A_762 = arith.constant 48 : index
      %swap3A_763 = tpu.vector_load %arg16[%swap3A_761, %swap3A_762] {strides = array<i32>} : memref<512x128xf32, #tpu.memory_space<vmem>>, vector<16xf32>,
      tpu.vector_store %arg16[%swap3A_761, %swap3A_762], %add3A_760 {strides = array<i32>} : memref<512x128xf32, #tpu.memory_space<vmem>>, vector<16xf32>,
      %get3A_764 = arith.index_cast %while3A_710 : i32 to index
      %get3A_765 = arith.constant 64 : index
      %get3A_766 = tpu.vector_load %arg16[%get3A_764, %get3A_765] {strides = array<i32>} : memref<512x128xf32, #tpu.memory_space<vmem>>, vector<16xf32>,
      %add3A_767 = arith.addf %get3A_766, %parallel_loop3A_735#4 : vector<16xf32>
      %swap3A_768 = arith.index_cast %while3A_710 : i32 to index
      %swap3A_769 = arith.constant 64 : index
      %swap3A_770 = tpu.vector_load %arg16[%swap3A_768, %swap3A_769] {strides = array<i32>} : memref<512x128xf32, #tpu.memory_space<vmem>>, vector<16xf32>,
      tpu.vector_store %arg16[%swap3A_768, %swap3A_769], %add3A_767 {strides = array<i32>} : memref<512x128xf32, #tpu.memory_space<vmem>>, vector<16xf32>,
      %get3A_771 = arith.index_cast %while3A_710 : i32 to index
      %get3A_772 = arith.constant 80 : index
      %get3A_773 = tpu.vector_load %arg16[%get3A_771, %get3A_772] {strides = array<i32>} : memref<512x128xf32, #tpu.memory_space<vmem>>, vector<16xf32>,
      %add3A_774 = arith.addf %get3A_773, %parallel_loop3A_735#5 : vector<16xf32>
      %swap3A_775 = arith.index_cast %while3A_710 : i32 to index
      %swap3A_776 = arith.constant 80 : index
      %swap3A_777 = tpu.vector_load %arg16[%swap3A_775, %swap3A_776] {strides = array<i32>} : memref<512x128xf32, #tpu.memory_space<vmem>>, vector<16xf32>,
      tpu.vector_store %arg16[%swap3A_775, %swap3A_776], %add3A_774 {strides = array<i32>} : memref<512x128xf32, #tpu.memory_space<vmem>>, vector<16xf32>,
      %get3A_778 = arith.index_cast %while3A_710 : i32 to index
      %get3A_779 = arith.constant 96 : index
      %get3A_780 = tpu.vector_load %arg16[%get3A_778, %get3A_779] {strides = array<i32>} : memref<512x128xf32, #tpu.memory_space<vmem>>, vector<16xf32>,
      %add3A_781 = arith.addf %get3A_780, %parallel_loop3A_735#6 : vector<16xf32>
      %swap3A_782 = arith.index_cast %while3A_710 : i32 to index
      %swap3A_783 = arith.constant 96 : index
      %swap3A_784 = tpu.vector_load %arg16[%swap3A_782, %swap3A_783] {strides = array<i32>} : memref<512x128xf32, #tpu.memory_space<vmem>>, vector<16xf32>,
      tpu.vector_store %arg16[%swap3A_782, %swap3A_783], %add3A_781 {strides = array<i32>} : memref<512x128xf32, #tpu.memory_space<vmem>>, vector<16xf32>,
      %get3A_785 = arith.index_cast %while3A_710 : i32 to index
      %get3A_786 = arith.constant 112 : index
      %get3A_787 = tpu.vector_load %arg16[%get3A_785, %get3A_786] {strides = array<i32>} : memref<512x128xf32, #tpu.memory_space<vmem>>, vector<16xf32>,
      %add3A_788 = arith.addf %get3A_787, %parallel_loop3A_735#7 : vector<16xf32>
      %swap3A_789 = arith.index_cast %while3A_710 : i32 to index
      %swap3A_790 = arith.constant 112 : index
      %swap3A_791 = tpu.vector_load %arg16[%swap3A_789, %swap3A_790] {strides = array<i32>} : memref<512x128xf32, #tpu.memory_space<vmem>>, vector<16xf32>,
      tpu.vector_store %arg16[%swap3A_789, %swap3A_790], %add3A_788 {strides = array<i32>} : memref<512x128xf32, #tpu.memory_space<vmem>>, vector<16xf32>,
      %get3A_792 = arith.index_cast %while3A_710 : i32 to index
      %get3A_793 = arith.constant 0 : index
      %get3A_794 = tpu.vector_load %arg17[%get3A_792, %get3A_793] {strides = array<i32>} : memref<512x16xf32, #tpu.memory_space<vmem>>, vector<16xf32>,
      %add3A_795 = arith.addf %get3A_794, %parallel_loop3A_735#8 : vector<16xf32>
      %swap3A_796 = arith.index_cast %while3A_710 : i32 to index
      %swap3A_797 = arith.constant 0 : index
      %swap3A_798 = tpu.vector_load %arg17[%swap3A_796, %swap3A_797] {strides = array<i32>} : memref<512x16xf32, #tpu.memory_space<vmem>>, vector<16xf32>,
      tpu.vector_store %arg17[%swap3A_796, %swap3A_797], %add3A_795 {strides = array<i32>} : memref<512x16xf32, #tpu.memory_space<vmem>>, vector<16xf32>,
    }
    %add3A_298 = arith.constant 384 : i32
    %add3A_299 = arith.addi %mul3A_2, %add3A_298 : i32
    %dma_start3A_300 = arith.constant 0 : i32
    %dma_start3A_301 = tpu.memref_slice %arg2[%add3A_299, %dma_start3A_300] : memref<16384x128xf32, #tpu.memory_space<hbm>> -> memref<128x128xf32, #tpu.memory_space<hbm>>
    %dma_start3A_302 = arith.constant 0 : i32
    %dma_start3A_303 = tpu.memref_slice %arg2[%add3A_299, %dma_start3A_302] : memref<16384x128xf32, #tpu.memory_space<hbm>> -> memref<128x128xf32, #tpu.memory_space<hbm>>
    tpu.enqueue_dma source(%dma_start3A_303 : memref<128x128xf32, #tpu.memory_space<hbm>>) target(%arg9 : memref<128x128xf32, #tpu.memory_space<vmem>>) target_semaphore(%arg21 : memref<!tpu.dma_semaphore, #tpu.memory_space<semaphore_mem>>)
    %dma_wait3A_304 = arith.constant 0 : i32
    %dma_wait3A_305 = tpu.memref_slice %arg2[%add3A_258, %dma_wait3A_304] : memref<16384x128xf32, #tpu.memory_space<hbm>> -> memref<128x128xf32, #tpu.memory_space<hbm>>
    %dma_wait3A_306 = arith.constant 0 : i32
    %dma_wait3A_307 = tpu.memref_slice %arg2[%add3A_258, %dma_wait3A_306] : memref<16384x128xf32, #tpu.memory_space<hbm>> -> memref<128x128xf32, #tpu.memory_space<hbm>>
    tpu.wait_dma2 semaphore(%arg20 : memref<!tpu.dma_semaphore, #tpu.memory_space<semaphore_mem>>) src(%dma_wait3A_307 : memref<128x128xf32, #tpu.memory_space<hbm>>) dst(%arg8 : memref<128x128xf32, #tpu.memory_space<vmem>>)
    %get3A_308 = arith.constant 256 : index
    %get3A_309 = tpu.vector_load %arg12[%get3A_308] {strides = array<i32>} : memref<512xi32, #tpu.memory_space<vmem>>, vector<16xi32>,
    %reduce_min3A_310 = arith.constant true
    %reduce_min3A_311 = vector.broadcast %reduce_min3A_310 : i1 to vector<16xi1>
    %reduce_min3A_312 = arith.constant -2147483648 : i32
    %reduce_min3A_313 = vector.broadcast %reduce_min3A_312 : i32 to vector<16xi32>
    %reduce_min3A_314 = arith.xori %get3A_309, %reduce_min3A_313 : vector<16xi32>
    %reduce_min3A_315 = tpu.scan <min>, %reduce_min3A_314 masked %reduce_min3A_311 : vector<16xi32>, vector<16xi1> -> vector<16xi32>
    %reduce_min3A_316 = arith.xori %reduce_min3A_315, %reduce_min3A_313 : vector<16xi32>
    %reduce_min3A_317 = vector.extract %reduce_min3A_316[15] : i32 from vector<16xi32>
    %get3A_318 = arith.constant 368 : index
    %get3A_319 = tpu.vector_load %arg12[%get3A_318] {strides = array<i32>} : memref<512xi32, #tpu.memory_space<vmem>>, vector<16xi32>,
    %reduce_max3A_320 = arith.constant true
    %reduce_max3A_321 = vector.broadcast %reduce_max3A_320 : i1 to vector<16xi1>
    %reduce_max3A_322 = arith.constant -2147483648 : i32
    %reduce_max3A_323 = vector.broadcast %reduce_max3A_322 : i32 to vector<16xi32>
    %reduce_max3A_324 = arith.xori %get3A_319, %reduce_max3A_323 : vector<16xi32>
    %reduce_max3A_325 = tpu.scan <max>, %reduce_max3A_324 masked %reduce_max3A_321 : vector<16xi32>, vector<16xi1> -> vector<16xi32>
    %reduce_max3A_326 = arith.xori %reduce_max3A_325, %reduce_max3A_323 : vector<16xi32>
    %reduce_max3A_327 = vector.extract %reduce_max3A_326[15] : i32 from vector<16xi32>
    %add3A_328 = arith.constant 1 : i32
    %add3A_329 = arith.addi %reduce_max3A_327, %add3A_328 : i32
    %while3A_330 = arith.constant 0 : i32
    %while3A_331 = arith.subi %add3A_329, %reduce_min3A_317 : i32
    %while3A_332 = arith.addi %reduce_min3A_317, %while3A_331 : i32
    %while3A_333 = arith.constant 1 : i32
    %while3A_334 = arith.divsi %while3A_331, %while3A_333 : i32
    %while3A_335 = arith.muli %while3A_334, %while3A_333 : i32
    %while3A_336 = arith.addi %reduce_min3A_317, %while3A_335 : i32
    %while3A_337 = arith.constant 1 : i32
    scf.for %while3A_710 = %reduce_min3A_317 to %while3A_336 step %while3A_337  : i32 {
      %get3A_711 = arith.index_cast %while3A_710 : i32 to index
      %get3A_712 = tpu.vector_load %arg13[%get3A_711] {strides = array<i32>} : memref<768xi32, #tpu.memory_space<vmem>>, vector<16xi32>,
      %reduce_min3A_713 = arith.constant true
      %reduce_min3A_714 = vector.broadcast %reduce_min3A_713 : i1 to vector<16xi1>
      %reduce_min3A_715 = arith.constant -2147483648 : i32
      %reduce_min3A_716 = vector.broadcast %reduce_min3A_715 : i32 to vector<16xi32>
      %reduce_min3A_717 = arith.xori %get3A_712, %reduce_min3A_716 : vector<16xi32>
      %reduce_min3A_718 = tpu.scan <min>, %reduce_min3A_717 masked %reduce_min3A_714 : vector<16xi32>, vector<16xi1> -> vector<16xi32>
      %reduce_min3A_719 = arith.xori %reduce_min3A_718, %reduce_min3A_716 : vector<16xi32>
      %reduce_min3A_720 = vector.extract %reduce_min3A_719[15] : i32 from vector<16xi32>
      %max3A = arith.constant 256 : i32
      %max3A_721 = arith.maxsi %reduce_min3A_720, %max3A : i32
      %add3A_722 = arith.constant 1 : i32
      %add3A_723 = arith.addi %while3A_710, %add3A_722 : i32
      %get3A_724 = arith.index_cast %add3A_723 : i32 to index
      %get3A_725 = tpu.vector_load %arg13[%get3A_724] {strides = array<i32>} : memref<768xi32, #tpu.memory_space<vmem>>, vector<16xi32>,
      %reduce_min3A_726 = arith.constant true
      %reduce_min3A_727 = vector.broadcast %reduce_min3A_726 : i1 to vector<16xi1>
      %reduce_min3A_728 = arith.constant -2147483648 : i32
      %reduce_min3A_729 = vector.broadcast %reduce_min3A_728 : i32 to vector<16xi32>
      %reduce_min3A_730 = arith.xori %get3A_725, %reduce_min3A_729 : vector<16xi32>
      %reduce_min3A_731 = tpu.scan <min>, %reduce_min3A_730 masked %reduce_min3A_727 : vector<16xi32>, vector<16xi1> -> vector<16xi32>
      %reduce_min3A_732 = arith.xori %reduce_min3A_731, %reduce_min3A_729 : vector<16xi32>
      %reduce_min3A_733 = vector.extract %reduce_min3A_732[15] : i32 from vector<16xi32>
      %min3A = arith.constant 384 : i32
      %min3A_734 = arith.minsi %reduce_min3A_733, %min3A : i32
      %parallel_loop3A = arith.constant 1 : i32
      %parallel_loop3A_735:9 = scf.for %parallel_loop3A_799 = %max3A_721 to %min3A_734 step %parallel_loop3A iter_args(%parallel_loop3A_800 = %broadcast_in_dim3A_222, %parallel_loop3A_801 = %broadcast_in_dim3A_222, %parallel_loop3A_802 = %broadcast_in_dim3A_222, %parallel_loop3A_803 = %broadcast_in_dim3A_222, %parallel_loop3A_804 = %broadcast_in_dim3A_222, %parallel_loop3A_805 = %broadcast_in_dim3A_222, %parallel_loop3A_806 = %broadcast_in_dim3A_222, %parallel_loop3A_807 = %broadcast_in_dim3A_222, %parallel_loop3A_808 = %broadcast_in_dim3A_222) -> (vector<16xf32>, vector<16xf32>, vector<16xf32>, vector<16xf32>, vector<16xf32>, vector<16xf32>, vector<16xf32>, vector<16xf32>, vector<16xf32>)  : i32 {
        %parallel_loop3A_809 = arith.index_cast %parallel_loop3A_799 : i32 to index
        %parallel_loop3A_810 = arith.constant 0 : index
        %parallel_loop3A_811 = tpu.vector_load %arg10[%parallel_loop3A_809, %parallel_loop3A_810] {strides = array<i32>} : memref<512x16xf32, #tpu.memory_space<vmem>>, vector<16xf32>,
        %parallel_loop3A_812 = arith.constant 256 : i32
        %parallel_loop3A_813 = arith.subi %parallel_loop3A_799, %parallel_loop3A_812 : i32
        %parallel_loop3A_814 = arith.index_cast %parallel_loop3A_813 : i32 to index
        %parallel_loop3A_815 = arith.constant 0 : index
        %parallel_loop3A_816 = tpu.vector_load %arg8[%parallel_loop3A_814, %parallel_loop3A_815] {strides = array<i32>} : memref<128x128xf32, #tpu.memory_space<vmem>>, vector<16xf32>,
        %parallel_loop3A_817 = arith.mulf %parallel_loop3A_816, %parallel_loop3A_811 : vector<16xf32>
        %parallel_loop3A_818 = arith.addf %parallel_loop3A_800, %parallel_loop3A_817 : vector<16xf32>
        %parallel_loop3A_819 = arith.constant 256 : i32
        %parallel_loop3A_820 = arith.subi %parallel_loop3A_799, %parallel_loop3A_819 : i32
        %parallel_loop3A_821 = arith.index_cast %parallel_loop3A_820 : i32 to index
        %parallel_loop3A_822 = arith.constant 16 : index
        %parallel_loop3A_823 = tpu.vector_load %arg8[%parallel_loop3A_821, %parallel_loop3A_822] {strides = array<i32>} : memref<128x128xf32, #tpu.memory_space<vmem>>, vector<16xf32>,
        %parallel_loop3A_824 = arith.mulf %parallel_loop3A_823, %parallel_loop3A_811 : vector<16xf32>
        %parallel_loop3A_825 = arith.addf %parallel_loop3A_801, %parallel_loop3A_824 : vector<16xf32>
        %parallel_loop3A_826 = arith.constant 256 : i32
        %parallel_loop3A_827 = arith.subi %parallel_loop3A_799, %parallel_loop3A_826 : i32
        %parallel_loop3A_828 = arith.index_cast %parallel_loop3A_827 : i32 to index
        %parallel_loop3A_829 = arith.constant 32 : index
        %parallel_loop3A_830 = tpu.vector_load %arg8[%parallel_loop3A_828, %parallel_loop3A_829] {strides = array<i32>} : memref<128x128xf32, #tpu.memory_space<vmem>>, vector<16xf32>,
        %parallel_loop3A_831 = arith.mulf %parallel_loop3A_830, %parallel_loop3A_811 : vector<16xf32>
        %parallel_loop3A_832 = arith.addf %parallel_loop3A_802, %parallel_loop3A_831 : vector<16xf32>
        %parallel_loop3A_833 = arith.constant 256 : i32
        %parallel_loop3A_834 = arith.subi %parallel_loop3A_799, %parallel_loop3A_833 : i32
        %parallel_loop3A_835 = arith.index_cast %parallel_loop3A_834 : i32 to index
        %parallel_loop3A_836 = arith.constant 48 : index
        %parallel_loop3A_837 = tpu.vector_load %arg8[%parallel_loop3A_835, %parallel_loop3A_836] {strides = array<i32>} : memref<128x128xf32, #tpu.memory_space<vmem>>, vector<16xf32>,
        %parallel_loop3A_838 = arith.mulf %parallel_loop3A_837, %parallel_loop3A_811 : vector<16xf32>
        %parallel_loop3A_839 = arith.addf %parallel_loop3A_803, %parallel_loop3A_838 : vector<16xf32>
        %parallel_loop3A_840 = arith.constant 256 : i32
        %parallel_loop3A_841 = arith.subi %parallel_loop3A_799, %parallel_loop3A_840 : i32
        %parallel_loop3A_842 = arith.index_cast %parallel_loop3A_841 : i32 to index
        %parallel_loop3A_843 = arith.constant 64 : index
        %parallel_loop3A_844 = tpu.vector_load %arg8[%parallel_loop3A_842, %parallel_loop3A_843] {strides = array<i32>} : memref<128x128xf32, #tpu.memory_space<vmem>>, vector<16xf32>,
        %parallel_loop3A_845 = arith.mulf %parallel_loop3A_844, %parallel_loop3A_811 : vector<16xf32>
        %parallel_loop3A_846 = arith.addf %parallel_loop3A_804, %parallel_loop3A_845 : vector<16xf32>
        %parallel_loop3A_847 = arith.constant 256 : i32
        %parallel_loop3A_848 = arith.subi %parallel_loop3A_799, %parallel_loop3A_847 : i32
        %parallel_loop3A_849 = arith.index_cast %parallel_loop3A_848 : i32 to index
        %parallel_loop3A_850 = arith.constant 80 : index
        %parallel_loop3A_851 = tpu.vector_load %arg8[%parallel_loop3A_849, %parallel_loop3A_850] {strides = array<i32>} : memref<128x128xf32, #tpu.memory_space<vmem>>, vector<16xf32>,
        %parallel_loop3A_852 = arith.mulf %parallel_loop3A_851, %parallel_loop3A_811 : vector<16xf32>
        %parallel_loop3A_853 = arith.addf %parallel_loop3A_805, %parallel_loop3A_852 : vector<16xf32>
        %parallel_loop3A_854 = arith.constant 256 : i32
        %parallel_loop3A_855 = arith.subi %parallel_loop3A_799, %parallel_loop3A_854 : i32
        %parallel_loop3A_856 = arith.index_cast %parallel_loop3A_855 : i32 to index
        %parallel_loop3A_857 = arith.constant 96 : index
        %parallel_loop3A_858 = tpu.vector_load %arg8[%parallel_loop3A_856, %parallel_loop3A_857] {strides = array<i32>} : memref<128x128xf32, #tpu.memory_space<vmem>>, vector<16xf32>,
        %parallel_loop3A_859 = arith.mulf %parallel_loop3A_858, %parallel_loop3A_811 : vector<16xf32>
        %parallel_loop3A_860 = arith.addf %parallel_loop3A_806, %parallel_loop3A_859 : vector<16xf32>
        %parallel_loop3A_861 = arith.constant 256 : i32
        %parallel_loop3A_862 = arith.subi %parallel_loop3A_799, %parallel_loop3A_861 : i32
        %parallel_loop3A_863 = arith.index_cast %parallel_loop3A_862 : i32 to index
        %parallel_loop3A_864 = arith.constant 112 : index
        %parallel_loop3A_865 = tpu.vector_load %arg8[%parallel_loop3A_863, %parallel_loop3A_864] {strides = array<i32>} : memref<128x128xf32, #tpu.memory_space<vmem>>, vector<16xf32>,
        %parallel_loop3A_866 = arith.mulf %parallel_loop3A_865, %parallel_loop3A_811 : vector<16xf32>
        %parallel_loop3A_867 = arith.addf %parallel_loop3A_807, %parallel_loop3A_866 : vector<16xf32>
        %parallel_loop3A_868 = arith.addf %parallel_loop3A_808, %parallel_loop3A_811 : vector<16xf32>
        scf.yield %parallel_loop3A_818, %parallel_loop3A_825, %parallel_loop3A_832, %parallel_loop3A_839, %parallel_loop3A_846, %parallel_loop3A_853, %parallel_loop3A_860, %parallel_loop3A_867, %parallel_loop3A_868 : vector<16xf32>, vector<16xf32>, vector<16xf32>, vector<16xf32>, vector<16xf32>, vector<16xf32>, vector<16xf32>, vector<16xf32>, vector<16xf32>
      } {sc.loop_unroll_factor = 2 : i64, sc.parallel_access}
      %get3A_736 = arith.index_cast %while3A_710 : i32 to index
      %get3A_737 = arith.constant 0 : index
      %get3A_738 = tpu.vector_load %arg16[%get3A_736, %get3A_737] {strides = array<i32>} : memref<512x128xf32, #tpu.memory_space<vmem>>, vector<16xf32>,
      %add3A_739 = arith.addf %get3A_738, %parallel_loop3A_735#0 : vector<16xf32>
      %swap3A_740 = arith.index_cast %while3A_710 : i32 to index
      %swap3A_741 = arith.constant 0 : index
      %swap3A_742 = tpu.vector_load %arg16[%swap3A_740, %swap3A_741] {strides = array<i32>} : memref<512x128xf32, #tpu.memory_space<vmem>>, vector<16xf32>,
      tpu.vector_store %arg16[%swap3A_740, %swap3A_741], %add3A_739 {strides = array<i32>} : memref<512x128xf32, #tpu.memory_space<vmem>>, vector<16xf32>,
      %get3A_743 = arith.index_cast %while3A_710 : i32 to index
      %get3A_744 = arith.constant 16 : index
      %get3A_745 = tpu.vector_load %arg16[%get3A_743, %get3A_744] {strides = array<i32>} : memref<512x128xf32, #tpu.memory_space<vmem>>, vector<16xf32>,
      %add3A_746 = arith.addf %get3A_745, %parallel_loop3A_735#1 : vector<16xf32>
      %swap3A_747 = arith.index_cast %while3A_710 : i32 to index
      %swap3A_748 = arith.constant 16 : index
      %swap3A_749 = tpu.vector_load %arg16[%swap3A_747, %swap3A_748] {strides = array<i32>} : memref<512x128xf32, #tpu.memory_space<vmem>>, vector<16xf32>,
      tpu.vector_store %arg16[%swap3A_747, %swap3A_748], %add3A_746 {strides = array<i32>} : memref<512x128xf32, #tpu.memory_space<vmem>>, vector<16xf32>,
      %get3A_750 = arith.index_cast %while3A_710 : i32 to index
      %get3A_751 = arith.constant 32 : index
      %get3A_752 = tpu.vector_load %arg16[%get3A_750, %get3A_751] {strides = array<i32>} : memref<512x128xf32, #tpu.memory_space<vmem>>, vector<16xf32>,
      %add3A_753 = arith.addf %get3A_752, %parallel_loop3A_735#2 : vector<16xf32>
      %swap3A_754 = arith.index_cast %while3A_710 : i32 to index
      %swap3A_755 = arith.constant 32 : index
      %swap3A_756 = tpu.vector_load %arg16[%swap3A_754, %swap3A_755] {strides = array<i32>} : memref<512x128xf32, #tpu.memory_space<vmem>>, vector<16xf32>,
      tpu.vector_store %arg16[%swap3A_754, %swap3A_755], %add3A_753 {strides = array<i32>} : memref<512x128xf32, #tpu.memory_space<vmem>>, vector<16xf32>,
      %get3A_757 = arith.index_cast %while3A_710 : i32 to index
      %get3A_758 = arith.constant 48 : index
      %get3A_759 = tpu.vector_load %arg16[%get3A_757, %get3A_758] {strides = array<i32>} : memref<512x128xf32, #tpu.memory_space<vmem>>, vector<16xf32>,
      %add3A_760 = arith.addf %get3A_759, %parallel_loop3A_735#3 : vector<16xf32>
      %swap3A_761 = arith.index_cast %while3A_710 : i32 to index
      %swap3A_762 = arith.constant 48 : index
      %swap3A_763 = tpu.vector_load %arg16[%swap3A_761, %swap3A_762] {strides = array<i32>} : memref<512x128xf32, #tpu.memory_space<vmem>>, vector<16xf32>,
      tpu.vector_store %arg16[%swap3A_761, %swap3A_762], %add3A_760 {strides = array<i32>} : memref<512x128xf32, #tpu.memory_space<vmem>>, vector<16xf32>,
      %get3A_764 = arith.index_cast %while3A_710 : i32 to index
      %get3A_765 = arith.constant 64 : index
      %get3A_766 = tpu.vector_load %arg16[%get3A_764, %get3A_765] {strides = array<i32>} : memref<512x128xf32, #tpu.memory_space<vmem>>, vector<16xf32>,
      %add3A_767 = arith.addf %get3A_766, %parallel_loop3A_735#4 : vector<16xf32>
      %swap3A_768 = arith.index_cast %while3A_710 : i32 to index
      %swap3A_769 = arith.constant 64 : index
      %swap3A_770 = tpu.vector_load %arg16[%swap3A_768, %swap3A_769] {strides = array<i32>} : memref<512x128xf32, #tpu.memory_space<vmem>>, vector<16xf32>,
      tpu.vector_store %arg16[%swap3A_768, %swap3A_769], %add3A_767 {strides = array<i32>} : memref<512x128xf32, #tpu.memory_space<vmem>>, vector<16xf32>,
      %get3A_771 = arith.index_cast %while3A_710 : i32 to index
      %get3A_772 = arith.constant 80 : index
      %get3A_773 = tpu.vector_load %arg16[%get3A_771, %get3A_772] {strides = array<i32>} : memref<512x128xf32, #tpu.memory_space<vmem>>, vector<16xf32>,
      %add3A_774 = arith.addf %get3A_773, %parallel_loop3A_735#5 : vector<16xf32>
      %swap3A_775 = arith.index_cast %while3A_710 : i32 to index
      %swap3A_776 = arith.constant 80 : index
      %swap3A_777 = tpu.vector_load %arg16[%swap3A_775, %swap3A_776] {strides = array<i32>} : memref<512x128xf32, #tpu.memory_space<vmem>>, vector<16xf32>,
      tpu.vector_store %arg16[%swap3A_775, %swap3A_776], %add3A_774 {strides = array<i32>} : memref<512x128xf32, #tpu.memory_space<vmem>>, vector<16xf32>,
      %get3A_778 = arith.index_cast %while3A_710 : i32 to index
      %get3A_779 = arith.constant 96 : index
      %get3A_780 = tpu.vector_load %arg16[%get3A_778, %get3A_779] {strides = array<i32>} : memref<512x128xf32, #tpu.memory_space<vmem>>, vector<16xf32>,
      %add3A_781 = arith.addf %get3A_780, %parallel_loop3A_735#6 : vector<16xf32>
      %swap3A_782 = arith.index_cast %while3A_710 : i32 to index
      %swap3A_783 = arith.constant 96 : index
      %swap3A_784 = tpu.vector_load %arg16[%swap3A_782, %swap3A_783] {strides = array<i32>} : memref<512x128xf32, #tpu.memory_space<vmem>>, vector<16xf32>,
      tpu.vector_store %arg16[%swap3A_782, %swap3A_783], %add3A_781 {strides = array<i32>} : memref<512x128xf32, #tpu.memory_space<vmem>>, vector<16xf32>,
      %get3A_785 = arith.index_cast %while3A_710 : i32 to index
      %get3A_786 = arith.constant 112 : index
      %get3A_787 = tpu.vector_load %arg16[%get3A_785, %get3A_786] {strides = array<i32>} : memref<512x128xf32, #tpu.memory_space<vmem>>, vector<16xf32>,
      %add3A_788 = arith.addf %get3A_787, %parallel_loop3A_735#7 : vector<16xf32>
      %swap3A_789 = arith.index_cast %while3A_710 : i32 to index
      %swap3A_790 = arith.constant 112 : index
      %swap3A_791 = tpu.vector_load %arg16[%swap3A_789, %swap3A_790] {strides = array<i32>} : memref<512x128xf32, #tpu.memory_space<vmem>>, vector<16xf32>,
      tpu.vector_store %arg16[%swap3A_789, %swap3A_790], %add3A_788 {strides = array<i32>} : memref<512x128xf32, #tpu.memory_space<vmem>>, vector<16xf32>,
      %get3A_792 = arith.index_cast %while3A_710 : i32 to index
      %get3A_793 = arith.constant 0 : index
      %get3A_794 = tpu.vector_load %arg17[%get3A_792, %get3A_793] {strides = array<i32>} : memref<512x16xf32, #tpu.memory_space<vmem>>, vector<16xf32>,
      %add3A_795 = arith.addf %get3A_794, %parallel_loop3A_735#8 : vector<16xf32>
      %swap3A_796 = arith.index_cast %while3A_710 : i32 to index
      %swap3A_797 = arith.constant 0 : index
      %swap3A_798 = tpu.vector_load %arg17[%swap3A_796, %swap3A_797] {strides = array<i32>} : memref<512x16xf32, #tpu.memory_space<vmem>>, vector<16xf32>,
      tpu.vector_store %arg17[%swap3A_796, %swap3A_797], %add3A_795 {strides = array<i32>} : memref<512x16xf32, #tpu.memory_space<vmem>>, vector<16xf32>,
    }
    %while3A_338 = arith.constant 1 : i32
    scf.for %while3A_710 = %while3A_336 to %while3A_332 step %while3A_338  : i32 {
      %get3A_711 = arith.index_cast %while3A_710 : i32 to index
      %get3A_712 = tpu.vector_load %arg13[%get3A_711] {strides = array<i32>} : memref<768xi32, #tpu.memory_space<vmem>>, vector<16xi32>,
      %reduce_min3A_713 = arith.constant true
      %reduce_min3A_714 = vector.broadcast %reduce_min3A_713 : i1 to vector<16xi1>
      %reduce_min3A_715 = arith.constant -2147483648 : i32
      %reduce_min3A_716 = vector.broadcast %reduce_min3A_715 : i32 to vector<16xi32>
      %reduce_min3A_717 = arith.xori %get3A_712, %reduce_min3A_716 : vector<16xi32>
      %reduce_min3A_718 = tpu.scan <min>, %reduce_min3A_717 masked %reduce_min3A_714 : vector<16xi32>, vector<16xi1> -> vector<16xi32>
      %reduce_min3A_719 = arith.xori %reduce_min3A_718, %reduce_min3A_716 : vector<16xi32>
      %reduce_min3A_720 = vector.extract %reduce_min3A_719[15] : i32 from vector<16xi32>
      %max3A = arith.constant 256 : i32
      %max3A_721 = arith.maxsi %reduce_min3A_720, %max3A : i32
      %add3A_722 = arith.constant 1 : i32
      %add3A_723 = arith.addi %while3A_710, %add3A_722 : i32
      %get3A_724 = arith.index_cast %add3A_723 : i32 to index
      %get3A_725 = tpu.vector_load %arg13[%get3A_724] {strides = array<i32>} : memref<768xi32, #tpu.memory_space<vmem>>, vector<16xi32>,
      %reduce_min3A_726 = arith.constant true
      %reduce_min3A_727 = vector.broadcast %reduce_min3A_726 : i1 to vector<16xi1>
      %reduce_min3A_728 = arith.constant -2147483648 : i32
      %reduce_min3A_729 = vector.broadcast %reduce_min3A_728 : i32 to vector<16xi32>
      %reduce_min3A_730 = arith.xori %get3A_725, %reduce_min3A_729 : vector<16xi32>
      %reduce_min3A_731 = tpu.scan <min>, %reduce_min3A_730 masked %reduce_min3A_727 : vector<16xi32>, vector<16xi1> -> vector<16xi32>
      %reduce_min3A_732 = arith.xori %reduce_min3A_731, %reduce_min3A_729 : vector<16xi32>
      %reduce_min3A_733 = vector.extract %reduce_min3A_732[15] : i32 from vector<16xi32>
      %min3A = arith.constant 384 : i32
      %min3A_734 = arith.minsi %reduce_min3A_733, %min3A : i32
      %parallel_loop3A = arith.constant 1 : i32
      %parallel_loop3A_735:9 = scf.for %parallel_loop3A_799 = %max3A_721 to %min3A_734 step %parallel_loop3A iter_args(%parallel_loop3A_800 = %broadcast_in_dim3A_222, %parallel_loop3A_801 = %broadcast_in_dim3A_222, %parallel_loop3A_802 = %broadcast_in_dim3A_222, %parallel_loop3A_803 = %broadcast_in_dim3A_222, %parallel_loop3A_804 = %broadcast_in_dim3A_222, %parallel_loop3A_805 = %broadcast_in_dim3A_222, %parallel_loop3A_806 = %broadcast_in_dim3A_222, %parallel_loop3A_807 = %broadcast_in_dim3A_222, %parallel_loop3A_808 = %broadcast_in_dim3A_222) -> (vector<16xf32>, vector<16xf32>, vector<16xf32>, vector<16xf32>, vector<16xf32>, vector<16xf32>, vector<16xf32>, vector<16xf32>, vector<16xf32>)  : i32 {
        %parallel_loop3A_809 = arith.index_cast %parallel_loop3A_799 : i32 to index
        %parallel_loop3A_810 = arith.constant 0 : index
        %parallel_loop3A_811 = tpu.vector_load %arg10[%parallel_loop3A_809, %parallel_loop3A_810] {strides = array<i32>} : memref<512x16xf32, #tpu.memory_space<vmem>>, vector<16xf32>,
        %parallel_loop3A_812 = arith.constant 256 : i32
        %parallel_loop3A_813 = arith.subi %parallel_loop3A_799, %parallel_loop3A_812 : i32
        %parallel_loop3A_814 = arith.index_cast %parallel_loop3A_813 : i32 to index
        %parallel_loop3A_815 = arith.constant 0 : index
        %parallel_loop3A_816 = tpu.vector_load %arg8[%parallel_loop3A_814, %parallel_loop3A_815] {strides = array<i32>} : memref<128x128xf32, #tpu.memory_space<vmem>>, vector<16xf32>,
        %parallel_loop3A_817 = arith.mulf %parallel_loop3A_816, %parallel_loop3A_811 : vector<16xf32>
        %parallel_loop3A_818 = arith.addf %parallel_loop3A_800, %parallel_loop3A_817 : vector<16xf32>
        %parallel_loop3A_819 = arith.constant 256 : i32
        %parallel_loop3A_820 = arith.subi %parallel_loop3A_799, %parallel_loop3A_819 : i32
        %parallel_loop3A_821 = arith.index_cast %parallel_loop3A_820 : i32 to index
        %parallel_loop3A_822 = arith.constant 16 : index
        %parallel_loop3A_823 = tpu.vector_load %arg8[%parallel_loop3A_821, %parallel_loop3A_822] {strides = array<i32>} : memref<128x128xf32, #tpu.memory_space<vmem>>, vector<16xf32>,
        %parallel_loop3A_824 = arith.mulf %parallel_loop3A_823, %parallel_loop3A_811 : vector<16xf32>
        %parallel_loop3A_825 = arith.addf %parallel_loop3A_801, %parallel_loop3A_824 : vector<16xf32>
        %parallel_loop3A_826 = arith.constant 256 : i32
        %parallel_loop3A_827 = arith.subi %parallel_loop3A_799, %parallel_loop3A_826 : i32
        %parallel_loop3A_828 = arith.index_cast %parallel_loop3A_827 : i32 to index
        %parallel_loop3A_829 = arith.constant 32 : index
        %parallel_loop3A_830 = tpu.vector_load %arg8[%parallel_loop3A_828, %parallel_loop3A_829] {strides = array<i32>} : memref<128x128xf32, #tpu.memory_space<vmem>>, vector<16xf32>,
        %parallel_loop3A_831 = arith.mulf %parallel_loop3A_830, %parallel_loop3A_811 : vector<16xf32>
        %parallel_loop3A_832 = arith.addf %parallel_loop3A_802, %parallel_loop3A_831 : vector<16xf32>
        %parallel_loop3A_833 = arith.constant 256 : i32
        %parallel_loop3A_834 = arith.subi %parallel_loop3A_799, %parallel_loop3A_833 : i32
        %parallel_loop3A_835 = arith.index_cast %parallel_loop3A_834 : i32 to index
        %parallel_loop3A_836 = arith.constant 48 : index
        %parallel_loop3A_837 = tpu.vector_load %arg8[%parallel_loop3A_835, %parallel_loop3A_836] {strides = array<i32>} : memref<128x128xf32, #tpu.memory_space<vmem>>, vector<16xf32>,
        %parallel_loop3A_838 = arith.mulf %parallel_loop3A_837, %parallel_loop3A_811 : vector<16xf32>
        %parallel_loop3A_839 = arith.addf %parallel_loop3A_803, %parallel_loop3A_838 : vector<16xf32>
        %parallel_loop3A_840 = arith.constant 256 : i32
        %parallel_loop3A_841 = arith.subi %parallel_loop3A_799, %parallel_loop3A_840 : i32
        %parallel_loop3A_842 = arith.index_cast %parallel_loop3A_841 : i32 to index
        %parallel_loop3A_843 = arith.constant 64 : index
        %parallel_loop3A_844 = tpu.vector_load %arg8[%parallel_loop3A_842, %parallel_loop3A_843] {strides = array<i32>} : memref<128x128xf32, #tpu.memory_space<vmem>>, vector<16xf32>,
        %parallel_loop3A_845 = arith.mulf %parallel_loop3A_844, %parallel_loop3A_811 : vector<16xf32>
        %parallel_loop3A_846 = arith.addf %parallel_loop3A_804, %parallel_loop3A_845 : vector<16xf32>
        %parallel_loop3A_847 = arith.constant 256 : i32
        %parallel_loop3A_848 = arith.subi %parallel_loop3A_799, %parallel_loop3A_847 : i32
        %parallel_loop3A_849 = arith.index_cast %parallel_loop3A_848 : i32 to index
        %parallel_loop3A_850 = arith.constant 80 : index
        %parallel_loop3A_851 = tpu.vector_load %arg8[%parallel_loop3A_849, %parallel_loop3A_850] {strides = array<i32>} : memref<128x128xf32, #tpu.memory_space<vmem>>, vector<16xf32>,
        %parallel_loop3A_852 = arith.mulf %parallel_loop3A_851, %parallel_loop3A_811 : vector<16xf32>
        %parallel_loop3A_853 = arith.addf %parallel_loop3A_805, %parallel_loop3A_852 : vector<16xf32>
        %parallel_loop3A_854 = arith.constant 256 : i32
        %parallel_loop3A_855 = arith.subi %parallel_loop3A_799, %parallel_loop3A_854 : i32
        %parallel_loop3A_856 = arith.index_cast %parallel_loop3A_855 : i32 to index
        %parallel_loop3A_857 = arith.constant 96 : index
        %parallel_loop3A_858 = tpu.vector_load %arg8[%parallel_loop3A_856, %parallel_loop3A_857] {strides = array<i32>} : memref<128x128xf32, #tpu.memory_space<vmem>>, vector<16xf32>,
        %parallel_loop3A_859 = arith.mulf %parallel_loop3A_858, %parallel_loop3A_811 : vector<16xf32>
        %parallel_loop3A_860 = arith.addf %parallel_loop3A_806, %parallel_loop3A_859 : vector<16xf32>
        %parallel_loop3A_861 = arith.constant 256 : i32
        %parallel_loop3A_862 = arith.subi %parallel_loop3A_799, %parallel_loop3A_861 : i32
        %parallel_loop3A_863 = arith.index_cast %parallel_loop3A_862 : i32 to index
        %parallel_loop3A_864 = arith.constant 112 : index
        %parallel_loop3A_865 = tpu.vector_load %arg8[%parallel_loop3A_863, %parallel_loop3A_864] {strides = array<i32>} : memref<128x128xf32, #tpu.memory_space<vmem>>, vector<16xf32>,
        %parallel_loop3A_866 = arith.mulf %parallel_loop3A_865, %parallel_loop3A_811 : vector<16xf32>
        %parallel_loop3A_867 = arith.addf %parallel_loop3A_807, %parallel_loop3A_866 : vector<16xf32>
        %parallel_loop3A_868 = arith.addf %parallel_loop3A_808, %parallel_loop3A_811 : vector<16xf32>
        scf.yield %parallel_loop3A_818, %parallel_loop3A_825, %parallel_loop3A_832, %parallel_loop3A_839, %parallel_loop3A_846, %parallel_loop3A_853, %parallel_loop3A_860, %parallel_loop3A_867, %parallel_loop3A_868 : vector<16xf32>, vector<16xf32>, vector<16xf32>, vector<16xf32>, vector<16xf32>, vector<16xf32>, vector<16xf32>, vector<16xf32>, vector<16xf32>
      } {sc.loop_unroll_factor = 2 : i64, sc.parallel_access}
      %get3A_736 = arith.index_cast %while3A_710 : i32 to index
      %get3A_737 = arith.constant 0 : index
      %get3A_738 = tpu.vector_load %arg16[%get3A_736, %get3A_737] {strides = array<i32>} : memref<512x128xf32, #tpu.memory_space<vmem>>, vector<16xf32>,
      %add3A_739 = arith.addf %get3A_738, %parallel_loop3A_735#0 : vector<16xf32>
      %swap3A_740 = arith.index_cast %while3A_710 : i32 to index
      %swap3A_741 = arith.constant 0 : index
      %swap3A_742 = tpu.vector_load %arg16[%swap3A_740, %swap3A_741] {strides = array<i32>} : memref<512x128xf32, #tpu.memory_space<vmem>>, vector<16xf32>,
      tpu.vector_store %arg16[%swap3A_740, %swap3A_741], %add3A_739 {strides = array<i32>} : memref<512x128xf32, #tpu.memory_space<vmem>>, vector<16xf32>,
      %get3A_743 = arith.index_cast %while3A_710 : i32 to index
      %get3A_744 = arith.constant 16 : index
      %get3A_745 = tpu.vector_load %arg16[%get3A_743, %get3A_744] {strides = array<i32>} : memref<512x128xf32, #tpu.memory_space<vmem>>, vector<16xf32>,
      %add3A_746 = arith.addf %get3A_745, %parallel_loop3A_735#1 : vector<16xf32>
      %swap3A_747 = arith.index_cast %while3A_710 : i32 to index
      %swap3A_748 = arith.constant 16 : index
      %swap3A_749 = tpu.vector_load %arg16[%swap3A_747, %swap3A_748] {strides = array<i32>} : memref<512x128xf32, #tpu.memory_space<vmem>>, vector<16xf32>,
      tpu.vector_store %arg16[%swap3A_747, %swap3A_748], %add3A_746 {strides = array<i32>} : memref<512x128xf32, #tpu.memory_space<vmem>>, vector<16xf32>,
      %get3A_750 = arith.index_cast %while3A_710 : i32 to index
      %get3A_751 = arith.constant 32 : index
      %get3A_752 = tpu.vector_load %arg16[%get3A_750, %get3A_751] {strides = array<i32>} : memref<512x128xf32, #tpu.memory_space<vmem>>, vector<16xf32>,
      %add3A_753 = arith.addf %get3A_752, %parallel_loop3A_735#2 : vector<16xf32>
      %swap3A_754 = arith.index_cast %while3A_710 : i32 to index
      %swap3A_755 = arith.constant 32 : index
      %swap3A_756 = tpu.vector_load %arg16[%swap3A_754, %swap3A_755] {strides = array<i32>} : memref<512x128xf32, #tpu.memory_space<vmem>>, vector<16xf32>,
      tpu.vector_store %arg16[%swap3A_754, %swap3A_755], %add3A_753 {strides = array<i32>} : memref<512x128xf32, #tpu.memory_space<vmem>>, vector<16xf32>,
      %get3A_757 = arith.index_cast %while3A_710 : i32 to index
      %get3A_758 = arith.constant 48 : index
      %get3A_759 = tpu.vector_load %arg16[%get3A_757, %get3A_758] {strides = array<i32>} : memref<512x128xf32, #tpu.memory_space<vmem>>, vector<16xf32>,
      %add3A_760 = arith.addf %get3A_759, %parallel_loop3A_735#3 : vector<16xf32>
      %swap3A_761 = arith.index_cast %while3A_710 : i32 to index
      %swap3A_762 = arith.constant 48 : index
      %swap3A_763 = tpu.vector_load %arg16[%swap3A_761, %swap3A_762] {strides = array<i32>} : memref<512x128xf32, #tpu.memory_space<vmem>>, vector<16xf32>,
      tpu.vector_store %arg16[%swap3A_761, %swap3A_762], %add3A_760 {strides = array<i32>} : memref<512x128xf32, #tpu.memory_space<vmem>>, vector<16xf32>,
      %get3A_764 = arith.index_cast %while3A_710 : i32 to index
      %get3A_765 = arith.constant 64 : index
      %get3A_766 = tpu.vector_load %arg16[%get3A_764, %get3A_765] {strides = array<i32>} : memref<512x128xf32, #tpu.memory_space<vmem>>, vector<16xf32>,
      %add3A_767 = arith.addf %get3A_766, %parallel_loop3A_735#4 : vector<16xf32>
      %swap3A_768 = arith.index_cast %while3A_710 : i32 to index
      %swap3A_769 = arith.constant 64 : index
      %swap3A_770 = tpu.vector_load %arg16[%swap3A_768, %swap3A_769] {strides = array<i32>} : memref<512x128xf32, #tpu.memory_space<vmem>>, vector<16xf32>,
      tpu.vector_store %arg16[%swap3A_768, %swap3A_769], %add3A_767 {strides = array<i32>} : memref<512x128xf32, #tpu.memory_space<vmem>>, vector<16xf32>,
      %get3A_771 = arith.index_cast %while3A_710 : i32 to index
      %get3A_772 = arith.constant 80 : index
      %get3A_773 = tpu.vector_load %arg16[%get3A_771, %get3A_772] {strides = array<i32>} : memref<512x128xf32, #tpu.memory_space<vmem>>, vector<16xf32>,
      %add3A_774 = arith.addf %get3A_773, %parallel_loop3A_735#5 : vector<16xf32>
      %swap3A_775 = arith.index_cast %while3A_710 : i32 to index
      %swap3A_776 = arith.constant 80 : index
      %swap3A_777 = tpu.vector_load %arg16[%swap3A_775, %swap3A_776] {strides = array<i32>} : memref<512x128xf32, #tpu.memory_space<vmem>>, vector<16xf32>,
      tpu.vector_store %arg16[%swap3A_775, %swap3A_776], %add3A_774 {strides = array<i32>} : memref<512x128xf32, #tpu.memory_space<vmem>>, vector<16xf32>,
      %get3A_778 = arith.index_cast %while3A_710 : i32 to index
      %get3A_779 = arith.constant 96 : index
      %get3A_780 = tpu.vector_load %arg16[%get3A_778, %get3A_779] {strides = array<i32>} : memref<512x128xf32, #tpu.memory_space<vmem>>, vector<16xf32>,
      %add3A_781 = arith.addf %get3A_780, %parallel_loop3A_735#6 : vector<16xf32>
      %swap3A_782 = arith.index_cast %while3A_710 : i32 to index
      %swap3A_783 = arith.constant 96 : index
      %swap3A_784 = tpu.vector_load %arg16[%swap3A_782, %swap3A_783] {strides = array<i32>} : memref<512x128xf32, #tpu.memory_space<vmem>>, vector<16xf32>,
      tpu.vector_store %arg16[%swap3A_782, %swap3A_783], %add3A_781 {strides = array<i32>} : memref<512x128xf32, #tpu.memory_space<vmem>>, vector<16xf32>,
      %get3A_785 = arith.index_cast %while3A_710 : i32 to index
      %get3A_786 = arith.constant 112 : index
      %get3A_787 = tpu.vector_load %arg16[%get3A_785, %get3A_786] {strides = array<i32>} : memref<512x128xf32, #tpu.memory_space<vmem>>, vector<16xf32>,
      %add3A_788 = arith.addf %get3A_787, %parallel_loop3A_735#7 : vector<16xf32>
      %swap3A_789 = arith.index_cast %while3A_710 : i32 to index
      %swap3A_790 = arith.constant 112 : index
      %swap3A_791 = tpu.vector_load %arg16[%swap3A_789, %swap3A_790] {strides = array<i32>} : memref<512x128xf32, #tpu.memory_space<vmem>>, vector<16xf32>,
      tpu.vector_store %arg16[%swap3A_789, %swap3A_790], %add3A_788 {strides = array<i32>} : memref<512x128xf32, #tpu.memory_space<vmem>>, vector<16xf32>,
      %get3A_792 = arith.index_cast %while3A_710 : i32 to index
      %get3A_793 = arith.constant 0 : index
      %get3A_794 = tpu.vector_load %arg17[%get3A_792, %get3A_793] {strides = array<i32>} : memref<512x16xf32, #tpu.memory_space<vmem>>, vector<16xf32>,
      %add3A_795 = arith.addf %get3A_794, %parallel_loop3A_735#8 : vector<16xf32>
      %swap3A_796 = arith.index_cast %while3A_710 : i32 to index
      %swap3A_797 = arith.constant 0 : index
      %swap3A_798 = tpu.vector_load %arg17[%swap3A_796, %swap3A_797] {strides = array<i32>} : memref<512x16xf32, #tpu.memory_space<vmem>>, vector<16xf32>,
      tpu.vector_store %arg17[%swap3A_796, %swap3A_797], %add3A_795 {strides = array<i32>} : memref<512x16xf32, #tpu.memory_space<vmem>>, vector<16xf32>,
    }
    %dma_wait3A_339 = arith.constant 0 : i32
    %dma_wait3A_340 = tpu.memref_slice %arg2[%add3A_299, %dma_wait3A_339] : memref<16384x128xf32, #tpu.memory_space<hbm>> -> memref<128x128xf32, #tpu.memory_space<hbm>>
    %dma_wait3A_341 = arith.constant 0 : i32
    %dma_wait3A_342 = tpu.memref_slice %arg2[%add3A_299, %dma_wait3A_341] : memref<16384x128xf32, #tpu.memory_space<hbm>> -> memref<128x128xf32, #tpu.memory_space<hbm>>
    tpu.wait_dma2 semaphore(%arg21 : memref<!tpu.dma_semaphore, #tpu.memory_space<semaphore_mem>>) src(%dma_wait3A_342 : memref<128x128xf32, #tpu.memory_space<hbm>>) dst(%arg9 : memref<128x128xf32, #tpu.memory_space<vmem>>)
    %get3A_343 = arith.constant 384 : index
    %get3A_344 = tpu.vector_load %arg12[%get3A_343] {strides = array<i32>} : memref<512xi32, #tpu.memory_space<vmem>>, vector<16xi32>,
    %reduce_min3A_345 = arith.constant true
    %reduce_min3A_346 = vector.broadcast %reduce_min3A_345 : i1 to vector<16xi1>
    %reduce_min3A_347 = arith.constant -2147483648 : i32
    %reduce_min3A_348 = vector.broadcast %reduce_min3A_347 : i32 to vector<16xi32>
    %reduce_min3A_349 = arith.xori %get3A_344, %reduce_min3A_348 : vector<16xi32>
    %reduce_min3A_350 = tpu.scan <min>, %reduce_min3A_349 masked %reduce_min3A_346 : vector<16xi32>, vector<16xi1> -> vector<16xi32>
    %reduce_min3A_351 = arith.xori %reduce_min3A_350, %reduce_min3A_348 : vector<16xi32>
    %reduce_min3A_352 = vector.extract %reduce_min3A_351[15] : i32 from vector<16xi32>
    %get3A_353 = arith.constant 496 : index
    %get3A_354 = tpu.vector_load %arg12[%get3A_353] {strides = array<i32>} : memref<512xi32, #tpu.memory_space<vmem>>, vector<16xi32>,
    %reduce_max3A_355 = arith.constant true
    %reduce_max3A_356 = vector.broadcast %reduce_max3A_355 : i1 to vector<16xi1>
    %reduce_max3A_357 = arith.constant -2147483648 : i32
    %reduce_max3A_358 = vector.broadcast %reduce_max3A_357 : i32 to vector<16xi32>
    %reduce_max3A_359 = arith.xori %get3A_354, %reduce_max3A_358 : vector<16xi32>
    %reduce_max3A_360 = tpu.scan <max>, %reduce_max3A_359 masked %reduce_max3A_356 : vector<16xi32>, vector<16xi1> -> vector<16xi32>
    %reduce_max3A_361 = arith.xori %reduce_max3A_360, %reduce_max3A_358 : vector<16xi32>
    %reduce_max3A_362 = vector.extract %reduce_max3A_361[15] : i32 from vector<16xi32>
    %add3A_363 = arith.constant 1 : i32
    %add3A_364 = arith.addi %reduce_max3A_362, %add3A_363 : i32
    %while3A_365 = arith.constant 0 : i32
    %while3A_366 = arith.subi %add3A_364, %reduce_min3A_352 : i32
    %while3A_367 = arith.addi %reduce_min3A_352, %while3A_366 : i32
    %while3A_368 = arith.constant 1 : i32
    %while3A_369 = arith.divsi %while3A_366, %while3A_368 : i32
    %while3A_370 = arith.muli %while3A_369, %while3A_368 : i32
    %while3A_371 = arith.addi %reduce_min3A_352, %while3A_370 : i32
    %while3A_372 = arith.constant 1 : i32
    scf.for %while3A_710 = %reduce_min3A_352 to %while3A_371 step %while3A_372  : i32 {
      %get3A_711 = arith.index_cast %while3A_710 : i32 to index
      %get3A_712 = tpu.vector_load %arg13[%get3A_711] {strides = array<i32>} : memref<768xi32, #tpu.memory_space<vmem>>, vector<16xi32>,
      %reduce_min3A_713 = arith.constant true
      %reduce_min3A_714 = vector.broadcast %reduce_min3A_713 : i1 to vector<16xi1>
      %reduce_min3A_715 = arith.constant -2147483648 : i32
      %reduce_min3A_716 = vector.broadcast %reduce_min3A_715 : i32 to vector<16xi32>
      %reduce_min3A_717 = arith.xori %get3A_712, %reduce_min3A_716 : vector<16xi32>
      %reduce_min3A_718 = tpu.scan <min>, %reduce_min3A_717 masked %reduce_min3A_714 : vector<16xi32>, vector<16xi1> -> vector<16xi32>
      %reduce_min3A_719 = arith.xori %reduce_min3A_718, %reduce_min3A_716 : vector<16xi32>
      %reduce_min3A_720 = vector.extract %reduce_min3A_719[15] : i32 from vector<16xi32>
      %max3A = arith.constant 384 : i32
      %max3A_721 = arith.maxsi %reduce_min3A_720, %max3A : i32
      %add3A_722 = arith.constant 1 : i32
      %add3A_723 = arith.addi %while3A_710, %add3A_722 : i32
      %get3A_724 = arith.index_cast %add3A_723 : i32 to index
      %get3A_725 = tpu.vector_load %arg13[%get3A_724] {strides = array<i32>} : memref<768xi32, #tpu.memory_space<vmem>>, vector<16xi32>,
      %reduce_min3A_726 = arith.constant true
      %reduce_min3A_727 = vector.broadcast %reduce_min3A_726 : i1 to vector<16xi1>
      %reduce_min3A_728 = arith.constant -2147483648 : i32
      %reduce_min3A_729 = vector.broadcast %reduce_min3A_728 : i32 to vector<16xi32>
      %reduce_min3A_730 = arith.xori %get3A_725, %reduce_min3A_729 : vector<16xi32>
      %reduce_min3A_731 = tpu.scan <min>, %reduce_min3A_730 masked %reduce_min3A_727 : vector<16xi32>, vector<16xi1> -> vector<16xi32>
      %reduce_min3A_732 = arith.xori %reduce_min3A_731, %reduce_min3A_729 : vector<16xi32>
      %reduce_min3A_733 = vector.extract %reduce_min3A_732[15] : i32 from vector<16xi32>
      %min3A = arith.constant 512 : i32
      %min3A_734 = arith.minsi %reduce_min3A_733, %min3A : i32
      %parallel_loop3A = arith.constant 1 : i32
      %parallel_loop3A_735:9 = scf.for %parallel_loop3A_799 = %max3A_721 to %min3A_734 step %parallel_loop3A iter_args(%parallel_loop3A_800 = %broadcast_in_dim3A_222, %parallel_loop3A_801 = %broadcast_in_dim3A_222, %parallel_loop3A_802 = %broadcast_in_dim3A_222, %parallel_loop3A_803 = %broadcast_in_dim3A_222, %parallel_loop3A_804 = %broadcast_in_dim3A_222, %parallel_loop3A_805 = %broadcast_in_dim3A_222, %parallel_loop3A_806 = %broadcast_in_dim3A_222, %parallel_loop3A_807 = %broadcast_in_dim3A_222, %parallel_loop3A_808 = %broadcast_in_dim3A_222) -> (vector<16xf32>, vector<16xf32>, vector<16xf32>, vector<16xf32>, vector<16xf32>, vector<16xf32>, vector<16xf32>, vector<16xf32>, vector<16xf32>)  : i32 {
        %parallel_loop3A_809 = arith.index_cast %parallel_loop3A_799 : i32 to index
        %parallel_loop3A_810 = arith.constant 0 : index
        %parallel_loop3A_811 = tpu.vector_load %arg10[%parallel_loop3A_809, %parallel_loop3A_810] {strides = array<i32>} : memref<512x16xf32, #tpu.memory_space<vmem>>, vector<16xf32>,
        %parallel_loop3A_812 = arith.constant 384 : i32
        %parallel_loop3A_813 = arith.subi %parallel_loop3A_799, %parallel_loop3A_812 : i32
        %parallel_loop3A_814 = arith.index_cast %parallel_loop3A_813 : i32 to index
        %parallel_loop3A_815 = arith.constant 0 : index
        %parallel_loop3A_816 = tpu.vector_load %arg9[%parallel_loop3A_814, %parallel_loop3A_815] {strides = array<i32>} : memref<128x128xf32, #tpu.memory_space<vmem>>, vector<16xf32>,
        %parallel_loop3A_817 = arith.mulf %parallel_loop3A_816, %parallel_loop3A_811 : vector<16xf32>
        %parallel_loop3A_818 = arith.addf %parallel_loop3A_800, %parallel_loop3A_817 : vector<16xf32>
        %parallel_loop3A_819 = arith.constant 384 : i32
        %parallel_loop3A_820 = arith.subi %parallel_loop3A_799, %parallel_loop3A_819 : i32
        %parallel_loop3A_821 = arith.index_cast %parallel_loop3A_820 : i32 to index
        %parallel_loop3A_822 = arith.constant 16 : index
        %parallel_loop3A_823 = tpu.vector_load %arg9[%parallel_loop3A_821, %parallel_loop3A_822] {strides = array<i32>} : memref<128x128xf32, #tpu.memory_space<vmem>>, vector<16xf32>,
        %parallel_loop3A_824 = arith.mulf %parallel_loop3A_823, %parallel_loop3A_811 : vector<16xf32>
        %parallel_loop3A_825 = arith.addf %parallel_loop3A_801, %parallel_loop3A_824 : vector<16xf32>
        %parallel_loop3A_826 = arith.constant 384 : i32
        %parallel_loop3A_827 = arith.subi %parallel_loop3A_799, %parallel_loop3A_826 : i32
        %parallel_loop3A_828 = arith.index_cast %parallel_loop3A_827 : i32 to index
        %parallel_loop3A_829 = arith.constant 32 : index
        %parallel_loop3A_830 = tpu.vector_load %arg9[%parallel_loop3A_828, %parallel_loop3A_829] {strides = array<i32>} : memref<128x128xf32, #tpu.memory_space<vmem>>, vector<16xf32>,
        %parallel_loop3A_831 = arith.mulf %parallel_loop3A_830, %parallel_loop3A_811 : vector<16xf32>
        %parallel_loop3A_832 = arith.addf %parallel_loop3A_802, %parallel_loop3A_831 : vector<16xf32>
        %parallel_loop3A_833 = arith.constant 384 : i32
        %parallel_loop3A_834 = arith.subi %parallel_loop3A_799, %parallel_loop3A_833 : i32
        %parallel_loop3A_835 = arith.index_cast %parallel_loop3A_834 : i32 to index
        %parallel_loop3A_836 = arith.constant 48 : index
        %parallel_loop3A_837 = tpu.vector_load %arg9[%parallel_loop3A_835, %parallel_loop3A_836] {strides = array<i32>} : memref<128x128xf32, #tpu.memory_space<vmem>>, vector<16xf32>,
        %parallel_loop3A_838 = arith.mulf %parallel_loop3A_837, %parallel_loop3A_811 : vector<16xf32>
        %parallel_loop3A_839 = arith.addf %parallel_loop3A_803, %parallel_loop3A_838 : vector<16xf32>
        %parallel_loop3A_840 = arith.constant 384 : i32
        %parallel_loop3A_841 = arith.subi %parallel_loop3A_799, %parallel_loop3A_840 : i32
        %parallel_loop3A_842 = arith.index_cast %parallel_loop3A_841 : i32 to index
        %parallel_loop3A_843 = arith.constant 64 : index
        %parallel_loop3A_844 = tpu.vector_load %arg9[%parallel_loop3A_842, %parallel_loop3A_843] {strides = array<i32>} : memref<128x128xf32, #tpu.memory_space<vmem>>, vector<16xf32>,
        %parallel_loop3A_845 = arith.mulf %parallel_loop3A_844, %parallel_loop3A_811 : vector<16xf32>
        %parallel_loop3A_846 = arith.addf %parallel_loop3A_804, %parallel_loop3A_845 : vector<16xf32>
        %parallel_loop3A_847 = arith.constant 384 : i32
        %parallel_loop3A_848 = arith.subi %parallel_loop3A_799, %parallel_loop3A_847 : i32
        %parallel_loop3A_849 = arith.index_cast %parallel_loop3A_848 : i32 to index
        %parallel_loop3A_850 = arith.constant 80 : index
        %parallel_loop3A_851 = tpu.vector_load %arg9[%parallel_loop3A_849, %parallel_loop3A_850] {strides = array<i32>} : memref<128x128xf32, #tpu.memory_space<vmem>>, vector<16xf32>,
        %parallel_loop3A_852 = arith.mulf %parallel_loop3A_851, %parallel_loop3A_811 : vector<16xf32>
        %parallel_loop3A_853 = arith.addf %parallel_loop3A_805, %parallel_loop3A_852 : vector<16xf32>
        %parallel_loop3A_854 = arith.constant 384 : i32
        %parallel_loop3A_855 = arith.subi %parallel_loop3A_799, %parallel_loop3A_854 : i32
        %parallel_loop3A_856 = arith.index_cast %parallel_loop3A_855 : i32 to index
        %parallel_loop3A_857 = arith.constant 96 : index
        %parallel_loop3A_858 = tpu.vector_load %arg9[%parallel_loop3A_856, %parallel_loop3A_857] {strides = array<i32>} : memref<128x128xf32, #tpu.memory_space<vmem>>, vector<16xf32>,
        %parallel_loop3A_859 = arith.mulf %parallel_loop3A_858, %parallel_loop3A_811 : vector<16xf32>
        %parallel_loop3A_860 = arith.addf %parallel_loop3A_806, %parallel_loop3A_859 : vector<16xf32>
        %parallel_loop3A_861 = arith.constant 384 : i32
        %parallel_loop3A_862 = arith.subi %parallel_loop3A_799, %parallel_loop3A_861 : i32
        %parallel_loop3A_863 = arith.index_cast %parallel_loop3A_862 : i32 to index
        %parallel_loop3A_864 = arith.constant 112 : index
        %parallel_loop3A_865 = tpu.vector_load %arg9[%parallel_loop3A_863, %parallel_loop3A_864] {strides = array<i32>} : memref<128x128xf32, #tpu.memory_space<vmem>>, vector<16xf32>,
        %parallel_loop3A_866 = arith.mulf %parallel_loop3A_865, %parallel_loop3A_811 : vector<16xf32>
        %parallel_loop3A_867 = arith.addf %parallel_loop3A_807, %parallel_loop3A_866 : vector<16xf32>
        %parallel_loop3A_868 = arith.addf %parallel_loop3A_808, %parallel_loop3A_811 : vector<16xf32>
        scf.yield %parallel_loop3A_818, %parallel_loop3A_825, %parallel_loop3A_832, %parallel_loop3A_839, %parallel_loop3A_846, %parallel_loop3A_853, %parallel_loop3A_860, %parallel_loop3A_867, %parallel_loop3A_868 : vector<16xf32>, vector<16xf32>, vector<16xf32>, vector<16xf32>, vector<16xf32>, vector<16xf32>, vector<16xf32>, vector<16xf32>, vector<16xf32>
      } {sc.loop_unroll_factor = 2 : i64, sc.parallel_access}
      %get3A_736 = arith.index_cast %while3A_710 : i32 to index
      %get3A_737 = arith.constant 0 : index
      %get3A_738 = tpu.vector_load %arg16[%get3A_736, %get3A_737] {strides = array<i32>} : memref<512x128xf32, #tpu.memory_space<vmem>>, vector<16xf32>,
      %add3A_739 = arith.addf %get3A_738, %parallel_loop3A_735#0 : vector<16xf32>
      %swap3A_740 = arith.index_cast %while3A_710 : i32 to index
      %swap3A_741 = arith.constant 0 : index
      %swap3A_742 = tpu.vector_load %arg16[%swap3A_740, %swap3A_741] {strides = array<i32>} : memref<512x128xf32, #tpu.memory_space<vmem>>, vector<16xf32>,
      tpu.vector_store %arg16[%swap3A_740, %swap3A_741], %add3A_739 {strides = array<i32>} : memref<512x128xf32, #tpu.memory_space<vmem>>, vector<16xf32>,
      %get3A_743 = arith.index_cast %while3A_710 : i32 to index
      %get3A_744 = arith.constant 16 : index
      %get3A_745 = tpu.vector_load %arg16[%get3A_743, %get3A_744] {strides = array<i32>} : memref<512x128xf32, #tpu.memory_space<vmem>>, vector<16xf32>,
      %add3A_746 = arith.addf %get3A_745, %parallel_loop3A_735#1 : vector<16xf32>
      %swap3A_747 = arith.index_cast %while3A_710 : i32 to index
      %swap3A_748 = arith.constant 16 : index
      %swap3A_749 = tpu.vector_load %arg16[%swap3A_747, %swap3A_748] {strides = array<i32>} : memref<512x128xf32, #tpu.memory_space<vmem>>, vector<16xf32>,
      tpu.vector_store %arg16[%swap3A_747, %swap3A_748], %add3A_746 {strides = array<i32>} : memref<512x128xf32, #tpu.memory_space<vmem>>, vector<16xf32>,
      %get3A_750 = arith.index_cast %while3A_710 : i32 to index
      %get3A_751 = arith.constant 32 : index
      %get3A_752 = tpu.vector_load %arg16[%get3A_750, %get3A_751] {strides = array<i32>} : memref<512x128xf32, #tpu.memory_space<vmem>>, vector<16xf32>,
      %add3A_753 = arith.addf %get3A_752, %parallel_loop3A_735#2 : vector<16xf32>
      %swap3A_754 = arith.index_cast %while3A_710 : i32 to index
      %swap3A_755 = arith.constant 32 : index
      %swap3A_756 = tpu.vector_load %arg16[%swap3A_754, %swap3A_755] {strides = array<i32>} : memref<512x128xf32, #tpu.memory_space<vmem>>, vector<16xf32>,
      tpu.vector_store %arg16[%swap3A_754, %swap3A_755], %add3A_753 {strides = array<i32>} : memref<512x128xf32, #tpu.memory_space<vmem>>, vector<16xf32>,
      %get3A_757 = arith.index_cast %while3A_710 : i32 to index
      %get3A_758 = arith.constant 48 : index
      %get3A_759 = tpu.vector_load %arg16[%get3A_757, %get3A_758] {strides = array<i32>} : memref<512x128xf32, #tpu.memory_space<vmem>>, vector<16xf32>,
      %add3A_760 = arith.addf %get3A_759, %parallel_loop3A_735#3 : vector<16xf32>
      %swap3A_761 = arith.index_cast %while3A_710 : i32 to index
      %swap3A_762 = arith.constant 48 : index
      %swap3A_763 = tpu.vector_load %arg16[%swap3A_761, %swap3A_762] {strides = array<i32>} : memref<512x128xf32, #tpu.memory_space<vmem>>, vector<16xf32>,
      tpu.vector_store %arg16[%swap3A_761, %swap3A_762], %add3A_760 {strides = array<i32>} : memref<512x128xf32, #tpu.memory_space<vmem>>, vector<16xf32>,
      %get3A_764 = arith.index_cast %while3A_710 : i32 to index
      %get3A_765 = arith.constant 64 : index
      %get3A_766 = tpu.vector_load %arg16[%get3A_764, %get3A_765] {strides = array<i32>} : memref<512x128xf32, #tpu.memory_space<vmem>>, vector<16xf32>,
      %add3A_767 = arith.addf %get3A_766, %parallel_loop3A_735#4 : vector<16xf32>
      %swap3A_768 = arith.index_cast %while3A_710 : i32 to index
      %swap3A_769 = arith.constant 64 : index
      %swap3A_770 = tpu.vector_load %arg16[%swap3A_768, %swap3A_769] {strides = array<i32>} : memref<512x128xf32, #tpu.memory_space<vmem>>, vector<16xf32>,
      tpu.vector_store %arg16[%swap3A_768, %swap3A_769], %add3A_767 {strides = array<i32>} : memref<512x128xf32, #tpu.memory_space<vmem>>, vector<16xf32>,
      %get3A_771 = arith.index_cast %while3A_710 : i32 to index
      %get3A_772 = arith.constant 80 : index
      %get3A_773 = tpu.vector_load %arg16[%get3A_771, %get3A_772] {strides = array<i32>} : memref<512x128xf32, #tpu.memory_space<vmem>>, vector<16xf32>,
      %add3A_774 = arith.addf %get3A_773, %parallel_loop3A_735#5 : vector<16xf32>
      %swap3A_775 = arith.index_cast %while3A_710 : i32 to index
      %swap3A_776 = arith.constant 80 : index
      %swap3A_777 = tpu.vector_load %arg16[%swap3A_775, %swap3A_776] {strides = array<i32>} : memref<512x128xf32, #tpu.memory_space<vmem>>, vector<16xf32>,
      tpu.vector_store %arg16[%swap3A_775, %swap3A_776], %add3A_774 {strides = array<i32>} : memref<512x128xf32, #tpu.memory_space<vmem>>, vector<16xf32>,
      %get3A_778 = arith.index_cast %while3A_710 : i32 to index
      %get3A_779 = arith.constant 96 : index
      %get3A_780 = tpu.vector_load %arg16[%get3A_778, %get3A_779] {strides = array<i32>} : memref<512x128xf32, #tpu.memory_space<vmem>>, vector<16xf32>,
      %add3A_781 = arith.addf %get3A_780, %parallel_loop3A_735#6 : vector<16xf32>
      %swap3A_782 = arith.index_cast %while3A_710 : i32 to index
      %swap3A_783 = arith.constant 96 : index
      %swap3A_784 = tpu.vector_load %arg16[%swap3A_782, %swap3A_783] {strides = array<i32>} : memref<512x128xf32, #tpu.memory_space<vmem>>, vector<16xf32>,
      tpu.vector_store %arg16[%swap3A_782, %swap3A_783], %add3A_781 {strides = array<i32>} : memref<512x128xf32, #tpu.memory_space<vmem>>, vector<16xf32>,
      %get3A_785 = arith.index_cast %while3A_710 : i32 to index
      %get3A_786 = arith.constant 112 : index
      %get3A_787 = tpu.vector_load %arg16[%get3A_785, %get3A_786] {strides = array<i32>} : memref<512x128xf32, #tpu.memory_space<vmem>>, vector<16xf32>,
      %add3A_788 = arith.addf %get3A_787, %parallel_loop3A_735#7 : vector<16xf32>
      %swap3A_789 = arith.index_cast %while3A_710 : i32 to index
      %swap3A_790 = arith.constant 112 : index
      %swap3A_791 = tpu.vector_load %arg16[%swap3A_789, %swap3A_790] {strides = array<i32>} : memref<512x128xf32, #tpu.memory_space<vmem>>, vector<16xf32>,
      tpu.vector_store %arg16[%swap3A_789, %swap3A_790], %add3A_788 {strides = array<i32>} : memref<512x128xf32, #tpu.memory_space<vmem>>, vector<16xf32>,
      %get3A_792 = arith.index_cast %while3A_710 : i32 to index
      %get3A_793 = arith.constant 0 : index
      %get3A_794 = tpu.vector_load %arg17[%get3A_792, %get3A_793] {strides = array<i32>} : memref<512x16xf32, #tpu.memory_space<vmem>>, vector<16xf32>,
      %add3A_795 = arith.addf %get3A_794, %parallel_loop3A_735#8 : vector<16xf32>
      %swap3A_796 = arith.index_cast %while3A_710 : i32 to index
      %swap3A_797 = arith.constant 0 : index
      %swap3A_798 = tpu.vector_load %arg17[%swap3A_796, %swap3A_797] {strides = array<i32>} : memref<512x16xf32, #tpu.memory_space<vmem>>, vector<16xf32>,
      tpu.vector_store %arg17[%swap3A_796, %swap3A_797], %add3A_795 {strides = array<i32>} : memref<512x16xf32, #tpu.memory_space<vmem>>, vector<16xf32>,
    }
    %while3A_373 = arith.constant 1 : i32
    scf.for %while3A_710 = %while3A_371 to %while3A_367 step %while3A_373  : i32 {
      %get3A_711 = arith.index_cast %while3A_710 : i32 to index
      %get3A_712 = tpu.vector_load %arg13[%get3A_711] {strides = array<i32>} : memref<768xi32, #tpu.memory_space<vmem>>, vector<16xi32>,
      %reduce_min3A_713 = arith.constant true
      %reduce_min3A_714 = vector.broadcast %reduce_min3A_713 : i1 to vector<16xi1>
      %reduce_min3A_715 = arith.constant -2147483648 : i32
      %reduce_min3A_716 = vector.broadcast %reduce_min3A_715 : i32 to vector<16xi32>
      %reduce_min3A_717 = arith.xori %get3A_712, %reduce_min3A_716 : vector<16xi32>
      %reduce_min3A_718 = tpu.scan <min>, %reduce_min3A_717 masked %reduce_min3A_714 : vector<16xi32>, vector<16xi1> -> vector<16xi32>
      %reduce_min3A_719 = arith.xori %reduce_min3A_718, %reduce_min3A_716 : vector<16xi32>
      %reduce_min3A_720 = vector.extract %reduce_min3A_719[15] : i32 from vector<16xi32>
      %max3A = arith.constant 384 : i32
      %max3A_721 = arith.maxsi %reduce_min3A_720, %max3A : i32
      %add3A_722 = arith.constant 1 : i32
      %add3A_723 = arith.addi %while3A_710, %add3A_722 : i32
      %get3A_724 = arith.index_cast %add3A_723 : i32 to index
      %get3A_725 = tpu.vector_load %arg13[%get3A_724] {strides = array<i32>} : memref<768xi32, #tpu.memory_space<vmem>>, vector<16xi32>,
      %reduce_min3A_726 = arith.constant true
      %reduce_min3A_727 = vector.broadcast %reduce_min3A_726 : i1 to vector<16xi1>
      %reduce_min3A_728 = arith.constant -2147483648 : i32
      %reduce_min3A_729 = vector.broadcast %reduce_min3A_728 : i32 to vector<16xi32>
      %reduce_min3A_730 = arith.xori %get3A_725, %reduce_min3A_729 : vector<16xi32>
      %reduce_min3A_731 = tpu.scan <min>, %reduce_min3A_730 masked %reduce_min3A_727 : vector<16xi32>, vector<16xi1> -> vector<16xi32>
      %reduce_min3A_732 = arith.xori %reduce_min3A_731, %reduce_min3A_729 : vector<16xi32>
      %reduce_min3A_733 = vector.extract %reduce_min3A_732[15] : i32 from vector<16xi32>
      %min3A = arith.constant 512 : i32
      %min3A_734 = arith.minsi %reduce_min3A_733, %min3A : i32
      %parallel_loop3A = arith.constant 1 : i32
      %parallel_loop3A_735:9 = scf.for %parallel_loop3A_799 = %max3A_721 to %min3A_734 step %parallel_loop3A iter_args(%parallel_loop3A_800 = %broadcast_in_dim3A_222, %parallel_loop3A_801 = %broadcast_in_dim3A_222, %parallel_loop3A_802 = %broadcast_in_dim3A_222, %parallel_loop3A_803 = %broadcast_in_dim3A_222, %parallel_loop3A_804 = %broadcast_in_dim3A_222, %parallel_loop3A_805 = %broadcast_in_dim3A_222, %parallel_loop3A_806 = %broadcast_in_dim3A_222, %parallel_loop3A_807 = %broadcast_in_dim3A_222, %parallel_loop3A_808 = %broadcast_in_dim3A_222) -> (vector<16xf32>, vector<16xf32>, vector<16xf32>, vector<16xf32>, vector<16xf32>, vector<16xf32>, vector<16xf32>, vector<16xf32>, vector<16xf32>)  : i32 {
        %parallel_loop3A_809 = arith.index_cast %parallel_loop3A_799 : i32 to index
        %parallel_loop3A_810 = arith.constant 0 : index
        %parallel_loop3A_811 = tpu.vector_load %arg10[%parallel_loop3A_809, %parallel_loop3A_810] {strides = array<i32>} : memref<512x16xf32, #tpu.memory_space<vmem>>, vector<16xf32>,
        %parallel_loop3A_812 = arith.constant 384 : i32
        %parallel_loop3A_813 = arith.subi %parallel_loop3A_799, %parallel_loop3A_812 : i32
        %parallel_loop3A_814 = arith.index_cast %parallel_loop3A_813 : i32 to index
        %parallel_loop3A_815 = arith.constant 0 : index
        %parallel_loop3A_816 = tpu.vector_load %arg9[%parallel_loop3A_814, %parallel_loop3A_815] {strides = array<i32>} : memref<128x128xf32, #tpu.memory_space<vmem>>, vector<16xf32>,
        %parallel_loop3A_817 = arith.mulf %parallel_loop3A_816, %parallel_loop3A_811 : vector<16xf32>
        %parallel_loop3A_818 = arith.addf %parallel_loop3A_800, %parallel_loop3A_817 : vector<16xf32>
        %parallel_loop3A_819 = arith.constant 384 : i32
        %parallel_loop3A_820 = arith.subi %parallel_loop3A_799, %parallel_loop3A_819 : i32
        %parallel_loop3A_821 = arith.index_cast %parallel_loop3A_820 : i32 to index
        %parallel_loop3A_822 = arith.constant 16 : index
        %parallel_loop3A_823 = tpu.vector_load %arg9[%parallel_loop3A_821, %parallel_loop3A_822] {strides = array<i32>} : memref<128x128xf32, #tpu.memory_space<vmem>>, vector<16xf32>,
        %parallel_loop3A_824 = arith.mulf %parallel_loop3A_823, %parallel_loop3A_811 : vector<16xf32>
        %parallel_loop3A_825 = arith.addf %parallel_loop3A_801, %parallel_loop3A_824 : vector<16xf32>
        %parallel_loop3A_826 = arith.constant 384 : i32
        %parallel_loop3A_827 = arith.subi %parallel_loop3A_799, %parallel_loop3A_826 : i32
        %parallel_loop3A_828 = arith.index_cast %parallel_loop3A_827 : i32 to index
        %parallel_loop3A_829 = arith.constant 32 : index
        %parallel_loop3A_830 = tpu.vector_load %arg9[%parallel_loop3A_828, %parallel_loop3A_829] {strides = array<i32>} : memref<128x128xf32, #tpu.memory_space<vmem>>, vector<16xf32>,
        %parallel_loop3A_831 = arith.mulf %parallel_loop3A_830, %parallel_loop3A_811 : vector<16xf32>
        %parallel_loop3A_832 = arith.addf %parallel_loop3A_802, %parallel_loop3A_831 : vector<16xf32>
        %parallel_loop3A_833 = arith.constant 384 : i32
        %parallel_loop3A_834 = arith.subi %parallel_loop3A_799, %parallel_loop3A_833 : i32
        %parallel_loop3A_835 = arith.index_cast %parallel_loop3A_834 : i32 to index
        %parallel_loop3A_836 = arith.constant 48 : index
        %parallel_loop3A_837 = tpu.vector_load %arg9[%parallel_loop3A_835, %parallel_loop3A_836] {strides = array<i32>} : memref<128x128xf32, #tpu.memory_space<vmem>>, vector<16xf32>,
        %parallel_loop3A_838 = arith.mulf %parallel_loop3A_837, %parallel_loop3A_811 : vector<16xf32>
        %parallel_loop3A_839 = arith.addf %parallel_loop3A_803, %parallel_loop3A_838 : vector<16xf32>
        %parallel_loop3A_840 = arith.constant 384 : i32
        %parallel_loop3A_841 = arith.subi %parallel_loop3A_799, %parallel_loop3A_840 : i32
        %parallel_loop3A_842 = arith.index_cast %parallel_loop3A_841 : i32 to index
        %parallel_loop3A_843 = arith.constant 64 : index
        %parallel_loop3A_844 = tpu.vector_load %arg9[%parallel_loop3A_842, %parallel_loop3A_843] {strides = array<i32>} : memref<128x128xf32, #tpu.memory_space<vmem>>, vector<16xf32>,
        %parallel_loop3A_845 = arith.mulf %parallel_loop3A_844, %parallel_loop3A_811 : vector<16xf32>
        %parallel_loop3A_846 = arith.addf %parallel_loop3A_804, %parallel_loop3A_845 : vector<16xf32>
        %parallel_loop3A_847 = arith.constant 384 : i32
        %parallel_loop3A_848 = arith.subi %parallel_loop3A_799, %parallel_loop3A_847 : i32
        %parallel_loop3A_849 = arith.index_cast %parallel_loop3A_848 : i32 to index
        %parallel_loop3A_850 = arith.constant 80 : index
        %parallel_loop3A_851 = tpu.vector_load %arg9[%parallel_loop3A_849, %parallel_loop3A_850] {strides = array<i32>} : memref<128x128xf32, #tpu.memory_space<vmem>>, vector<16xf32>,
        %parallel_loop3A_852 = arith.mulf %parallel_loop3A_851, %parallel_loop3A_811 : vector<16xf32>
        %parallel_loop3A_853 = arith.addf %parallel_loop3A_805, %parallel_loop3A_852 : vector<16xf32>
        %parallel_loop3A_854 = arith.constant 384 : i32
        %parallel_loop3A_855 = arith.subi %parallel_loop3A_799, %parallel_loop3A_854 : i32
        %parallel_loop3A_856 = arith.index_cast %parallel_loop3A_855 : i32 to index
        %parallel_loop3A_857 = arith.constant 96 : index
        %parallel_loop3A_858 = tpu.vector_load %arg9[%parallel_loop3A_856, %parallel_loop3A_857] {strides = array<i32>} : memref<128x128xf32, #tpu.memory_space<vmem>>, vector<16xf32>,
        %parallel_loop3A_859 = arith.mulf %parallel_loop3A_858, %parallel_loop3A_811 : vector<16xf32>
        %parallel_loop3A_860 = arith.addf %parallel_loop3A_806, %parallel_loop3A_859 : vector<16xf32>
        %parallel_loop3A_861 = arith.constant 384 : i32
        %parallel_loop3A_862 = arith.subi %parallel_loop3A_799, %parallel_loop3A_861 : i32
        %parallel_loop3A_863 = arith.index_cast %parallel_loop3A_862 : i32 to index
        %parallel_loop3A_864 = arith.constant 112 : index
        %parallel_loop3A_865 = tpu.vector_load %arg9[%parallel_loop3A_863, %parallel_loop3A_864] {strides = array<i32>} : memref<128x128xf32, #tpu.memory_space<vmem>>, vector<16xf32>,
        %parallel_loop3A_866 = arith.mulf %parallel_loop3A_865, %parallel_loop3A_811 : vector<16xf32>
        %parallel_loop3A_867 = arith.addf %parallel_loop3A_807, %parallel_loop3A_866 : vector<16xf32>
        %parallel_loop3A_868 = arith.addf %parallel_loop3A_808, %parallel_loop3A_811 : vector<16xf32>
        scf.yield %parallel_loop3A_818, %parallel_loop3A_825, %parallel_loop3A_832, %parallel_loop3A_839, %parallel_loop3A_846, %parallel_loop3A_853, %parallel_loop3A_860, %parallel_loop3A_867, %parallel_loop3A_868 : vector<16xf32>, vector<16xf32>, vector<16xf32>, vector<16xf32>, vector<16xf32>, vector<16xf32>, vector<16xf32>, vector<16xf32>, vector<16xf32>
      } {sc.loop_unroll_factor = 2 : i64, sc.parallel_access}
      %get3A_736 = arith.index_cast %while3A_710 : i32 to index
      %get3A_737 = arith.constant 0 : index
      %get3A_738 = tpu.vector_load %arg16[%get3A_736, %get3A_737] {strides = array<i32>} : memref<512x128xf32, #tpu.memory_space<vmem>>, vector<16xf32>,
      %add3A_739 = arith.addf %get3A_738, %parallel_loop3A_735#0 : vector<16xf32>
      %swap3A_740 = arith.index_cast %while3A_710 : i32 to index
      %swap3A_741 = arith.constant 0 : index
      %swap3A_742 = tpu.vector_load %arg16[%swap3A_740, %swap3A_741] {strides = array<i32>} : memref<512x128xf32, #tpu.memory_space<vmem>>, vector<16xf32>,
      tpu.vector_store %arg16[%swap3A_740, %swap3A_741], %add3A_739 {strides = array<i32>} : memref<512x128xf32, #tpu.memory_space<vmem>>, vector<16xf32>,
      %get3A_743 = arith.index_cast %while3A_710 : i32 to index
      %get3A_744 = arith.constant 16 : index
      %get3A_745 = tpu.vector_load %arg16[%get3A_743, %get3A_744] {strides = array<i32>} : memref<512x128xf32, #tpu.memory_space<vmem>>, vector<16xf32>,
      %add3A_746 = arith.addf %get3A_745, %parallel_loop3A_735#1 : vector<16xf32>
      %swap3A_747 = arith.index_cast %while3A_710 : i32 to index
      %swap3A_748 = arith.constant 16 : index
      %swap3A_749 = tpu.vector_load %arg16[%swap3A_747, %swap3A_748] {strides = array<i32>} : memref<512x128xf32, #tpu.memory_space<vmem>>, vector<16xf32>,
      tpu.vector_store %arg16[%swap3A_747, %swap3A_748], %add3A_746 {strides = array<i32>} : memref<512x128xf32, #tpu.memory_space<vmem>>, vector<16xf32>,
      %get3A_750 = arith.index_cast %while3A_710 : i32 to index
      %get3A_751 = arith.constant 32 : index
      %get3A_752 = tpu.vector_load %arg16[%get3A_750, %get3A_751] {strides = array<i32>} : memref<512x128xf32, #tpu.memory_space<vmem>>, vector<16xf32>,
      %add3A_753 = arith.addf %get3A_752, %parallel_loop3A_735#2 : vector<16xf32>
      %swap3A_754 = arith.index_cast %while3A_710 : i32 to index
      %swap3A_755 = arith.constant 32 : index
      %swap3A_756 = tpu.vector_load %arg16[%swap3A_754, %swap3A_755] {strides = array<i32>} : memref<512x128xf32, #tpu.memory_space<vmem>>, vector<16xf32>,
      tpu.vector_store %arg16[%swap3A_754, %swap3A_755], %add3A_753 {strides = array<i32>} : memref<512x128xf32, #tpu.memory_space<vmem>>, vector<16xf32>,
      %get3A_757 = arith.index_cast %while3A_710 : i32 to index
      %get3A_758 = arith.constant 48 : index
      %get3A_759 = tpu.vector_load %arg16[%get3A_757, %get3A_758] {strides = array<i32>} : memref<512x128xf32, #tpu.memory_space<vmem>>, vector<16xf32>,
      %add3A_760 = arith.addf %get3A_759, %parallel_loop3A_735#3 : vector<16xf32>
      %swap3A_761 = arith.index_cast %while3A_710 : i32 to index
      %swap3A_762 = arith.constant 48 : index
      %swap3A_763 = tpu.vector_load %arg16[%swap3A_761, %swap3A_762] {strides = array<i32>} : memref<512x128xf32, #tpu.memory_space<vmem>>, vector<16xf32>,
      tpu.vector_store %arg16[%swap3A_761, %swap3A_762], %add3A_760 {strides = array<i32>} : memref<512x128xf32, #tpu.memory_space<vmem>>, vector<16xf32>,
      %get3A_764 = arith.index_cast %while3A_710 : i32 to index
      %get3A_765 = arith.constant 64 : index
      %get3A_766 = tpu.vector_load %arg16[%get3A_764, %get3A_765] {strides = array<i32>} : memref<512x128xf32, #tpu.memory_space<vmem>>, vector<16xf32>,
      %add3A_767 = arith.addf %get3A_766, %parallel_loop3A_735#4 : vector<16xf32>
      %swap3A_768 = arith.index_cast %while3A_710 : i32 to index
      %swap3A_769 = arith.constant 64 : index
      %swap3A_770 = tpu.vector_load %arg16[%swap3A_768, %swap3A_769] {strides = array<i32>} : memref<512x128xf32, #tpu.memory_space<vmem>>, vector<16xf32>,
      tpu.vector_store %arg16[%swap3A_768, %swap3A_769], %add3A_767 {strides = array<i32>} : memref<512x128xf32, #tpu.memory_space<vmem>>, vector<16xf32>,
      %get3A_771 = arith.index_cast %while3A_710 : i32 to index
      %get3A_772 = arith.constant 80 : index
      %get3A_773 = tpu.vector_load %arg16[%get3A_771, %get3A_772] {strides = array<i32>} : memref<512x128xf32, #tpu.memory_space<vmem>>, vector<16xf32>,
      %add3A_774 = arith.addf %get3A_773, %parallel_loop3A_735#5 : vector<16xf32>
      %swap3A_775 = arith.index_cast %while3A_710 : i32 to index
      %swap3A_776 = arith.constant 80 : index
      %swap3A_777 = tpu.vector_load %arg16[%swap3A_775, %swap3A_776] {strides = array<i32>} : memref<512x128xf32, #tpu.memory_space<vmem>>, vector<16xf32>,
      tpu.vector_store %arg16[%swap3A_775, %swap3A_776], %add3A_774 {strides = array<i32>} : memref<512x128xf32, #tpu.memory_space<vmem>>, vector<16xf32>,
      %get3A_778 = arith.index_cast %while3A_710 : i32 to index
      %get3A_779 = arith.constant 96 : index
      %get3A_780 = tpu.vector_load %arg16[%get3A_778, %get3A_779] {strides = array<i32>} : memref<512x128xf32, #tpu.memory_space<vmem>>, vector<16xf32>,
      %add3A_781 = arith.addf %get3A_780, %parallel_loop3A_735#6 : vector<16xf32>
      %swap3A_782 = arith.index_cast %while3A_710 : i32 to index
      %swap3A_783 = arith.constant 96 : index
      %swap3A_784 = tpu.vector_load %arg16[%swap3A_782, %swap3A_783] {strides = array<i32>} : memref<512x128xf32, #tpu.memory_space<vmem>>, vector<16xf32>,
      tpu.vector_store %arg16[%swap3A_782, %swap3A_783], %add3A_781 {strides = array<i32>} : memref<512x128xf32, #tpu.memory_space<vmem>>, vector<16xf32>,
      %get3A_785 = arith.index_cast %while3A_710 : i32 to index
      %get3A_786 = arith.constant 112 : index
      %get3A_787 = tpu.vector_load %arg16[%get3A_785, %get3A_786] {strides = array<i32>} : memref<512x128xf32, #tpu.memory_space<vmem>>, vector<16xf32>,
      %add3A_788 = arith.addf %get3A_787, %parallel_loop3A_735#7 : vector<16xf32>
      %swap3A_789 = arith.index_cast %while3A_710 : i32 to index
      %swap3A_790 = arith.constant 112 : index
      %swap3A_791 = tpu.vector_load %arg16[%swap3A_789, %swap3A_790] {strides = array<i32>} : memref<512x128xf32, #tpu.memory_space<vmem>>, vector<16xf32>,
      tpu.vector_store %arg16[%swap3A_789, %swap3A_790], %add3A_788 {strides = array<i32>} : memref<512x128xf32, #tpu.memory_space<vmem>>, vector<16xf32>,
      %get3A_792 = arith.index_cast %while3A_710 : i32 to index
      %get3A_793 = arith.constant 0 : index
      %get3A_794 = tpu.vector_load %arg17[%get3A_792, %get3A_793] {strides = array<i32>} : memref<512x16xf32, #tpu.memory_space<vmem>>, vector<16xf32>,
      %add3A_795 = arith.addf %get3A_794, %parallel_loop3A_735#8 : vector<16xf32>
      %swap3A_796 = arith.index_cast %while3A_710 : i32 to index
      %swap3A_797 = arith.constant 0 : index
      %swap3A_798 = tpu.vector_load %arg17[%swap3A_796, %swap3A_797] {strides = array<i32>} : memref<512x16xf32, #tpu.memory_space<vmem>>, vector<16xf32>,
      tpu.vector_store %arg17[%swap3A_796, %swap3A_797], %add3A_795 {strides = array<i32>} : memref<512x16xf32, #tpu.memory_space<vmem>>, vector<16xf32>,
    }
    %broadcast_in_dim3A_374 = arith.constant 0.000000e+00 : f32
    %broadcast_in_dim3A_375 = vector.broadcast %broadcast_in_dim3A_374 : f32 to vector<16xf32>
    %swap3A_376 = arith.constant 0 : i32
    %swap3A_377 = arith.index_cast %swap3A_376 : i32 to index
    %swap3A_378 = arith.constant 0 : index
    %swap3A_379 = tpu.vector_load %arg18[%swap3A_377, %swap3A_378] {strides = array<i32>} : memref<1x128xf32, #tpu.memory_space<vmem>>, vector<16xf32>,
    tpu.vector_store %arg18[%swap3A_377, %swap3A_378], %broadcast_in_dim3A_375 {strides = array<i32>} : memref<1x128xf32, #tpu.memory_space<vmem>>, vector<16xf32>,
    %broadcast_in_dim3A_380 = arith.constant 0 : i32
    %broadcast_in_dim3A_381 = vector.broadcast %broadcast_in_dim3A_380 : i32 to vector<16xi32>
    %swap3A_382 = arith.constant 0 : i32
    %swap3A_383 = arith.index_cast %swap3A_382 : i32 to index
    %swap3A_384 = arith.constant 0 : index
    %swap3A_385 = tpu.vector_load %arg19[%swap3A_383, %swap3A_384] {strides = array<i32>} : memref<1x128xi32, #tpu.memory_space<vmem>>, vector<16xi32>,
    tpu.vector_store %arg19[%swap3A_383, %swap3A_384], %broadcast_in_dim3A_381 {strides = array<i32>} : memref<1x128xi32, #tpu.memory_space<vmem>>, vector<16xi32>,
    %swap3A_386 = arith.constant 0 : i32
    %swap3A_387 = arith.index_cast %swap3A_386 : i32 to index
    %swap3A_388 = arith.constant 16 : index
    %swap3A_389 = tpu.vector_load %arg18[%swap3A_387, %swap3A_388] {strides = array<i32>} : memref<1x128xf32, #tpu.memory_space<vmem>>, vector<16xf32>,
    tpu.vector_store %arg18[%swap3A_387, %swap3A_388], %broadcast_in_dim3A_375 {strides = array<i32>} : memref<1x128xf32, #tpu.memory_space<vmem>>, vector<16xf32>,
    %broadcast_in_dim3A_390 = arith.constant 0 : i32
    %broadcast_in_dim3A_391 = vector.broadcast %broadcast_in_dim3A_390 : i32 to vector<16xi32>
    %swap3A_392 = arith.constant 0 : i32
    %swap3A_393 = arith.index_cast %swap3A_392 : i32 to index
    %swap3A_394 = arith.constant 16 : index
    %swap3A_395 = tpu.vector_load %arg19[%swap3A_393, %swap3A_394] {strides = array<i32>} : memref<1x128xi32, #tpu.memory_space<vmem>>, vector<16xi32>,
    tpu.vector_store %arg19[%swap3A_393, %swap3A_394], %broadcast_in_dim3A_391 {strides = array<i32>} : memref<1x128xi32, #tpu.memory_space<vmem>>, vector<16xi32>,
    %swap3A_396 = arith.constant 0 : i32
    %swap3A_397 = arith.index_cast %swap3A_396 : i32 to index
    %swap3A_398 = arith.constant 32 : index
    %swap3A_399 = tpu.vector_load %arg18[%swap3A_397, %swap3A_398] {strides = array<i32>} : memref<1x128xf32, #tpu.memory_space<vmem>>, vector<16xf32>,
    tpu.vector_store %arg18[%swap3A_397, %swap3A_398], %broadcast_in_dim3A_375 {strides = array<i32>} : memref<1x128xf32, #tpu.memory_space<vmem>>, vector<16xf32>,
    %broadcast_in_dim3A_400 = arith.constant 0 : i32
    %broadcast_in_dim3A_401 = vector.broadcast %broadcast_in_dim3A_400 : i32 to vector<16xi32>
    %swap3A_402 = arith.constant 0 : i32
    %swap3A_403 = arith.index_cast %swap3A_402 : i32 to index
    %swap3A_404 = arith.constant 32 : index
    %swap3A_405 = tpu.vector_load %arg19[%swap3A_403, %swap3A_404] {strides = array<i32>} : memref<1x128xi32, #tpu.memory_space<vmem>>, vector<16xi32>,
    tpu.vector_store %arg19[%swap3A_403, %swap3A_404], %broadcast_in_dim3A_401 {strides = array<i32>} : memref<1x128xi32, #tpu.memory_space<vmem>>, vector<16xi32>,
    %swap3A_406 = arith.constant 0 : i32
    %swap3A_407 = arith.index_cast %swap3A_406 : i32 to index
    %swap3A_408 = arith.constant 48 : index
    %swap3A_409 = tpu.vector_load %arg18[%swap3A_407, %swap3A_408] {strides = array<i32>} : memref<1x128xf32, #tpu.memory_space<vmem>>, vector<16xf32>,
    tpu.vector_store %arg18[%swap3A_407, %swap3A_408], %broadcast_in_dim3A_375 {strides = array<i32>} : memref<1x128xf32, #tpu.memory_space<vmem>>, vector<16xf32>,
    %broadcast_in_dim3A_410 = arith.constant 0 : i32
    %broadcast_in_dim3A_411 = vector.broadcast %broadcast_in_dim3A_410 : i32 to vector<16xi32>
    %swap3A_412 = arith.constant 0 : i32
    %swap3A_413 = arith.index_cast %swap3A_412 : i32 to index
    %swap3A_414 = arith.constant 48 : index
    %swap3A_415 = tpu.vector_load %arg19[%swap3A_413, %swap3A_414] {strides = array<i32>} : memref<1x128xi32, #tpu.memory_space<vmem>>, vector<16xi32>,
    tpu.vector_store %arg19[%swap3A_413, %swap3A_414], %broadcast_in_dim3A_411 {strides = array<i32>} : memref<1x128xi32, #tpu.memory_space<vmem>>, vector<16xi32>,
    %swap3A_416 = arith.constant 0 : i32
    %swap3A_417 = arith.index_cast %swap3A_416 : i32 to index
    %swap3A_418 = arith.constant 64 : index
    %swap3A_419 = tpu.vector_load %arg18[%swap3A_417, %swap3A_418] {strides = array<i32>} : memref<1x128xf32, #tpu.memory_space<vmem>>, vector<16xf32>,
    tpu.vector_store %arg18[%swap3A_417, %swap3A_418], %broadcast_in_dim3A_375 {strides = array<i32>} : memref<1x128xf32, #tpu.memory_space<vmem>>, vector<16xf32>,
    %broadcast_in_dim3A_420 = arith.constant 0 : i32
    %broadcast_in_dim3A_421 = vector.broadcast %broadcast_in_dim3A_420 : i32 to vector<16xi32>
    %swap3A_422 = arith.constant 0 : i32
    %swap3A_423 = arith.index_cast %swap3A_422 : i32 to index
    %swap3A_424 = arith.constant 64 : index
    %swap3A_425 = tpu.vector_load %arg19[%swap3A_423, %swap3A_424] {strides = array<i32>} : memref<1x128xi32, #tpu.memory_space<vmem>>, vector<16xi32>,
    tpu.vector_store %arg19[%swap3A_423, %swap3A_424], %broadcast_in_dim3A_421 {strides = array<i32>} : memref<1x128xi32, #tpu.memory_space<vmem>>, vector<16xi32>,
    %swap3A_426 = arith.constant 0 : i32
    %swap3A_427 = arith.index_cast %swap3A_426 : i32 to index
    %swap3A_428 = arith.constant 80 : index
    %swap3A_429 = tpu.vector_load %arg18[%swap3A_427, %swap3A_428] {strides = array<i32>} : memref<1x128xf32, #tpu.memory_space<vmem>>, vector<16xf32>,
    tpu.vector_store %arg18[%swap3A_427, %swap3A_428], %broadcast_in_dim3A_375 {strides = array<i32>} : memref<1x128xf32, #tpu.memory_space<vmem>>, vector<16xf32>,
    %broadcast_in_dim3A_430 = arith.constant 0 : i32
    %broadcast_in_dim3A_431 = vector.broadcast %broadcast_in_dim3A_430 : i32 to vector<16xi32>
    %swap3A_432 = arith.constant 0 : i32
    %swap3A_433 = arith.index_cast %swap3A_432 : i32 to index
    %swap3A_434 = arith.constant 80 : index
    %swap3A_435 = tpu.vector_load %arg19[%swap3A_433, %swap3A_434] {strides = array<i32>} : memref<1x128xi32, #tpu.memory_space<vmem>>, vector<16xi32>,
    tpu.vector_store %arg19[%swap3A_433, %swap3A_434], %broadcast_in_dim3A_431 {strides = array<i32>} : memref<1x128xi32, #tpu.memory_space<vmem>>, vector<16xi32>,
    %swap3A_436 = arith.constant 0 : i32
    %swap3A_437 = arith.index_cast %swap3A_436 : i32 to index
    %swap3A_438 = arith.constant 96 : index
    %swap3A_439 = tpu.vector_load %arg18[%swap3A_437, %swap3A_438] {strides = array<i32>} : memref<1x128xf32, #tpu.memory_space<vmem>>, vector<16xf32>,
    tpu.vector_store %arg18[%swap3A_437, %swap3A_438], %broadcast_in_dim3A_375 {strides = array<i32>} : memref<1x128xf32, #tpu.memory_space<vmem>>, vector<16xf32>,
    %broadcast_in_dim3A_440 = arith.constant 0 : i32
    %broadcast_in_dim3A_441 = vector.broadcast %broadcast_in_dim3A_440 : i32 to vector<16xi32>
    %swap3A_442 = arith.constant 0 : i32
    %swap3A_443 = arith.index_cast %swap3A_442 : i32 to index
    %swap3A_444 = arith.constant 96 : index
    %swap3A_445 = tpu.vector_load %arg19[%swap3A_443, %swap3A_444] {strides = array<i32>} : memref<1x128xi32, #tpu.memory_space<vmem>>, vector<16xi32>,
    tpu.vector_store %arg19[%swap3A_443, %swap3A_444], %broadcast_in_dim3A_441 {strides = array<i32>} : memref<1x128xi32, #tpu.memory_space<vmem>>, vector<16xi32>,
    %swap3A_446 = arith.constant 0 : i32
    %swap3A_447 = arith.index_cast %swap3A_446 : i32 to index
    %swap3A_448 = arith.constant 112 : index
    %swap3A_449 = tpu.vector_load %arg18[%swap3A_447, %swap3A_448] {strides = array<i32>} : memref<1x128xf32, #tpu.memory_space<vmem>>, vector<16xf32>,
    tpu.vector_store %arg18[%swap3A_447, %swap3A_448], %broadcast_in_dim3A_375 {strides = array<i32>} : memref<1x128xf32, #tpu.memory_space<vmem>>, vector<16xf32>,
    %broadcast_in_dim3A_450 = arith.constant 0 : i32
    %broadcast_in_dim3A_451 = vector.broadcast %broadcast_in_dim3A_450 : i32 to vector<16xi32>
    %swap3A_452 = arith.constant 0 : i32
    %swap3A_453 = arith.index_cast %swap3A_452 : i32 to index
    %swap3A_454 = arith.constant 112 : index
    %swap3A_455 = tpu.vector_load %arg19[%swap3A_453, %swap3A_454] {strides = array<i32>} : memref<1x128xi32, #tpu.memory_space<vmem>>, vector<16xi32>,
    tpu.vector_store %arg19[%swap3A_453, %swap3A_454], %broadcast_in_dim3A_451 {strides = array<i32>} : memref<1x128xi32, #tpu.memory_space<vmem>>, vector<16xi32>,
    %dma_start3A_456 = arith.constant 0 : i32
    %dma_start3A_457 = arith.constant 0 : i32
    %dma_start3A_458 = tpu.memref_slice %arg16[%dma_start3A_456, %dma_start3A_457] : memref<512x128xf32, #tpu.memory_space<vmem>> -> memref<1x128xf32, #tpu.memory_space<vmem>>
    %dma_start3A_459 = arith.constant 0 : i32
    %dma_start3A_460 = tpu.memref_slice %arg5[%add3A, %dma_start3A_459] : memref<32x128xf32, #tpu.memory_space<hbm>> -> memref<1x128xf32, #tpu.memory_space<hbm>>
    %dma_start3A_461 = arith.constant 0 : i32
    %dma_start3A_462 = tpu.memref_slice %arg5[%add3A, %dma_start3A_461] : memref<32x128xf32, #tpu.memory_space<hbm>> -> memref<1x128xf32, #tpu.memory_space<hbm>>
    %dma_start3A_463 = arith.constant 0 : i32
    %dma_start3A_464 = arith.constant 0 : i32
    %dma_start3A_465 = tpu.memref_slice %arg16[%dma_start3A_463, %dma_start3A_464] : memref<512x128xf32, #tpu.memory_space<vmem>> -> memref<1x128xf32, #tpu.memory_space<vmem>>
    tpu.enqueue_dma source(%dma_start3A_465 : memref<1x128xf32, #tpu.memory_space<vmem>>) target(%dma_start3A_462 : memref<1x128xf32, #tpu.memory_space<hbm>>) target_semaphore(%arg22 : memref<!tpu.dma_semaphore, #tpu.memory_space<semaphore_mem>>)
    %get3A_466 = arith.constant 0 : i32
    %get3A_467 = arith.index_cast %get3A_466 : i32 to index
    %get3A_468 = arith.constant 0 : index
    %get3A_469 = tpu.vector_load %arg17[%get3A_467, %get3A_468] {strides = array<i32>} : memref<512x16xf32, #tpu.memory_space<vmem>>, vector<16xf32>,
    %swap3A_470 = arith.constant 0 : i32
    %swap3A_471 = arith.index_cast %swap3A_470 : i32 to index
    %swap3A_472 = arith.constant 0 : index
    %swap3A_473 = tpu.vector_load %arg18[%swap3A_471, %swap3A_472] {strides = array<i32>} : memref<1x128xf32, #tpu.memory_space<vmem>>, vector<16xf32>,
    tpu.vector_store %arg18[%swap3A_471, %swap3A_472], %get3A_469 {strides = array<i32>} : memref<1x128xf32, #tpu.memory_space<vmem>>, vector<16xf32>,
    %dma_start3A_474 = arith.constant 0 : i32
    %dma_start3A_475 = tpu.memref_slice %arg6[%add3A, %dma_start3A_474] : memref<32x128xf32, #tpu.memory_space<hbm>> -> memref<1x128xf32, #tpu.memory_space<hbm>>
    %dma_start3A_476 = arith.constant 0 : i32
    %dma_start3A_477 = tpu.memref_slice %arg6[%add3A, %dma_start3A_476] : memref<32x128xf32, #tpu.memory_space<hbm>> -> memref<1x128xf32, #tpu.memory_space<hbm>>
    tpu.enqueue_dma source(%arg18 : memref<1x128xf32, #tpu.memory_space<vmem>>) target(%dma_start3A_477 : memref<1x128xf32, #tpu.memory_space<hbm>>) target_semaphore(%arg22 : memref<!tpu.dma_semaphore, #tpu.memory_space<semaphore_mem>>)
    %get3A_478 = arith.constant 0 : index
    %get3A_479 = tpu.vector_load %arg14[%get3A_478] {strides = array<i32>} : memref<512xi32, #tpu.memory_space<vmem>>, vector<16xi32>,
    %swap3A_480 = arith.constant 0 : i32
    %swap3A_481 = arith.index_cast %swap3A_480 : i32 to index
    %swap3A_482 = arith.constant 0 : index
    %swap3A_483 = tpu.vector_load %arg19[%swap3A_481, %swap3A_482] {strides = array<i32>} : memref<1x128xi32, #tpu.memory_space<vmem>>, vector<16xi32>,
    tpu.vector_store %arg19[%swap3A_481, %swap3A_482], %get3A_479 {strides = array<i32>} : memref<1x128xi32, #tpu.memory_space<vmem>>, vector<16xi32>,
    %dma_start3A_484 = arith.constant 0 : i32
    %dma_start3A_485 = tpu.memref_slice %arg7[%add3A, %dma_start3A_484] : memref<32x128xi32, #tpu.memory_space<hbm>> -> memref<1x128xi32, #tpu.memory_space<hbm>>
    %dma_start3A_486 = arith.constant 0 : i32
    %dma_start3A_487 = tpu.memref_slice %arg7[%add3A, %dma_start3A_486] : memref<32x128xi32, #tpu.memory_space<hbm>> -> memref<1x128xi32, #tpu.memory_space<hbm>>
    tpu.enqueue_dma source(%arg19 : memref<1x128xi32, #tpu.memory_space<vmem>>) target(%dma_start3A_487 : memref<1x128xi32, #tpu.memory_space<hbm>>) target_semaphore(%arg22 : memref<!tpu.dma_semaphore, #tpu.memory_space<semaphore_mem>>)
    %eq3A_488 = arith.constant 0 : i32
    %eq3A_489 = vector.broadcast %eq3A_488 : i32 to vector<16xi32>
    %eq3A_490 = arith.cmpi eq, %iota3A, %eq3A_489 : vector<16xi32>
    %select_n3A_491 = arith.select %eq3A_490, %broadcast_in_dim3A_23, %get3A_479 : vector<16xi1>, vector<16xi32>
    %swap3A_492 = arith.constant 0 : index
    %swap3A_493 = tpu.vector_load %arg14[%swap3A_492] {strides = array<i32>} : memref<512xi32, #tpu.memory_space<vmem>>, vector<16xi32>,
    tpu.vector_store %arg14[%swap3A_492], %select_n3A_491 {strides = array<i32>} : memref<512xi32, #tpu.memory_space<vmem>>, vector<16xi32>,
    %get3A_494 = arith.constant 0 : index
    %get3A_495 = tpu.vector_load %arg14[%get3A_494] {strides = array<i32>} : memref<512xi32, #tpu.memory_space<vmem>>, vector<16xi32>,
    %swap3A_496 = arith.constant 0 : i32
    %swap3A_497 = arith.index_cast %swap3A_496 : i32 to index
    %swap3A_498 = arith.constant 0 : index
    %swap3A_499 = tpu.vector_load %arg15[%swap3A_497, %swap3A_498] {strides = array<i32>} : memref<4x128xi32, #tpu.memory_space<vmem>>, vector<16xi32>,
    tpu.vector_store %arg15[%swap3A_497, %swap3A_498], %get3A_495 {strides = array<i32>} : memref<4x128xi32, #tpu.memory_space<vmem>>, vector<16xi32>,
    %get3A_500 = arith.constant 16 : index
    %get3A_501 = tpu.vector_load %arg14[%get3A_500] {strides = array<i32>} : memref<512xi32, #tpu.memory_space<vmem>>, vector<16xi32>,
    %swap3A_502 = arith.constant 0 : i32
    %swap3A_503 = arith.index_cast %swap3A_502 : i32 to index
    %swap3A_504 = arith.constant 16 : index
    %swap3A_505 = tpu.vector_load %arg15[%swap3A_503, %swap3A_504] {strides = array<i32>} : memref<4x128xi32, #tpu.memory_space<vmem>>, vector<16xi32>,
    tpu.vector_store %arg15[%swap3A_503, %swap3A_504], %get3A_501 {strides = array<i32>} : memref<4x128xi32, #tpu.memory_space<vmem>>, vector<16xi32>,
    %get3A_506 = arith.constant 32 : index
    %get3A_507 = tpu.vector_load %arg14[%get3A_506] {strides = array<i32>} : memref<512xi32, #tpu.memory_space<vmem>>, vector<16xi32>,
    %swap3A_508 = arith.constant 0 : i32
    %swap3A_509 = arith.index_cast %swap3A_508 : i32 to index
    %swap3A_510 = arith.constant 32 : index
    %swap3A_511 = tpu.vector_load %arg15[%swap3A_509, %swap3A_510] {strides = array<i32>} : memref<4x128xi32, #tpu.memory_space<vmem>>, vector<16xi32>,
    tpu.vector_store %arg15[%swap3A_509, %swap3A_510], %get3A_507 {strides = array<i32>} : memref<4x128xi32, #tpu.memory_space<vmem>>, vector<16xi32>,
    %get3A_512 = arith.constant 48 : index
    %get3A_513 = tpu.vector_load %arg14[%get3A_512] {strides = array<i32>} : memref<512xi32, #tpu.memory_space<vmem>>, vector<16xi32>,
    %swap3A_514 = arith.constant 0 : i32
    %swap3A_515 = arith.index_cast %swap3A_514 : i32 to index
    %swap3A_516 = arith.constant 48 : index
    %swap3A_517 = tpu.vector_load %arg15[%swap3A_515, %swap3A_516] {strides = array<i32>} : memref<4x128xi32, #tpu.memory_space<vmem>>, vector<16xi32>,
    tpu.vector_store %arg15[%swap3A_515, %swap3A_516], %get3A_513 {strides = array<i32>} : memref<4x128xi32, #tpu.memory_space<vmem>>, vector<16xi32>,
    %get3A_518 = arith.constant 64 : index
    %get3A_519 = tpu.vector_load %arg14[%get3A_518] {strides = array<i32>} : memref<512xi32, #tpu.memory_space<vmem>>, vector<16xi32>,
    %swap3A_520 = arith.constant 0 : i32
    %swap3A_521 = arith.index_cast %swap3A_520 : i32 to index
    %swap3A_522 = arith.constant 64 : index
    %swap3A_523 = tpu.vector_load %arg15[%swap3A_521, %swap3A_522] {strides = array<i32>} : memref<4x128xi32, #tpu.memory_space<vmem>>, vector<16xi32>,
    tpu.vector_store %arg15[%swap3A_521, %swap3A_522], %get3A_519 {strides = array<i32>} : memref<4x128xi32, #tpu.memory_space<vmem>>, vector<16xi32>,
    %get3A_524 = arith.constant 80 : index
    %get3A_525 = tpu.vector_load %arg14[%get3A_524] {strides = array<i32>} : memref<512xi32, #tpu.memory_space<vmem>>, vector<16xi32>,
    %swap3A_526 = arith.constant 0 : i32
    %swap3A_527 = arith.index_cast %swap3A_526 : i32 to index
    %swap3A_528 = arith.constant 80 : index
    %swap3A_529 = tpu.vector_load %arg15[%swap3A_527, %swap3A_528] {strides = array<i32>} : memref<4x128xi32, #tpu.memory_space<vmem>>, vector<16xi32>,
    tpu.vector_store %arg15[%swap3A_527, %swap3A_528], %get3A_525 {strides = array<i32>} : memref<4x128xi32, #tpu.memory_space<vmem>>, vector<16xi32>,
    %get3A_530 = arith.constant 96 : index
    %get3A_531 = tpu.vector_load %arg14[%get3A_530] {strides = array<i32>} : memref<512xi32, #tpu.memory_space<vmem>>, vector<16xi32>,
    %swap3A_532 = arith.constant 0 : i32
    %swap3A_533 = arith.index_cast %swap3A_532 : i32 to index
    %swap3A_534 = arith.constant 96 : index
    %swap3A_535 = tpu.vector_load %arg15[%swap3A_533, %swap3A_534] {strides = array<i32>} : memref<4x128xi32, #tpu.memory_space<vmem>>, vector<16xi32>,
    tpu.vector_store %arg15[%swap3A_533, %swap3A_534], %get3A_531 {strides = array<i32>} : memref<4x128xi32, #tpu.memory_space<vmem>>, vector<16xi32>,
    %get3A_536 = arith.constant 112 : index
    %get3A_537 = tpu.vector_load %arg14[%get3A_536] {strides = array<i32>} : memref<512xi32, #tpu.memory_space<vmem>>, vector<16xi32>,
    %swap3A_538 = arith.constant 0 : i32
    %swap3A_539 = arith.index_cast %swap3A_538 : i32 to index
    %swap3A_540 = arith.constant 112 : index
    %swap3A_541 = tpu.vector_load %arg15[%swap3A_539, %swap3A_540] {strides = array<i32>} : memref<4x128xi32, #tpu.memory_space<vmem>>, vector<16xi32>,
    tpu.vector_store %arg15[%swap3A_539, %swap3A_540], %get3A_537 {strides = array<i32>} : memref<4x128xi32, #tpu.memory_space<vmem>>, vector<16xi32>,
    %get3A_542 = arith.constant 128 : index
    %get3A_543 = tpu.vector_load %arg14[%get3A_542] {strides = array<i32>} : memref<512xi32, #tpu.memory_space<vmem>>, vector<16xi32>,
    %swap3A_544 = arith.constant 1 : i32
    %swap3A_545 = arith.index_cast %swap3A_544 : i32 to index
    %swap3A_546 = arith.constant 0 : index
    %swap3A_547 = tpu.vector_load %arg15[%swap3A_545, %swap3A_546] {strides = array<i32>} : memref<4x128xi32, #tpu.memory_space<vmem>>, vector<16xi32>,
    tpu.vector_store %arg15[%swap3A_545, %swap3A_546], %get3A_543 {strides = array<i32>} : memref<4x128xi32, #tpu.memory_space<vmem>>, vector<16xi32>,
    %get3A_548 = arith.constant 144 : index
    %get3A_549 = tpu.vector_load %arg14[%get3A_548] {strides = array<i32>} : memref<512xi32, #tpu.memory_space<vmem>>, vector<16xi32>,
    %swap3A_550 = arith.constant 1 : i32
    %swap3A_551 = arith.index_cast %swap3A_550 : i32 to index
    %swap3A_552 = arith.constant 16 : index
    %swap3A_553 = tpu.vector_load %arg15[%swap3A_551, %swap3A_552] {strides = array<i32>} : memref<4x128xi32, #tpu.memory_space<vmem>>, vector<16xi32>,
    tpu.vector_store %arg15[%swap3A_551, %swap3A_552], %get3A_549 {strides = array<i32>} : memref<4x128xi32, #tpu.memory_space<vmem>>, vector<16xi32>,
    %get3A_554 = arith.constant 160 : index
    %get3A_555 = tpu.vector_load %arg14[%get3A_554] {strides = array<i32>} : memref<512xi32, #tpu.memory_space<vmem>>, vector<16xi32>,
    %swap3A_556 = arith.constant 1 : i32
    %swap3A_557 = arith.index_cast %swap3A_556 : i32 to index
    %swap3A_558 = arith.constant 32 : index
    %swap3A_559 = tpu.vector_load %arg15[%swap3A_557, %swap3A_558] {strides = array<i32>} : memref<4x128xi32, #tpu.memory_space<vmem>>, vector<16xi32>,
    tpu.vector_store %arg15[%swap3A_557, %swap3A_558], %get3A_555 {strides = array<i32>} : memref<4x128xi32, #tpu.memory_space<vmem>>, vector<16xi32>,
    %get3A_560 = arith.constant 176 : index
    %get3A_561 = tpu.vector_load %arg14[%get3A_560] {strides = array<i32>} : memref<512xi32, #tpu.memory_space<vmem>>, vector<16xi32>,
    %swap3A_562 = arith.constant 1 : i32
    %swap3A_563 = arith.index_cast %swap3A_562 : i32 to index
    %swap3A_564 = arith.constant 48 : index
    %swap3A_565 = tpu.vector_load %arg15[%swap3A_563, %swap3A_564] {strides = array<i32>} : memref<4x128xi32, #tpu.memory_space<vmem>>, vector<16xi32>,
    tpu.vector_store %arg15[%swap3A_563, %swap3A_564], %get3A_561 {strides = array<i32>} : memref<4x128xi32, #tpu.memory_space<vmem>>, vector<16xi32>,
    %get3A_566 = arith.constant 192 : index
    %get3A_567 = tpu.vector_load %arg14[%get3A_566] {strides = array<i32>} : memref<512xi32, #tpu.memory_space<vmem>>, vector<16xi32>,
    %swap3A_568 = arith.constant 1 : i32
    %swap3A_569 = arith.index_cast %swap3A_568 : i32 to index
    %swap3A_570 = arith.constant 64 : index
    %swap3A_571 = tpu.vector_load %arg15[%swap3A_569, %swap3A_570] {strides = array<i32>} : memref<4x128xi32, #tpu.memory_space<vmem>>, vector<16xi32>,
    tpu.vector_store %arg15[%swap3A_569, %swap3A_570], %get3A_567 {strides = array<i32>} : memref<4x128xi32, #tpu.memory_space<vmem>>, vector<16xi32>,
    %get3A_572 = arith.constant 208 : index
    %get3A_573 = tpu.vector_load %arg14[%get3A_572] {strides = array<i32>} : memref<512xi32, #tpu.memory_space<vmem>>, vector<16xi32>,
    %swap3A_574 = arith.constant 1 : i32
    %swap3A_575 = arith.index_cast %swap3A_574 : i32 to index
    %swap3A_576 = arith.constant 80 : index
    %swap3A_577 = tpu.vector_load %arg15[%swap3A_575, %swap3A_576] {strides = array<i32>} : memref<4x128xi32, #tpu.memory_space<vmem>>, vector<16xi32>,
    tpu.vector_store %arg15[%swap3A_575, %swap3A_576], %get3A_573 {strides = array<i32>} : memref<4x128xi32, #tpu.memory_space<vmem>>, vector<16xi32>,
    %get3A_578 = arith.constant 224 : index
    %get3A_579 = tpu.vector_load %arg14[%get3A_578] {strides = array<i32>} : memref<512xi32, #tpu.memory_space<vmem>>, vector<16xi32>,
    %swap3A_580 = arith.constant 1 : i32
    %swap3A_581 = arith.index_cast %swap3A_580 : i32 to index
    %swap3A_582 = arith.constant 96 : index
    %swap3A_583 = tpu.vector_load %arg15[%swap3A_581, %swap3A_582] {strides = array<i32>} : memref<4x128xi32, #tpu.memory_space<vmem>>, vector<16xi32>,
    tpu.vector_store %arg15[%swap3A_581, %swap3A_582], %get3A_579 {strides = array<i32>} : memref<4x128xi32, #tpu.memory_space<vmem>>, vector<16xi32>,
    %get3A_584 = arith.constant 240 : index
    %get3A_585 = tpu.vector_load %arg14[%get3A_584] {strides = array<i32>} : memref<512xi32, #tpu.memory_space<vmem>>, vector<16xi32>,
    %swap3A_586 = arith.constant 1 : i32
    %swap3A_587 = arith.index_cast %swap3A_586 : i32 to index
    %swap3A_588 = arith.constant 112 : index
    %swap3A_589 = tpu.vector_load %arg15[%swap3A_587, %swap3A_588] {strides = array<i32>} : memref<4x128xi32, #tpu.memory_space<vmem>>, vector<16xi32>,
    tpu.vector_store %arg15[%swap3A_587, %swap3A_588], %get3A_585 {strides = array<i32>} : memref<4x128xi32, #tpu.memory_space<vmem>>, vector<16xi32>,
    %get3A_590 = arith.constant 256 : index
    %get3A_591 = tpu.vector_load %arg14[%get3A_590] {strides = array<i32>} : memref<512xi32, #tpu.memory_space<vmem>>, vector<16xi32>,
    %swap3A_592 = arith.constant 2 : i32
    %swap3A_593 = arith.index_cast %swap3A_592 : i32 to index
    %swap3A_594 = arith.constant 0 : index
    %swap3A_595 = tpu.vector_load %arg15[%swap3A_593, %swap3A_594] {strides = array<i32>} : memref<4x128xi32, #tpu.memory_space<vmem>>, vector<16xi32>,
    tpu.vector_store %arg15[%swap3A_593, %swap3A_594], %get3A_591 {strides = array<i32>} : memref<4x128xi32, #tpu.memory_space<vmem>>, vector<16xi32>,
    %get3A_596 = arith.constant 272 : index
    %get3A_597 = tpu.vector_load %arg14[%get3A_596] {strides = array<i32>} : memref<512xi32, #tpu.memory_space<vmem>>, vector<16xi32>,
    %swap3A_598 = arith.constant 2 : i32
    %swap3A_599 = arith.index_cast %swap3A_598 : i32 to index
    %swap3A_600 = arith.constant 16 : index
    %swap3A_601 = tpu.vector_load %arg15[%swap3A_599, %swap3A_600] {strides = array<i32>} : memref<4x128xi32, #tpu.memory_space<vmem>>, vector<16xi32>,
    tpu.vector_store %arg15[%swap3A_599, %swap3A_600], %get3A_597 {strides = array<i32>} : memref<4x128xi32, #tpu.memory_space<vmem>>, vector<16xi32>,
    %get3A_602 = arith.constant 288 : index
    %get3A_603 = tpu.vector_load %arg14[%get3A_602] {strides = array<i32>} : memref<512xi32, #tpu.memory_space<vmem>>, vector<16xi32>,
    %swap3A_604 = arith.constant 2 : i32
    %swap3A_605 = arith.index_cast %swap3A_604 : i32 to index
    %swap3A_606 = arith.constant 32 : index
    %swap3A_607 = tpu.vector_load %arg15[%swap3A_605, %swap3A_606] {strides = array<i32>} : memref<4x128xi32, #tpu.memory_space<vmem>>, vector<16xi32>,
    tpu.vector_store %arg15[%swap3A_605, %swap3A_606], %get3A_603 {strides = array<i32>} : memref<4x128xi32, #tpu.memory_space<vmem>>, vector<16xi32>,
    %get3A_608 = arith.constant 304 : index
    %get3A_609 = tpu.vector_load %arg14[%get3A_608] {strides = array<i32>} : memref<512xi32, #tpu.memory_space<vmem>>, vector<16xi32>,
    %swap3A_610 = arith.constant 2 : i32
    %swap3A_611 = arith.index_cast %swap3A_610 : i32 to index
    %swap3A_612 = arith.constant 48 : index
    %swap3A_613 = tpu.vector_load %arg15[%swap3A_611, %swap3A_612] {strides = array<i32>} : memref<4x128xi32, #tpu.memory_space<vmem>>, vector<16xi32>,
    tpu.vector_store %arg15[%swap3A_611, %swap3A_612], %get3A_609 {strides = array<i32>} : memref<4x128xi32, #tpu.memory_space<vmem>>, vector<16xi32>,
    %get3A_614 = arith.constant 320 : index
    %get3A_615 = tpu.vector_load %arg14[%get3A_614] {strides = array<i32>} : memref<512xi32, #tpu.memory_space<vmem>>, vector<16xi32>,
    %swap3A_616 = arith.constant 2 : i32
    %swap3A_617 = arith.index_cast %swap3A_616 : i32 to index
    %swap3A_618 = arith.constant 64 : index
    %swap3A_619 = tpu.vector_load %arg15[%swap3A_617, %swap3A_618] {strides = array<i32>} : memref<4x128xi32, #tpu.memory_space<vmem>>, vector<16xi32>,
    tpu.vector_store %arg15[%swap3A_617, %swap3A_618], %get3A_615 {strides = array<i32>} : memref<4x128xi32, #tpu.memory_space<vmem>>, vector<16xi32>,
    %get3A_620 = arith.constant 336 : index
    %get3A_621 = tpu.vector_load %arg14[%get3A_620] {strides = array<i32>} : memref<512xi32, #tpu.memory_space<vmem>>, vector<16xi32>,
    %swap3A_622 = arith.constant 2 : i32
    %swap3A_623 = arith.index_cast %swap3A_622 : i32 to index
    %swap3A_624 = arith.constant 80 : index
    %swap3A_625 = tpu.vector_load %arg15[%swap3A_623, %swap3A_624] {strides = array<i32>} : memref<4x128xi32, #tpu.memory_space<vmem>>, vector<16xi32>,
    tpu.vector_store %arg15[%swap3A_623, %swap3A_624], %get3A_621 {strides = array<i32>} : memref<4x128xi32, #tpu.memory_space<vmem>>, vector<16xi32>,
    %get3A_626 = arith.constant 352 : index
    %get3A_627 = tpu.vector_load %arg14[%get3A_626] {strides = array<i32>} : memref<512xi32, #tpu.memory_space<vmem>>, vector<16xi32>,
    %swap3A_628 = arith.constant 2 : i32
    %swap3A_629 = arith.index_cast %swap3A_628 : i32 to index
    %swap3A_630 = arith.constant 96 : index
    %swap3A_631 = tpu.vector_load %arg15[%swap3A_629, %swap3A_630] {strides = array<i32>} : memref<4x128xi32, #tpu.memory_space<vmem>>, vector<16xi32>,
    tpu.vector_store %arg15[%swap3A_629, %swap3A_630], %get3A_627 {strides = array<i32>} : memref<4x128xi32, #tpu.memory_space<vmem>>, vector<16xi32>,
    %get3A_632 = arith.constant 368 : index
    %get3A_633 = tpu.vector_load %arg14[%get3A_632] {strides = array<i32>} : memref<512xi32, #tpu.memory_space<vmem>>, vector<16xi32>,
    %swap3A_634 = arith.constant 2 : i32
    %swap3A_635 = arith.index_cast %swap3A_634 : i32 to index
    %swap3A_636 = arith.constant 112 : index
    %swap3A_637 = tpu.vector_load %arg15[%swap3A_635, %swap3A_636] {strides = array<i32>} : memref<4x128xi32, #tpu.memory_space<vmem>>, vector<16xi32>,
    tpu.vector_store %arg15[%swap3A_635, %swap3A_636], %get3A_633 {strides = array<i32>} : memref<4x128xi32, #tpu.memory_space<vmem>>, vector<16xi32>,
    %get3A_638 = arith.constant 384 : index
    %get3A_639 = tpu.vector_load %arg14[%get3A_638] {strides = array<i32>} : memref<512xi32, #tpu.memory_space<vmem>>, vector<16xi32>,
    %swap3A_640 = arith.constant 3 : i32
    %swap3A_641 = arith.index_cast %swap3A_640 : i32 to index
    %swap3A_642 = arith.constant 0 : index
    %swap3A_643 = tpu.vector_load %arg15[%swap3A_641, %swap3A_642] {strides = array<i32>} : memref<4x128xi32, #tpu.memory_space<vmem>>, vector<16xi32>,
    tpu.vector_store %arg15[%swap3A_641, %swap3A_642], %get3A_639 {strides = array<i32>} : memref<4x128xi32, #tpu.memory_space<vmem>>, vector<16xi32>,
    %get3A_644 = arith.constant 400 : index
    %get3A_645 = tpu.vector_load %arg14[%get3A_644] {strides = array<i32>} : memref<512xi32, #tpu.memory_space<vmem>>, vector<16xi32>,
    %swap3A_646 = arith.constant 3 : i32
    %swap3A_647 = arith.index_cast %swap3A_646 : i32 to index
    %swap3A_648 = arith.constant 16 : index
    %swap3A_649 = tpu.vector_load %arg15[%swap3A_647, %swap3A_648] {strides = array<i32>} : memref<4x128xi32, #tpu.memory_space<vmem>>, vector<16xi32>,
    tpu.vector_store %arg15[%swap3A_647, %swap3A_648], %get3A_645 {strides = array<i32>} : memref<4x128xi32, #tpu.memory_space<vmem>>, vector<16xi32>,
    %get3A_650 = arith.constant 416 : index
    %get3A_651 = tpu.vector_load %arg14[%get3A_650] {strides = array<i32>} : memref<512xi32, #tpu.memory_space<vmem>>, vector<16xi32>,
    %swap3A_652 = arith.constant 3 : i32
    %swap3A_653 = arith.index_cast %swap3A_652 : i32 to index
    %swap3A_654 = arith.constant 32 : index
    %swap3A_655 = tpu.vector_load %arg15[%swap3A_653, %swap3A_654] {strides = array<i32>} : memref<4x128xi32, #tpu.memory_space<vmem>>, vector<16xi32>,
    tpu.vector_store %arg15[%swap3A_653, %swap3A_654], %get3A_651 {strides = array<i32>} : memref<4x128xi32, #tpu.memory_space<vmem>>, vector<16xi32>,
    %get3A_656 = arith.constant 432 : index
    %get3A_657 = tpu.vector_load %arg14[%get3A_656] {strides = array<i32>} : memref<512xi32, #tpu.memory_space<vmem>>, vector<16xi32>,
    %swap3A_658 = arith.constant 3 : i32
    %swap3A_659 = arith.index_cast %swap3A_658 : i32 to index
    %swap3A_660 = arith.constant 48 : index
    %swap3A_661 = tpu.vector_load %arg15[%swap3A_659, %swap3A_660] {strides = array<i32>} : memref<4x128xi32, #tpu.memory_space<vmem>>, vector<16xi32>,
    tpu.vector_store %arg15[%swap3A_659, %swap3A_660], %get3A_657 {strides = array<i32>} : memref<4x128xi32, #tpu.memory_space<vmem>>, vector<16xi32>,
    %get3A_662 = arith.constant 448 : index
    %get3A_663 = tpu.vector_load %arg14[%get3A_662] {strides = array<i32>} : memref<512xi32, #tpu.memory_space<vmem>>, vector<16xi32>,
    %swap3A_664 = arith.constant 3 : i32
    %swap3A_665 = arith.index_cast %swap3A_664 : i32 to index
    %swap3A_666 = arith.constant 64 : index
    %swap3A_667 = tpu.vector_load %arg15[%swap3A_665, %swap3A_666] {strides = array<i32>} : memref<4x128xi32, #tpu.memory_space<vmem>>, vector<16xi32>,
    tpu.vector_store %arg15[%swap3A_665, %swap3A_666], %get3A_663 {strides = array<i32>} : memref<4x128xi32, #tpu.memory_space<vmem>>, vector<16xi32>,
    %get3A_668 = arith.constant 464 : index
    %get3A_669 = tpu.vector_load %arg14[%get3A_668] {strides = array<i32>} : memref<512xi32, #tpu.memory_space<vmem>>, vector<16xi32>,
    %swap3A_670 = arith.constant 3 : i32
    %swap3A_671 = arith.index_cast %swap3A_670 : i32 to index
    %swap3A_672 = arith.constant 80 : index
    %swap3A_673 = tpu.vector_load %arg15[%swap3A_671, %swap3A_672] {strides = array<i32>} : memref<4x128xi32, #tpu.memory_space<vmem>>, vector<16xi32>,
    tpu.vector_store %arg15[%swap3A_671, %swap3A_672], %get3A_669 {strides = array<i32>} : memref<4x128xi32, #tpu.memory_space<vmem>>, vector<16xi32>,
    %get3A_674 = arith.constant 480 : index
    %get3A_675 = tpu.vector_load %arg14[%get3A_674] {strides = array<i32>} : memref<512xi32, #tpu.memory_space<vmem>>, vector<16xi32>,
    %swap3A_676 = arith.constant 3 : i32
    %swap3A_677 = arith.index_cast %swap3A_676 : i32 to index
    %swap3A_678 = arith.constant 96 : index
    %swap3A_679 = tpu.vector_load %arg15[%swap3A_677, %swap3A_678] {strides = array<i32>} : memref<4x128xi32, #tpu.memory_space<vmem>>, vector<16xi32>,
    tpu.vector_store %arg15[%swap3A_677, %swap3A_678], %get3A_675 {strides = array<i32>} : memref<4x128xi32, #tpu.memory_space<vmem>>, vector<16xi32>,
    %get3A_680 = arith.constant 496 : index
    %get3A_681 = tpu.vector_load %arg14[%get3A_680] {strides = array<i32>} : memref<512xi32, #tpu.memory_space<vmem>>, vector<16xi32>,
    %swap3A_682 = arith.constant 3 : i32
    %swap3A_683 = arith.index_cast %swap3A_682 : i32 to index
    %swap3A_684 = arith.constant 112 : index
    %swap3A_685 = tpu.vector_load %arg15[%swap3A_683, %swap3A_684] {strides = array<i32>} : memref<4x128xi32, #tpu.memory_space<vmem>>, vector<16xi32>,
    tpu.vector_store %arg15[%swap3A_683, %swap3A_684], %get3A_681 {strides = array<i32>} : memref<4x128xi32, #tpu.memory_space<vmem>>, vector<16xi32>,
    %scan3A_686 = arith.constant 0 : i32
    %scan3A_687 = arith.constant 0 : i32
    %scan3A_688 = arith.constant 128 : i32
    %scan3A_689 = arith.addi %scan3A_687, %scan3A_688 : i32
    %scan3A_690 = arith.constant 1 : i32
    scf.for %scan3A_710 = %scan3A_687 to %scan3A_689 step %scan3A_690  : i32 {
      %get3A_711 = arith.index_cast %scan3A_710 : i32 to index
      %get3A_712 = arith.constant 0 : index
      %get3A_713 = tpu.vector_load %arg17[%get3A_711, %get3A_712] {strides = array<i32>} : memref<512x16xf32, #tpu.memory_space<vmem>>, vector<16xf32>,
      %swap3A_714 = arith.index_cast %scan3A_710 : i32 to index
      %swap3A_715 = arith.constant 0 : index
      %swap3A_716 = tpu.vector_load %arg8[%swap3A_714, %swap3A_715] {strides = array<i32>} : memref<128x128xf32, #tpu.memory_space<vmem>>, vector<16xf32>,
      tpu.vector_store %arg8[%swap3A_714, %swap3A_715], %get3A_713 {strides = array<i32>} : memref<128x128xf32, #tpu.memory_space<vmem>>, vector<16xf32>,
    }
    %scan3A_691 = arith.constant 128 : i32
    %dma_wait3A_692 = arith.constant 0 : i32
    %dma_wait3A_693 = arith.constant 0 : i32
    %dma_wait3A_694 = tpu.memref_slice %arg16[%dma_wait3A_692, %dma_wait3A_693] : memref<512x128xf32, #tpu.memory_space<vmem>> -> memref<1x128xf32, #tpu.memory_space<vmem>>
    %dma_wait3A_695 = arith.constant 0 : i32
    %dma_wait3A_696 = tpu.memref_slice %arg5[%add3A, %dma_wait3A_695] : memref<32x128xf32, #tpu.memory_space<hbm>> -> memref<1x128xf32, #tpu.memory_space<hbm>>
    %dma_wait3A_697 = arith.constant 0 : i32
    %dma_wait3A_698 = tpu.memref_slice %arg5[%add3A, %dma_wait3A_697] : memref<32x128xf32, #tpu.memory_space<hbm>> -> memref<1x128xf32, #tpu.memory_space<hbm>>
    %dma_wait3A_699 = arith.constant 0 : i32
    %dma_wait3A_700 = arith.constant 0 : i32
    %dma_wait3A_701 = tpu.memref_slice %arg16[%dma_wait3A_699, %dma_wait3A_700] : memref<512x128xf32, #tpu.memory_space<vmem>> -> memref<1x128xf32, #tpu.memory_space<vmem>>
    tpu.wait_dma2 semaphore(%arg22 : memref<!tpu.dma_semaphore, #tpu.memory_space<semaphore_mem>>) src(%dma_wait3A_701 : memref<1x128xf32, #tpu.memory_space<vmem>>) dst(%dma_wait3A_698 : memref<1x128xf32, #tpu.memory_space<hbm>>)
    %dma_wait3A_702 = arith.constant 0 : i32
    %dma_wait3A_703 = tpu.memref_slice %arg6[%add3A, %dma_wait3A_702] : memref<32x128xf32, #tpu.memory_space<hbm>> -> memref<1x128xf32, #tpu.memory_space<hbm>>
    %dma_wait3A_704 = arith.constant 0 : i32
    %dma_wait3A_705 = tpu.memref_slice %arg6[%add3A, %dma_wait3A_704] : memref<32x128xf32, #tpu.memory_space<hbm>> -> memref<1x128xf32, #tpu.memory_space<hbm>>
    tpu.wait_dma2 semaphore(%arg22 : memref<!tpu.dma_semaphore, #tpu.memory_space<semaphore_mem>>) src(%arg18 : memref<1x128xf32, #tpu.memory_space<vmem>>) dst(%dma_wait3A_705 : memref<1x128xf32, #tpu.memory_space<hbm>>)
    %dma_wait3A_706 = arith.constant 0 : i32
    %dma_wait3A_707 = tpu.memref_slice %arg7[%add3A, %dma_wait3A_706] : memref<32x128xi32, #tpu.memory_space<hbm>> -> memref<1x128xi32, #tpu.memory_space<hbm>>
    %dma_wait3A_708 = arith.constant 0 : i32
    %dma_wait3A_709 = tpu.memref_slice %arg7[%add3A, %dma_wait3A_708] : memref<32x128xi32, #tpu.memory_space<hbm>> -> memref<1x128xi32, #tpu.memory_space<hbm>>
    tpu.wait_dma2 semaphore(%arg22 : memref<!tpu.dma_semaphore, #tpu.memory_space<semaphore_mem>>) src(%arg19 : memref<1x128xi32, #tpu.memory_space<vmem>>) dst(%dma_wait3A_709 : memref<1x128xi32, #tpu.memory_space<hbm>>)
    return
  }
}

module attributes {stable_mosaic.version = 14 : i64} {
  func.func @_ex_body(%arg0: i32, %arg1: memref<2048x128xf32, #tpu.memory_space<vmem>>, %arg2: memref<128x1xf32, #tpu.memory_space<vmem>>, %arg3: memref<2048x16xf32, #tpu.memory_space<vmem>>) attributes {dimension_semantics = [#tpu.dimension_semantics<arbitrary>], iteration_bounds = array<i64: 8>, scalar_prefetch = 0 : i64, scratch_operands = 0 : i64, tpu.core_type = #tpu.core_type<tc>, window_params = [{transform_indices = @transform_0, window_bounds = array<i64: 2048, 128>}, {pipeline_mode = #tpu.pipeline_mode<synchronous>, transform_indices = @transform_1, window_bounds = array<i64: 128, 1>}, {transform_indices = @transform_2, window_bounds = array<i64: 2048, 16>}]} {
    %get3A = arith.constant 0 : index
    %get3A_0 = arith.constant 0 : index
    %get3A_1 = vector.load %arg1[%get3A, %get3A_0] : memref<2048x128xf32, #tpu.memory_space<vmem>>, vector<2048x128xf32>
    %get3A_2 = arith.constant 0 : index
    %get3A_3 = arith.constant 0 : index
    %get3A_4 = vector.load %arg2[%get3A_2, %get3A_3] : memref<128x1xf32, #tpu.memory_space<vmem>>, vector<128x1xf32>
    %dot_general3A = arith.constant dense<0.000000e+00> : vector<2048x1xf32>
    %dot_general3A_5 = tpu.matmul %get3A_1, %get3A_4, %dot_general3A {dimension_numbers = #tpu.dot_dimension_numbers<[1], [0], [0], [1], [0, 0, 1, 1], [], []>, transpose_lhs_hint = false} : vector<2048x128xf32>, vector<128x1xf32>, vector<2048x1xf32> -> vector<2048x1xf32>
    %exp3A = math.exp %dot_general3A_5 : vector<2048x1xf32>
    %broadcast_in_dim3A = vector.shape_cast %exp3A : vector<2048x1xf32> to vector<2048x1xf32>
    %broadcast_in_dim3A_6 = vector.broadcast %broadcast_in_dim3A : vector<2048x1xf32> to vector<2048x16xf32>
    %swap3A = arith.constant 0 : index
    %swap3A_7 = arith.constant 0 : index
    %swap3A_8 = vector.load %arg3[%swap3A, %swap3A_7] : memref<2048x16xf32, #tpu.memory_space<vmem>>, vector<2048x16xf32>
    tpu.vector_store %arg3[%swap3A, %swap3A_7], %broadcast_in_dim3A_6 {strides = array<i32>} : memref<2048x16xf32, #tpu.memory_space<vmem>>, vector<2048x16xf32>,
    return
  }
  func.func @transform_0(%arg0: i32) -> (i32, i32) {
    %c0_i32 = arith.constant 0 : i32
    %c0_i32_0 = arith.constant 0 : i32
    return %arg0, %c0_i32 : i32, i32
  }
  func.func @transform_1(%arg0: i32) -> (i32, i32) {
    %c0_i32 = arith.constant 0 : i32
    %c0_i32_0 = arith.constant 0 : i32
    %c0_i32_1 = arith.constant 0 : i32
    return %c0_i32, %c0_i32_0 : i32, i32
  }
  func.func @transform_2(%arg0: i32) -> (i32, i32) {
    %c0_i32 = arith.constant 0 : i32
    %c0_i32_0 = arith.constant 0 : i32
    return %arg0, %c0_i32 : i32, i32
  }
}

module attributes {stable_mosaic.version = 14 : i64} {
  func.func @_norm_body(%arg0: memref<1056x128xf32, #tpu.memory_space<vmem>>, %arg1: memref<1056x128xf32, #tpu.memory_space<vmem>>, %arg2: memref<32x128xf32, #tpu.memory_space<vmem>>, %arg3: memref<32x128xf32, #tpu.memory_space<vmem>>, %arg4: memref<32x128xi32, #tpu.memory_space<vmem>>, %arg5: memref<1024x128xf32, #tpu.memory_space<vmem>>) attributes {dimension_semantics = [], scalar_prefetch = 0 : i64, scratch_operands = 0 : i64, tpu.core_type = #tpu.core_type<tc>} {
    %get3A = arith.constant 0 : index
    %get3A_0 = arith.constant 0 : index
    %get3A_1 = vector.load %arg0[%get3A, %get3A_0] : memref<1056x128xf32, #tpu.memory_space<vmem>>, vector<1056x128xf32>
    %slice3A = vector.extract_strided_slice %get3A_1 {offsets = [0, 0], sizes = [1024, 128], strides = [1, 1]} : vector<1056x128xf32> to vector<1024x128xf32>
    %get3A_2 = arith.constant 0 : index
    %get3A_3 = arith.constant 0 : index
    %get3A_4 = vector.load %arg1[%get3A_2, %get3A_3] : memref<1056x128xf32, #tpu.memory_space<vmem>>, vector<1056x128xf32>
    %slice3A_5 = vector.extract_strided_slice %get3A_4 {offsets = [0, 0], sizes = [1024, 1], strides = [1, 1]} : vector<1056x128xf32> to vector<1024x1xf32>
    %get3A_6 = arith.constant 0 : index
    %get3A_7 = arith.constant 0 : index
    %get3A_8 = vector.load %arg4[%get3A_6, %get3A_7] : memref<32x128xi32, #tpu.memory_space<vmem>>, vector<32x128xi32>
    %slice3A_9 = vector.extract_strided_slice %get3A_8 {offsets = [0, 0], sizes = [32, 1], strides = [1, 1]} : vector<32x128xi32> to vector<32x1xi32>
    %iota3A = tpu.iota {dimensions = array<i32: 0>} : vector<1024x32xi32>
    %transpose3A = tpu.transpose %slice3A_9, [1, 0] : vector<32x1xi32> -> vector<1x32xi32>
    %broadcast_in_dim3A = vector.shape_cast %transpose3A : vector<1x32xi32> to vector<1x32xi32>
    %broadcast_in_dim3A_10 = vector.broadcast %broadcast_in_dim3A : vector<1x32xi32> to vector<1024x32xi32>
    %eq3A = arith.cmpi eq, %iota3A, %broadcast_in_dim3A_10 : vector<1024x32xi32>
    %jit3A = arith.constant 1.000000e+00 : f32
    %jit3A_11 = arith.constant 0.000000e+00 : f32
    %broadcast_in_dim3A_12 = vector.broadcast %jit3A : f32 to vector<1024x32xf32>
    %broadcast_in_dim3A_13 = vector.broadcast %jit3A_11 : f32 to vector<1024x32xf32>
    %select_n3A = arith.select %eq3A, %broadcast_in_dim3A_12, %broadcast_in_dim3A_13 : vector<1024x32xi1>, vector<1024x32xf32>
    %get3A_14 = arith.constant 0 : index
    %get3A_15 = arith.constant 0 : index
    %get3A_16 = vector.load %arg2[%get3A_14, %get3A_15] : memref<32x128xf32, #tpu.memory_space<vmem>>, vector<32x128xf32>
    %dot_general3A = arith.constant dense<0.000000e+00> : vector<1024x128xf32>
    %dot_general3A_17 = tpu.matmul %select_n3A, %get3A_16, %dot_general3A {dimension_numbers = #tpu.dot_dimension_numbers<[1], [0], [0], [1], [0, 0, 1, 1], [], []>, transpose_lhs_hint = false} : vector<1024x32xf32>, vector<32x128xf32>, vector<1024x128xf32> -> vector<1024x128xf32>
    %add3A = arith.addf %slice3A, %dot_general3A_17 : vector<1024x128xf32>
    %get3A_18 = arith.constant 0 : index
    %get3A_19 = arith.constant 0 : index
    %get3A_20 = vector.load %arg3[%get3A_18, %get3A_19] : memref<32x128xf32, #tpu.memory_space<vmem>>, vector<32x128xf32>
    %dot_general3A_21 = arith.constant dense<0.000000e+00> : vector<1024x128xf32>
    %dot_general3A_22 = tpu.matmul %select_n3A, %get3A_20, %dot_general3A_21 {dimension_numbers = #tpu.dot_dimension_numbers<[1], [0], [0], [1], [0, 0, 1, 1], [], []>, transpose_lhs_hint = false} : vector<1024x32xf32>, vector<32x128xf32>, vector<1024x128xf32> -> vector<1024x128xf32>
    %slice3A_23 = vector.extract_strided_slice %dot_general3A_22 {offsets = [0, 0], sizes = [1024, 1], strides = [1, 1]} : vector<1024x128xf32> to vector<1024x1xf32>
    %add3A_24 = arith.addf %slice3A_5, %slice3A_23 : vector<1024x1xf32>
    %gt3A = arith.constant 0.000000e+00 : f32
    %gt3A_25 = vector.broadcast %gt3A : f32 to vector<1024x1xf32>
    %gt3A_26 = arith.cmpf ogt, %add3A_24, %gt3A_25 : vector<1024x1xf32>
    %jit3A_27 = arith.constant 1.000000e+00 : f32
    %broadcast_in_dim3A_28 = vector.broadcast %jit3A_27 : f32 to vector<1024x1xf32>
    %select_n3A_29 = arith.select %gt3A_26, %add3A_24, %broadcast_in_dim3A_28 : vector<1024x1xi1>, vector<1024x1xf32>
    %broadcast_in_dim3A_30 = vector.shape_cast %gt3A_26 : vector<1024x1xi1> to vector<1024x1xi1>
    %broadcast_in_dim3A_31 = vector.broadcast %broadcast_in_dim3A_30 : vector<1024x1xi1> to vector<1024x128xi1>
    %broadcast_in_dim3A_32 = vector.shape_cast %select_n3A_29 : vector<1024x1xf32> to vector<1024x1xf32>
    %broadcast_in_dim3A_33 = vector.broadcast %broadcast_in_dim3A_32 : vector<1024x1xf32> to vector<1024x128xf32>
    %div3A = arith.divf %add3A, %broadcast_in_dim3A_33 : vector<1024x128xf32>
    %jit3A_34 = arith.constant 0.000000e+00 : f32
    %broadcast_in_dim3A_35 = vector.broadcast %jit3A_34 : f32 to vector<1024x128xf32>
    %select_n3A_36 = arith.select %broadcast_in_dim3A_31, %div3A, %broadcast_in_dim3A_35 : vector<1024x128xi1>, vector<1024x128xf32>
    %swap3A = arith.constant 0 : index
    %swap3A_37 = arith.constant 0 : index
    %swap3A_38 = vector.load %arg5[%swap3A, %swap3A_37] : memref<1024x128xf32, #tpu.memory_space<vmem>>, vector<1024x128xf32>
    tpu.vector_store %arg5[%swap3A, %swap3A_37], %select_n3A_36 {strides = array<i32>} : memref<1024x128xf32, #tpu.memory_space<vmem>>, vector<1024x128xf32>,
    return
  }
}

</mosaic_0001>

<sc_bundles>
// kernel: kernel.5.cloned.1.call-start
scs
__scs_entry_jumppad:
0x0: {  	(pc) =	sbr.rel $0x88, $3  }
0x1: {  	(tag) =	ssettag $0x0;
	lr =	simm.s32 $0x1  }
0x2: {  	[smem:$0x3F9E] =	sst lr;
	_ =	strace $0xD0000000  }
0x3: {  	_ = 	snop  }
0x4: {  	_ = 	snop  }
0x5: {  	_ = 	snop  }
0x6: {  	_ = 	snop  }
0x7: {  	_ = 	snop  }
__scs_overlays_trampoline_lowered:
0x8: {  	[smem:$0x3FAD] =	sst s0  }
0x9: {  	[smem:$0x3FAE] =	sst s1  }
0xa: {  	[smem:$0x3FAF] =	sst s2  }
0xb: {  	[smem:$0x3FB0] =	sst s3  }
0xc: {  	[smem:$0x3FB1] =	sst s4  }
0xd: {  	[smem:$0x3FB2] =	sst s5  }
0xe: {  	[smem:$0x3FB3] =	sst s6  }
0xf: {  	[smem:$0x3FB4] =	sst s7  }
0x10: {  	[smem:$0x3FB5] =	sst s8  }
0x11: {  	[smem:$0x3FB6] =	sst s9;
	s0 =	simm.s32 @!p0 $0x0  }
0x12: {  	s1 =	sld [smem:$0x3F9C];
	s0 =	simm.s32 @p0 $0x1  }
0x13: {  	[smem:$0x3FB7] =	sst s0;
	s0 =	simm.s32 @!p1 $0x0  }
0x14: {  	s2 =	sld [smem:$0x3F9B];
	s0 =	simm.s32 @p1 $0x1  }
0x15: {  	[smem:$0x3FB8] =	sst s0;
	s0 =	simm.s32 @!p2 $0x0  }
0x16: {  	s3 =	sld [smem:$0x3FDB];
	s0 =	simm.s32 @p2 $0x1  }
0x17: {  	s4 =	simm.s32 $0x1BF5;
	[smem:$0x3FBA] =	sst s0  }
0x18: {  	s0 =	sld [smem:$0x3F9D];
	_ =	swait.ge [sflag:s4], $0x0  }
0x19: {  	s7 =	sld [smem:$0x3F9E]  }
0x1a: {  	s8 =	sadd.s32 $0xFFFFE003, lr  }
0x1b: {  	s9 =	sadd.s32 $0xFFFFFEF7, lr;
	s5 =	simm.s32 $0xFFFFFFFF;
	p2 =	slt.u32 s8, $0xFFFFF086  }
0x1c: {  	p1 =	slt.u32 s9, $0xF7A;
	s5 =	simm.s32 @!p2 $0x0  }
0x1d: {  	s5 =	simm.s32 @p1 $0x1;
	p0 =	seq.s32 s7, s2  }
0x1e: {  	s7 =	smul.u32 @!p0 $0xF7A, s2;
	p2 =	seq.s32 @!p0 s5, $0x0  }
0x1f: {  	s9 =	smul.u32 $0xF7A, s1;
	s8 =	simm.s32 @!p0 $0x1BF5;
	p2 =	por !p2, p0  }
0x20: {  	[sflag:s8] =	ssyncset.s32 @!p0 $0xFFFFF086;
	s6 =	sadd.s32 @!p0 s3, s7;
	s7 =	simm.s32 @!p0 $0x108  }
0x21: {  	s3 =	sadd.s32 s3, s9;
	s6 =	sadd.s32 @!p0 $0x88, s6;
	s7 =	simm.s32 @p2 $0x1082  }
0x22: {  	[simem:s7], [sflag:s8] =	dma.local @!p0 [hbm:s6], $0xF7A  }
0x23: {  	s9 =	sor.u32 $0xD0000000, s2;
	s6 =	simm.s32 $0x108;
	_ =	swait.ge @!p0 [sflag:s8], $0x0  }
0x24: {  	s3 =	sadd.s32 $0x88, s3;
	s6 =	simm.s32 @!p1 $0x1082;
	[sflag:s4] =	ssyncset.s32 $0xFFFFF086  }
0x25: {  	[simem:s6], [sflag:s4] =	dma.local [hbm:s3], $0xF7A  }
0x26: {  	[smem:$0x3F9E] =	sst s1;
	(tag) =	ssettag s2;
	_ =	strace s9  }
0x27: {  	s1 =	sld [smem:$0x3FAE]  }
0x28: {  	s2 =	sld [smem:$0x3FAF]  }
0x29: {  	s4 =	sld [smem:$0x3FB1]  }
0x2a: {  	p0 =	seq.s32 s5, $0x0;
	s5 =	sld [smem:$0x3FB2]  }
0x2b: {  	s6 =	sld [smem:$0x3FB3]  }
0x2c: {  	s7 =	sld [smem:$0x3FB4]  }
0x2d: {  	s3 =	simm.s32 $0x108;
	s8 =	sld [smem:$0x3FB5]  }
0x2e: {  	s3 =	simm.s32 @!p0 $0x1082;
	s9 =	sld [smem:$0x3FB6]  }
0x2f: {  	lr =	sadd.s32 s0, s3;
	s0 =	sld [smem:$0x3FAD]  }
0x30: {  	s3 =	sld [smem:$0x3FB0]  }
0x31: {  	[smem:$0x3FB9] =	sst s10  }
0x32: {  	s10 =	sld [smem:$0x3FB7];
	_ =	sdelay $0x3  }
0x33: {  	p0 =	seq.s32 s10, $0x1;
	s10 =	sld [smem:$0x3FB9];
	_ =	sdelay $0x3  }
0x34: {  	[smem:$0x3FB9] =	sst s10  }
0x35: {  	s10 =	sld [smem:$0x3FB8];
	_ =	sdelay $0x3  }
0x36: {  	p1 =	seq.s32 s10, $0x1;
	s10 =	sld [smem:$0x3FB9];
	_ =	sdelay $0x3  }
0x37: {  	[smem:$0x3FB9] =	sst s10  }
0x38: {  	s10 =	sld [smem:$0x3FBA]  }
0x39: {  	_ = 	snop;
	(pc) =	sbr.ind lr, $3  }
0x3a: {  	_ = 	snop  }
0x3b: {  	_ = 	snop  }
0x3c: {  	p2 =	seq.s32 s10, $0x1;
	s10 =	sld [smem:$0x3FB9]  }
0x3d: {  	_ =	shalt  }
0x3e: {  	_ =	shalt  }
0x3f: {  	_ =	shalt  }
0x40: {  	_ =	shalt  }
0x41: {  	_ =	shalt  }
0x42: {  	_ =	shalt  }
0x43: {  	_ =	shalt  }
0x44: {  	_ =	shalt  }
0x45: {  	_ =	shalt  }
0x46: {  	_ =	shalt  }
0x47: {  	_ =	shalt  }
0x48: {  	_ =	shalt  }
0x49: {  	_ =	shalt  }
0x4a: {  	_ =	shalt  }
0x4b: {  	_ =	shalt  }
0x4c: {  	_ =	shalt  }
0x4d: {  	_ =	shalt  }
0x4e: {  	_ =	shalt  }
0x4f: {  	_ =	shalt  }
0x50: {  	_ =	shalt  }
0x51: {  	_ =	shalt  }
0x52: {  	_ =	shalt  }
0x53: {  	_ =	shalt  }
0x54: {  	_ =	shalt  }
0x55: {  	_ =	shalt  }
0x56: {  	_ =	shalt  }
0x57: {  	_ =	shalt  }
0x58: {  	_ =	shalt  }
0x59: {  	_ =	shalt  }
0x5a: {  	_ =	shalt  }
0x5b: {  	_ =	shalt  }
0x5c: {  	_ =	shalt  }
0x5d: {  	_ =	shalt  }
0x5e: {  	_ =	shalt  }
0x5f: {  	_ =	shalt  }
0x60: {  	_ =	shalt  }
0x61: {  	_ =	shalt  }
0x62: {  	_ =	shalt  }
0x63: {  	_ =	shalt  }
0x64: {  	_ =	shalt  }
0x65: {  	_ =	shalt  }
0x66: {  	_ =	shalt  }
0x67: {  	_ =	shalt  }
0x68: {  	_ =	shalt  }
0x69: {  	_ =	shalt  }
0x6a: {  	_ =	shalt  }
0x6b: {  	_ =	shalt  }
0x6c: {  	_ =	shalt  }
0x6d: {  	_ =	shalt  }
0x6e: {  	_ =	shalt  }
0x6f: {  	_ =	shalt  }
0x70: {  	_ =	shalt  }
0x71: {  	_ =	shalt  }
0x72: {  	_ =	shalt  }
0x73: {  	_ =	shalt  }
0x74: {  	_ =	shalt  }
0x75: {  	_ =	shalt  }
0x76: {  	_ =	shalt  }
0x77: {  	_ =	shalt  }
0x78: {  	_ =	shalt  }
0x79: {  	_ =	shalt  }
0x7a: {  	_ =	shalt  }
0x7b: {  	_ =	shalt  }
0x7c: {  	_ =	shalt  }
0x7d: {  	_ =	shalt  }
0x7e: {  	_ =	shalt  }
0x7f: {  	_ =	shalt  }
0x80: {  	_ =	shalt  }
0x81: {  	_ =	shalt  }
0x82: {  	_ =	shalt  }
0x83: {  	_ =	shalt  }
0x84: {  	_ =	shalt  }
0x85: {  	_ =	shalt  }
0x86: {  	_ =	shalt  }
0x87: {  	_ =	shalt  }
.Lfunc_end0:
.L_simem_size_0:
called_computation_lowered:
.L_overlay_start_0:
0x88: {  	s2 =	sld [smem:$0x3FD9]  }
0x89: {  	s3 =	sld [smem:$0x3FFE];
	_ =	sdelay $0x1  }
0x8a: {  	s1 =	srdreg.scid  }
0x8b: {  	s0 =	sand.u32 $0x1, s1  }
0x8c: {  	s17 =	sshll.u32 s0, $0xA;
	s2 =	sadd.s32 s3, s2  }
0x8d: {  	s2 =	sadd.s32 s2, s17  }
0x8e: {  	[smem:$0x3FC5] =	sst s2  }
0x8f: {  	_ = 	snop  }
0x90: {  	s2 =	sld [smem:$0x3FC9]  }
0x91: {  	s18 =	sld [smem:$0x3FC8]  }
0x92: {  	s4 =	sld [smem:$0x3FD0];
	(tm) =	ssettm $0x1  }
0x93: {  	s5 =	sld [smem:$0x3FFB];
	_ =	sdelay $0x3  }
0x94: {  	_ =	strace s5  }
0x95: {  	s5 =	sld [smem:$0x3FFC];
	_ =	sdelay $0x3  }
0x96: {  	_ =	strace s5  }
0x97: {  	s5 =	sld [smem:$0x3FFD];
	_ =	sdelay $0x3  }
0x98: {  	_ =	strace s5  }
0x99: {  	_ =	strace $0x8FFFFFFF  }
0x9a: {  	s19 =	sld [smem:$0x3FDB];
	_ =	sdelay $0x1  }
0x9b: {  	s6 =	simm.s32 $_scs_section_size  }
0x9c: {  	s7 =	simm.s32 $_size__tile_overlayer_lowered;
	s8 =	simm.s32 $_tile_overlayer_lowered  }
0x9d: {  	s22 =	simm.s32 $0x1BFF;
	s21 =	sshll.u32 s8, $0x1;
	s5 =	sadd.s32 s6, s19  }
0x9e: {  	s9 =	simm.s32 $0x0;
	s20 =	sshll.u32 s7, $0x1;
	s7 =	sadd.s32 s21, s5  }
0x9f: {  	[timem:s9], [sflag:s22] =	dma.local [hbm:s7], s20  }
0xa0: {  	_ =	swait.ge [sflag:s22], s20  }
0xa1: {  	s6 =	ssub.s32 $0x0, s20;
	[sflag:s22] =	ssyncset.done $0x0  }
0xa2: {  	[sflag:s22] =	ssyncadd.s32 s6;
	_ =	sdelay $0x1  }
0xa3: {  	s23 =	simm.s32 $0x1B8B  }
0xa4: {  	_ =	swait.ge [sflag:s23], $0x1  }
0xa5: {  	[sflag:s23] =	ssyncset.done $0x0  }
0xa6: {  	s25 =	simm.s32 $0x1B8E;
	s24 =	sld [smem:$0x3FFE];
	[sflag:s23] =	ssyncadd.s32 $0xFFFFFFFF  }
0xa7: {  	s26 =	simm.s32 $execute0_lowered;
	[smem:$0x3FD2] =	sst s25  }
0xa8: {  	s7 =	sshll.u32 s26, $0x1;
	_ =	strace $0x80000046;
	[dreg:$0x1] =	wrdreg $0xFFFFFFFF  }
0xa9: {  	s28 =	simm.s32 $_size_execute0_lowered;
	s5 =	sadd.s32 s5, s7;
	[dreg:$0x0] =	wrdreg $0x0  }
0xaa: {  	s7 =	sshll.u32 s28, $0x1;
	[dreg:$0x2] =	wrdreg s5  }
0xab: {  	[dreg:$0x3] =	wrdreg s7  }
0xac: {  	[dreg:$0x4] =	wrdreg $0xC0  }
0xad: {  	_ =	task [dreg:s9], $0x5FFFF  }
0xae: {  	[dreg:$0x1] =	wrdreg $0xFFFFFFFF  }
0xaf: {  	[dreg:$0x0] =	wrdreg $0x60  }
0xb0: {  	[dreg:$0x2] =	wrdreg s2  }
0xb1: {  	[dreg:$0x3] =	wrdreg s18  }
0xb2: {  	[dreg:$0x4] =	wrdreg s24  }
0xb3: {  	[dreg:$0x5] =	wrdreg s4  }
0xb4: {  	[dreg:$0x6] =	wrdreg $0x9  }
0xb5: {  	_ =	task.clear_ibuf [dreg:s9], $0x7FFFF;
	_ =	strace $0x90000046  }
0xb6: {  	s29 =	simm.s32 $0x9;
	_ =	strace $0x80000048  }
0xb7: {  	_ =	swait.ge [sflag:s29], $0x1  }
0xb8: {  	[sflag:s29] =	ssyncadd.s32 $0xFFFFFFFF  }
0xb9: {  	_ =	strace $0x90000048  }
0xba: {  	_ =	sfence  }
0xbb: {  	s30 =	sld [smem:$0x0];
	_ =	sdelay $0x2  }
0xbc: {  	s31 =	sshll.u32 s1, $0xD;
	s1 =	sshrl.u32 s1, $0x2  }
0xbd: {  	s3 =	sand.u32 $0x4000, s31;
	s1 =	sadd.s32 s1, s30  }
0xbe: {  	s0 =	sor.u32 s3, s0;
	s1 =	sshll.u32 s1, $0x11  }
0xbf: {  	s0 =	sor.u32 s1, s0  }
0xc0: {  	s0 =	sadd.s32 $0x8F2B, s0  }
0xc1: {  	[sflag:s0] =	ssyncadd.remote.s32 $0x1  }
0xc2: {  	_ =	sfence.sel $0xFFFF  }
0xc3: {  	[dreg:$0x0] =	wrdreg $0xFFFFFFFF;
	(pc) =	sbr.abs _section_cstart, $3  }
0xc4: {  	[dreg:$0x1] =	wrdreg $0xFFFFFFFF  }
0xc5: {  	_ =	task.clear_ibuf [dreg:s9], $0x2FFFF;
	_ =	strace $0x9FFFFFFF  }
0xc6: {  	(tm) =	ssettm $0x7FFFFFFF  }
0xc7: {  	_ =	shalt  }
tec
execute0_lowered:
.L_overlay_start_1:
0x0: {  	(tag) =	ssettag $0x1  }
0x1: {  	s0 =	rddreg [dreg:$0x0]  }
0x2: {  	s1 =	rddreg [dreg:$0x1]  }
0x3: {  	s3 =	rddreg [dreg:$0x2]  }
0x4: {  	s2 =	srdreg.scid;
	s10 =	rddreg [dreg:$0x3]  }
0x5: {  	s6 =	stileid.u32;
	s14 =	simm.s32 $0x4000;
	s16 =	simm.s32 $0x4  }
0x6: {  	s17 =	simm.s32 $0xA800;
	s18 =	simm.s32 $0xA500;
	s19 =	simm.s32 $0x1  }
0x7: {  	s20 =	simm.s32 $0x2;
	s23 =	simm.s32 $0x1CC80;
	s24 =	simm.s32 $0x3  }
0x8: {  	s25 =	simm.s32 $0x0;
	s4 =	sand.u32 $0x1, s2;
	s2 =	simm.s32 $0x0  }
0x9: {  	s5 =	sshll.u32 s4, $0x4;
	[smem:$0x7FF] =	sst s2;
	s4 =	ssub.s32 $0x2, s4  }
0xa: {  	s7 =	sor.u32 s6, s5;
	_ =	strace $0x80000047;
	s8 =	sshrl.u32 s4, $0x1  }
0xb: {  	s5 =	sshll.u32 s7, $0xA;
	s11 =	sshll.u32 s7, $0x4;
	s6 =	sshll.u32 s7, $0xD  }
0xc: {  	s30 =	ssub.s32 s4, s8;
	s31 =	sshll.u32 s7, $0x6;
	s7 =	sor.u32 $0x400, s7  }
0xd: {  	s5 =	sadd.s32 s5, s3;
	s12 =	sadd.s32 s11, s3;
	s3 =	sadd.s32 s0, s6  }
0xe: {  	v0 =	vimm.s32 $0x200;
	vm0 =	vcmask $0x300;
	s6 =	sadd.s32 s1, s31;
	s10 =	sadd.s32 s10, s11;
	s13 =	smax.u32 s30, $0x1  }
0xf: {  	v3 =	vimm.s32 $0x0;
	v4 =	vlaneseq.u32;
	v5 =	vimm.s32 $0xF;
	s4 =	sadd.s32 $0x800, s3;
	s5 =	sadd.s32 $0x1000, s5;
	s8 =	sadd.s32 $0x1000, s3  }
0x10: {  	v6 =	vimm.f32 $0.0e+00;
	v2 =	vsel vm0, $0x0, v0;
	v1 =	vmov s7;
	s9 =	sadd.s32 $0x1800, s3;
	s11 =	sadd.s32 $0x9000, s12;
	s12 =	sadd.s32 $0x9200, s12  }
.LBB2_1:
0x11: {  	[tilespmem:s2], [sflag:$0x1] =	stream.linear.gather [hbm4b:s3+s2], $0x4000, $0x38;
	[tilespmem:$0x1CD00] =	vst v63  }
0x12: {  	_ = 	snop  }
0x13: {  	[tilespmem:s14], [sflag:$0x2] =	stream.linear.gather [hbm4b:s4+s2], $0x4000, $0x38;
	[tilespmem:$0x1CD00] =	vst v63  }
0x14: {  	s0 =	simm.s32 $0x8000  }
0x15: {  	[tilespmem:s0], [sflag:$0x4] =	stream.linear.gather [hbm4b:s5+s2], $0x2000, $0x38;
	[tilespmem:$0x1CD00] =	vst v63  }
0x16: {  	_ =	swait.ge [sflag:s16], $0x2000  }
0x17: {  	[sflag:s16] =	ssyncset.done $0x0  }
0x18: {  	s31 =	simm.s32 $0xA010;
	[sflag:s16] =	ssyncadd.s32 $0xFFFFE000  }
0x19: {  	[tilespmem:s31], [sflag:$0x4] =	stream.linear.gather [hbm4b:s6+s2], $0x200, $0x38;
	[tilespmem:$0x1CD00] =	vst v63  }
0x1a: {  	_ =	swait.ge [sflag:s16], $0x200  }
0x1b: {  	[sflag:s16] =	ssyncset.done $0x0  }
0x1c: {  	[sflag:s16] =	ssyncadd.s32 $0xFFFFFE00  }
0x1d: {  	[tilespmem:$0xA800] =	vst v1  }
0x1e: {  	[tilespmem:$0xA810] =	vst v1  }
0x1f: {  	[tilespmem:$0xA820] =	vst v1  }
0x20: {  	[tilespmem:$0xA830] =	vst v1  }
0x21: {  	[tilespmem:$0xA840] =	vst v1  }
0x22: {  	[tilespmem:$0xA850] =	vst v1  }
0x23: {  	[tilespmem:$0xA860] =	vst v1  }
0x24: {  	[tilespmem:$0xA870] =	vst v1  }
0x25: {  	[tilespmem:$0xA880] =	vst v1  }
0x26: {  	[tilespmem:$0xA890] =	vst v1  }
0x27: {  	[tilespmem:$0xA8A0] =	vst v1  }
0x28: {  	[tilespmem:$0xA8B0] =	vst v1  }
0x29: {  	[tilespmem:$0xA8C0] =	vst v1  }
0x2a: {  	[tilespmem:$0xA8D0] =	vst v1  }
0x2b: {  	[tilespmem:$0xA8E0] =	vst v1  }
0x2c: {  	[tilespmem:$0xA8F0] =	vst v1  }
0x2d: {  	[tilespmem:$0xA900] =	vst v1  }
0x2e: {  	[tilespmem:$0xA910] =	vst v1  }
0x2f: {  	[tilespmem:$0xA920] =	vst v1  }
0x30: {  	[tilespmem:$0xA930] =	vst v1  }
0x31: {  	[tilespmem:$0xA940] =	vst v1  }
0x32: {  	[tilespmem:$0xA950] =	vst v1  }
0x33: {  	[tilespmem:$0xA960] =	vst v1  }
0x34: {  	[tilespmem:$0xA970] =	vst v1  }
0x35: {  	[tilespmem:$0xA980] =	vst v1  }
0x36: {  	[tilespmem:$0xA990] =	vst v1  }
0x37: {  	[tilespmem:$0xA9A0] =	vst v1  }
0x38: {  	[tilespmem:$0xA9B0] =	vst v1  }
0x39: {  	[tilespmem:$0xA9C0] =	vst v1  }
0x3a: {  	[tilespmem:$0xA9D0] =	vst v1  }
0x3b: {  	[tilespmem:$0xA9E0] =	vst v1  }
0x3c: {  	[tilespmem:$0xA9F0] =	vst v1  }
0x3d: {  	[tilespmem:$0xA510] =	vst v0  }
0x3e: {  	[tilespmem:$0xA520] =	vst v0  }
0x3f: {  	[tilespmem:$0xA530] =	vst v0  }
0x40: {  	[tilespmem:$0xA540] =	vst v0  }
0x41: {  	[tilespmem:$0xA550] =	vst v0  }
0x42: {  	[tilespmem:$0xA560] =	vst v0  }
0x43: {  	[tilespmem:$0xA570] =	vst v0  }
0x44: {  	[tilespmem:$0xA580] =	vst v0  }
0x45: {  	[tilespmem:$0xA590] =	vst v0  }
0x46: {  	[tilespmem:$0xA5A0] =	vst v0  }
0x47: {  	[tilespmem:$0xA5B0] =	vst v0  }
0x48: {  	[tilespmem:$0xA5C0] =	vst v0  }
0x49: {  	[tilespmem:$0xA5D0] =	vst v0  }
0x4a: {  	[tilespmem:$0xA5E0] =	vst v0  }
0x4b: {  	[tilespmem:$0xA5F0] =	vst v0  }
0x4c: {  	[tilespmem:$0xA600] =	vst v0  }
0x4d: {  	[tilespmem:$0xA610] =	vst v0  }
0x4e: {  	v7 =	vld [tilespmem:$0xA010];
	[tilespmem:$0xA620] =	vst v0  }
0x4f: {  	[tilespmem:$0xA630] =	vst v0  }
0x50: {  	[tilespmem:$0xA640] =	vst v0  }
0x51: {  	[tilespmem:$0xA650] =	vst v0  }
0x52: {  	[tilespmem:$0xA660] =	vst v0  }
0x53: {  	[tilespmem:$0xA670] =	vst v0;
	v7 =	vxor.u32 $0x80000000, v7  }
0x54: {  	[tilespmem:$0xA680] =	vst v0;
	(xrf0) =	vmin.scan.msk.u32 $0xffff, v7  }
0x55: {  	[tilespmem:$0xA690] =	vst v0  }
0x56: {  	[tilespmem:$0xA6A0] =	vst v0  }
0x57: {  	[tilespmem:$0xA6B0] =	vst v0  }
0x58: {  	[tilespmem:$0xA6C0] =	vst v0  }
0x59: {  	[tilespmem:$0xA6D0] =	vst v0  }
0x5a: {  	[tilespmem:$0xA6E0] =	vst v0;
	v7, _, _ =	vpop (xrf0)  }
0x5b: {  	[tilespmem:$0xA6F0] =	vst v0;
	(v2sf) =	vpush v7, $0xF  }
0x5c: {  	[tilespmem:$0xA700] =	vst v0  }
0x5d: {  	[tilespmem:$0xA710] =	vst v0  }
0x5e: {  	[tilespmem:$0xA720] =	vst v0  }
0x5f: {  	[tilespmem:$0xA730] =	vst v0  }
0x60: {  	[tilespmem:$0xA740] =	vst v0  }
0x61: {  	[tilespmem:$0xA750] =	vst v0  }
0x62: {  	[tilespmem:$0xA760] =	vst v0  }
0x63: {  	[tilespmem:$0xA770] =	vst v0  }
0x64: {  	[tilespmem:$0xA780] =	vst v0  }
0x65: {  	[tilespmem:$0xA790] =	vst v0  }
0x66: {  	[tilespmem:$0xA7A0] =	vst v0  }
0x67: {  	[tilespmem:$0xA7B0] =	vst v0  }
0x68: {  	[tilespmem:$0xA7C0] =	vst v0  }
0x69: {  	[tilespmem:$0xA7D0] =	vst v0  }
0x6a: {  	[tilespmem:$0xA7E0] =	vst v0;
	s1 =	spop (v2sf)  }
0x6b: {  	[tilespmem:$0xA7F0] =	vst v0;
	s1 =	sxor.u32 $0x80000000, s1  }
0x6c: {  	[tilespmem:$0xA500] =	vst v2;
	v7 =	vmov s1  }
0x6d: {  	[tilespmem:$0xA000] =	vst v7  }
0x6e: {  	v7 =	vld [tilespmem:s31+$0x0]  }
0x6f: {  	v8 =	vld [tilespmem:s31+$0xFFFFFFFF];
	_ =	sdelay $0x4  }
0x70: {  	vm0 =	vne.s32 v7, v8  }
0x71: {  	v8 =	vsel vm0, $0x1, v3  }
0x72: {  	(xrf0) =	vadd.scan.msk.s32 $0xffff, v8;
	_ =	sdelay $0x5  }
0x73: {  	v8, _, _ =	vpop (xrf0)  }
0x74: {  	v8 =	vadd.s32 v3, v8;
	_ =	sdelay $0x2  }
0x75: {  	s0 =	simm.s32 $0xA300  }
0x76: {  	[tilespmem:s0+$0x0] =	vst v8  }
0x77: {  	[tilespmem:v8+s17+$0x0] =	vst.idx.msk $0xffff, v7;
	v7 =	vor.u32 s2, v4  }
0x78: {  	s15 =	simm.s32 $0xA020;
	[tilespmem:v8+s18+$0x0] =	vst.idx.msk vm0, v7  }
0x79: {  	v7 =	vld [tilespmem:s15+$0x0]  }
0x7a: {  	v9 =	vld [tilespmem:s15+$0xFFFFFFFF]  }
0x7b: {  	s21 =	simm.s32 $0x20;
	s1 =	simm.s32 $0x10;
	v8 =	vperm.xlane v8, v5  }
.LBB2_2:
0x7c: {  	p0 =	sne.s32 s21, $0x1F0;
	_ =	sdelay $0x2  }
0x7d: {  	vm0 =	vne.s32 v7, v9  }
0x7e: {  	v9 =	vsel vm0, $0x1, v3  }
0x7f: {  	(xrf0) =	vadd.scan.msk.s32 $0xffff, v9;
	_ =	sdelay $0x5  }
0x80: {  	v9, _, _ =	vpop (xrf0)  }
0x81: {  	v9 =	vadd.s32 v8, v9  }
0x82: {  	v8 =	vperm.xlane v9, v5;
	_ =	sdelay $0x1  }
0x83: {  	s0 =	sadd.s32 $0x10, s0  }
0x84: {  	[tilespmem:s0+$0x0] =	vst v9  }
.Ltmp0:
0x85: {  	[tilespmem:v9+s17+$0x0] =	vst.idx.msk $0xffff, v7;
	v7 =	vor.u32 s1, v4;
	s1 =	smov.u32 s21;
	(pc) =	sbr.rel @p0 .LBB2_2-.Ltmp0, $4  }
0x86: {  	s15 =	sadd.s32 $0x10, s15;
	[tilespmem:v9+s18+$0x0] =	vst.idx.msk vm0, v7  }
0x87: {  	v7 =	vld [tilespmem:s15+$0x0]  }
0x88: {  	v9 =	vld [tilespmem:s15+$0xFFFFFFFF]  }
0x89: {  	s21 =	sadd.s32 $0x10, s21  }
0x8a: {  	_ =	sdelay $0x2  }
0x8b: {  	vm0 =	vne.s32 v7, v9  }
0x8c: {  	v9 =	vsel vm0, $0x1, v3  }
0x8d: {  	(xrf0) =	vadd.scan.msk.s32 $0xffff, v9;
	_ =	sdelay $0x5  }
0x8e: {  	v9, _, _ =	vpop (xrf0)  }
0x8f: {  	v8 =	vadd.s32 v8, v9  }
0x90: {  	v9 =	vperm.xlane v8, v5;
	_ =	sdelay $0x1  }
0x91: {  	v9 =	vxor.u32 $0x80000000, v9  }
0x92: {  	(xrf0) =	vmax.scan.msk.u32 $0xffff, v9;
	_ =	sdelay $0x5  }
0x93: {  	v9, _, _ =	vpop (xrf0)  }
0x94: {  	(v2sf) =	vpush v9, $0xF;
	_ =	sdelay $0xd  }
0x95: {  	s0 =	sadd.s32 $0x10, s0  }
0x96: {  	[tilespmem:s0+$0x0] =	vst v8;
	s0 =	spop (v2sf)  }
0x97: {  	p0 =	sgt.s32 s0, $0xFFFFFFFE  }
.Ltmp1:
0x98: {  	_ = 	snop;
	(pc) =	sbr.rel @p0 .LBB2_6-.Ltmp1, $3  }
0x99: {  	_ =	sdelay $0x1  }
0x9a: {  	[tilespmem:v8+s17+$0x0] =	vst.idx.msk $0xffff, v7;
	v7 =	vor.u32 s1, v4  }
0x9b: {  	[tilespmem:v8+s18+$0x0] =	vst.idx.msk vm0, v7  }
0x9c: {  	s1 =	simm.s32 $0xAC40  }
0x9d: {  	[tilespmem:s1+$0xFFFFFFD0] =	vst v6  }
0x9e: {  	s0 =	sand.u32 $0x7FFFFFFF, s0;
	[tilespmem:s1+$0xFFFFFFE0] =	vst v6  }
0x9f: {  	[tilespmem:s1+$0xFFFFFFF0] =	vst v6;
	s15 =	sadd.s32 $0x1, s0  }
0xa0: {  	[tilespmem:s1+$0x0] =	vst v6;
	p0 =	sne.s32 s15, $0x1  }
.Ltmp2:
0xa1: {  	[tilespmem:s1+$0x10] =	vst v6;
	(pc) =	sbr.rel @!p0 .LBB2_6-.Ltmp2, $4  }
0xa2: {  	[tilespmem:s1+$0x20] =	vst v6  }
0xa3: {  	[tilespmem:s1+$0x30] =	vst v6  }
0xa4: {  	s0 =	simm.s32 $0x1AC00;
	[tilespmem:s1+$0xFFFFFFC0] =	vst v6  }
0xa5: {  	s1 =	simm.s32 $0xACC0;
	[tilespmem:s0+$0x0] =	vst v6;
	s15 =	sadd.s32 $0xFFFFFFFF, s15  }
.LBB2_5:
0xa6: {  	[tilespmem:s1+$0xFFFFFFD0] =	vst v6;
	p0 =	sne.s32 s15, $0x1  }
0xa7: {  	[tilespmem:s1+$0xFFFFFFE0] =	vst v6  }
0xa8: {  	[tilespmem:s1+$0xFFFFFFF0] =	vst v6  }
0xa9: {  	[tilespmem:s1+$0x0] =	vst v6  }
.Ltmp3:
0xaa: {  	[tilespmem:s1+$0x10] =	vst v6;
	(pc) =	sbr.rel @p0 .LBB2_5-.Ltmp3, $4  }
0xab: {  	[tilespmem:s1+$0x20] =	vst v6  }
0xac: {  	[tilespmem:s1+$0x30] =	vst v6  }
0xad: {  	s0 =	sadd.s32 $0x10, s0;
	[tilespmem:s1+$0xFFFFFFC0] =	vst v6  }
0xae: {  	s15 =	sadd.s32 $0xFFFFFFFF, s15;
	s1 =	sadd.s32 $0x80, s1;
	[tilespmem:s0+$0x0] =	vst v6  }
.LBB2_6:
0xaf: {  	_ =	swait.ge [sflag:s19], $0x4000  }
0xb0: {  	[sflag:s19] =	ssyncset.done $0x0  }
0xb1: {  	[sflag:s19] =	ssyncadd.s32 $0xFFFFC000  }
0xb2: {  	v7 =	vld [tilespmem:$0xA300]  }
0xb3: {  	v8 =	vld [tilespmem:$0xA370];
	_ =	sdelay $0x3  }
0xb4: {  	v7 =	vxor.u32 $0x80000000, v7  }
0xb5: {  	(xrf0) =	vmin.scan.msk.u32 $0xffff, v7;
	v7 =	vxor.u32 $0x80000000, v8  }
0xb6: {  	(xrf0) =	vmax.scan.msk.u32 $0xffff, v7;
	_ =	sdelay $0x4  }
0xb7: {  	v7, _, _ =	vpop (xrf0)  }
0xb8: {  	(v2sf) =	vpush v7, $0xF;
	v7, _, _ =	vpop (xrf0)  }
0xb9: {  	(v2sf) =	vpush v7, $0xF;
	_ =	sdelay $0xd  }
0xba: {  	s0 =	spop (v2sf)  }
0xbb: {  	s1 =	spop (v2sf)  }
0xbc: {  	s28 =	sxor.u32 $0x80000000, s0;
	s26 =	sadd.s32 $0x80000001, s1  }
0xbd: {  	p0 =	sge.s32 s28, s26  }
.Ltmp4:
0xbe: {  	_ = 	snop;
	(pc) =	sbr.rel @!p0 .LBB2_7-.Ltmp4, $1  }
0xbf: {  	_ =	sdelay $0x3  }
.LBB2_15:
0xc0: {  	[tilespmem:s2], [sflag:$0x1] =	stream.linear.gather [hbm4b:s8+s2], $0x4000, $0x38;
	[tilespmem:$0x1CD00] =	vst v63  }
0xc1: {  	_ =	swait.ge [sflag:s20], $0x4000  }
0xc2: {  	[sflag:s20] =	ssyncset.done $0x0  }
0xc3: {  	[sflag:s20] =	ssyncadd.s32 $0xFFFFC000  }
0xc4: {  	v7 =	vld [tilespmem:$0xA380]  }
0xc5: {  	v8 =	vld [tilespmem:$0xA3F0];
	_ =	sdelay $0x3  }
0xc6: {  	v7 =	vxor.u32 $0x80000000, v7  }
0xc7: {  	(xrf0) =	vmin.scan.msk.u32 $0xffff, v7;
	v7 =	vxor.u32 $0x80000000, v8  }
0xc8: {  	(xrf0) =	vmax.scan.msk.u32 $0xffff, v7;
	_ =	sdelay $0x4  }
0xc9: {  	v7, _, _ =	vpop (xrf0)  }
0xca: {  	(v2sf) =	vpush v7, $0xF;
	v7, _, _ =	vpop (xrf0)  }
0xcb: {  	(v2sf) =	vpush v7, $0xF;
	_ =	sdelay $0xd  }
0xcc: {  	s0 =	spop (v2sf)  }
0xcd: {  	s1 =	spop (v2sf)  }
0xce: {  	s28 =	sxor.u32 $0x80000000, s0;
	s26 =	sadd.s32 $0x80000001, s1  }
0xcf: {  	p0 =	sge.s32 s28, s26  }
.Ltmp5:
0xd0: {  	_ = 	snop;
	(pc) =	sbr.rel @!p0 .LBB2_16-.Ltmp5, $1  }
0xd1: {  	_ =	sdelay $0x3  }
.LBB2_24:
0xd2: {  	[tilespmem:s14], [sflag:$0x2] =	stream.linear.gather [hbm4b:s9+s2], $0x4000, $0x38;
	[tilespmem:$0x1CD00] =	vst v63  }
0xd3: {  	_ =	swait.ge [sflag:s19], $0x4000  }
0xd4: {  	[sflag:s19] =	ssyncset.done $0x0  }
0xd5: {  	[sflag:s19] =	ssyncadd.s32 $0xFFFFC000  }
0xd6: {  	v7 =	vld [tilespmem:$0xA400]  }
0xd7: {  	v8 =	vld [tilespmem:$0xA470];
	_ =	sdelay $0x3  }
0xd8: {  	v7 =	vxor.u32 $0x80000000, v7  }
0xd9: {  	(xrf0) =	vmin.scan.msk.u32 $0xffff, v7;
	v7 =	vxor.u32 $0x80000000, v8  }
0xda: {  	(xrf0) =	vmax.scan.msk.u32 $0xffff, v7;
	_ =	sdelay $0x4  }
0xdb: {  	v7, _, _ =	vpop (xrf0)  }
0xdc: {  	(v2sf) =	vpush v7, $0xF;
	v7, _, _ =	vpop (xrf0)  }
0xdd: {  	(v2sf) =	vpush v7, $0xF;
	_ =	sdelay $0xd  }
0xde: {  	s0 =	spop (v2sf)  }
0xdf: {  	s1 =	spop (v2sf)  }
0xe0: {  	s28 =	sxor.u32 $0x80000000, s0;
	s26 =	sadd.s32 $0x80000001, s1  }
0xe1: {  	p0 =	sge.s32 s28, s26  }
.Ltmp6:
0xe2: {  	_ = 	snop;
	(pc) =	sbr.rel @!p0 .LBB2_25-.Ltmp6, $1  }
0xe3: {  	_ =	sdelay $0x3  }
.LBB2_33:
0xe4: {  	_ =	swait.ge [sflag:s20], $0x4000  }
0xe5: {  	[sflag:s20] =	ssyncset.done $0x0  }
0xe6: {  	[sflag:s20] =	ssyncadd.s32 $0xFFFFC000  }
0xe7: {  	v7 =	vld [tilespmem:$0xA480]  }
0xe8: {  	v8 =	vld [tilespmem:$0xA4F0];
	_ =	sdelay $0x3  }
0xe9: {  	v7 =	vxor.u32 $0x80000000, v7  }
0xea: {  	(xrf0) =	vmin.scan.msk.u32 $0xffff, v7;
	v7 =	vxor.u32 $0x80000000, v8  }
0xeb: {  	(xrf0) =	vmax.scan.msk.u32 $0xffff, v7;
	_ =	sdelay $0x4  }
0xec: {  	v7, _, _ =	vpop (xrf0)  }
0xed: {  	(v2sf) =	vpush v7, $0xF;
	v7, _, _ =	vpop (xrf0)  }
0xee: {  	(v2sf) =	vpush v7, $0xF;
	_ =	sdelay $0xd  }
0xef: {  	s0 =	spop (v2sf)  }
0xf0: {  	s1 =	spop (v2sf)  }
0xf1: {  	s28 =	sxor.u32 $0x80000000, s0;
	s26 =	sadd.s32 $0x80000001, s1  }
0xf2: {  	p0 =	sge.s32 s28, s26  }
.Ltmp7:
0xf3: {  	_ = 	snop;
	(pc) =	sbr.rel @!p0 .LBB2_34-.Ltmp7, $1  }
0xf4: {  	_ =	sdelay $0x3  }
.LBB2_42:
0xf5: {  	[tilespmem:$0x1CC00] =	vst v6  }
0xf6: {  	[tilespmem:$0x1CC80] =	vst v3  }
0xf7: {  	[tilespmem:$0x1CC10] =	vst v6  }
0xf8: {  	[tilespmem:$0x1CC90] =	vst v3  }
0xf9: {  	[tilespmem:$0x1CC20] =	vst v6  }
0xfa: {  	[tilespmem:$0x1CCA0] =	vst v3  }
0xfb: {  	[tilespmem:$0x1CC30] =	vst v6  }
0xfc: {  	[tilespmem:$0x1CCB0] =	vst v3  }
0xfd: {  	[tilespmem:$0x1CC40] =	vst v6  }
0xfe: {  	[tilespmem:$0x1CCC0] =	vst v3  }
0xff: {  	[tilespmem:$0x1CC50] =	vst v6  }
0x100: {  	[tilespmem:$0x1CCD0] =	vst v3  }
0x101: {  	[tilespmem:$0x1CC60] =	vst v6  }
0x102: {  	[tilespmem:$0x1CCE0] =	vst v3  }
0x103: {  	[tilespmem:$0x1CC70] =	vst v6  }
0x104: {  	[tilespmem:$0x1CCF0] =	vst v3;
	s0 =	simm.s32 $0x0;
	s1 =	simm.s32 $0xAC00  }
0x105: {  	[hbm4b:s10+s0] =	stream.linear.scatter [tilespmem:s1], [sflag:$0x3], $0x80, $0x38;
	[tilespmem:$0x1CD00] =	vst v63  }
0x106: {  	v7 =	vld [tilespmem:$0x1AC00];
	_ =	sdelay $0x4  }
0x107: {  	s31 =	simm.s32 $0x1CC00;
	[tilespmem:$0x1CC00] =	vst v7  }
0x108: {  	[hbm4b:s11+s0] =	stream.linear.scatter [tilespmem:s31], [sflag:$0x3], $0x80, $0x38;
	[tilespmem:$0x1CD00] =	vst v63  }
0x109: {  	v7 =	vld [tilespmem:$0xA800];
	_ =	sdelay $0x4  }
0x10a: {  	[tilespmem:$0x1CC80] =	vst v7  }
0x10b: {  	[hbm4b:s12+s0] =	stream.linear.scatter [tilespmem:s23], [sflag:$0x3], $0x80, $0x38;
	[tilespmem:$0x1CD00] =	vst v63  }
0x10c: {  	v8 =	vld [tilespmem:$0xA810]  }
0x10d: {  	vm0 =	veq.s32 v4, $0x0;
	v9 =	vld [tilespmem:$0xA820]  }
0x10e: {  	v7 =	vsel vm0, s7, v7;
	v10 =	vld [tilespmem:$0xA830]  }
0x10f: {  	[tilespmem:$0xA800] =	vst v7;
	v11 =	vld [tilespmem:$0xA840]  }
0x110: {  	[tilespmem:$0xAA00] =	vst v7;
	v7 =	vld [tilespmem:$0xA850]  }
0x111: {  	[tilespmem:$0xAA10] =	vst v8;
	v8 =	vld [tilespmem:$0xA860]  }
0x112: {  	v49 =	vld [tilespmem:$0xA870];
	[tilespmem:$0xAA20] =	vst v9  }
0x113: {  	v50 =	vld [tilespmem:$0xA880];
	[tilespmem:$0xAA30] =	vst v10  }
0x114: {  	v51 =	vld [tilespmem:$0xA890];
	[tilespmem:$0xAA40] =	vst v11  }
0x115: {  	[tilespmem:$0xAA50] =	vst v7;
	v7 =	vld [tilespmem:$0xA8A0]  }
0x116: {  	[tilespmem:$0xAA60] =	vst v8;
	v8 =	vld [tilespmem:$0xA8B0]  }
0x117: {  	v52 =	vld [tilespmem:$0xA8C0];
	[tilespmem:$0xAA70] =	vst v49  }
0x118: {  	v53 =	vld [tilespmem:$0xA8D0];
	[tilespmem:$0xAA80] =	vst v50  }
0x119: {  	v54 =	vld [tilespmem:$0xA8E0];
	[tilespmem:$0xAA90] =	vst v51  }
0x11a: {  	[tilespmem:$0xAAA0] =	vst v7;
	v7 =	vld [tilespmem:$0xA8F0]  }
0x11b: {  	[tilespmem:$0xAAB0] =	vst v8;
	v8 =	vld [tilespmem:$0xA900]  }
0x11c: {  	v55 =	vld [tilespmem:$0xA910];
	[tilespmem:$0xAAC0] =	vst v52  }
0x11d: {  	v56 =	vld [tilespmem:$0xA920];
	[tilespmem:$0xAAD0] =	vst v53  }
0x11e: {  	v57 =	vld [tilespmem:$0xA930];
	[tilespmem:$0xAAE0] =	vst v54  }
0x11f: {  	[tilespmem:$0xAAF0] =	vst v7;
	v7 =	vld [tilespmem:$0xA940]  }
0x120: {  	[tilespmem:$0xAB00] =	vst v8;
	v8 =	vld [tilespmem:$0xA950]  }
0x121: {  	v58 =	vld [tilespmem:$0xA960];
	[tilespmem:$0xAB10] =	vst v55  }
0x122: {  	v59 =	vld [tilespmem:$0xA970];
	[tilespmem:$0xAB20] =	vst v56  }
0x123: {  	v60 =	vld [tilespmem:$0xA980];
	[tilespmem:$0xAB30] =	vst v57  }
0x124: {  	[tilespmem:$0xAB40] =	vst v7;
	v7 =	vld [tilespmem:$0xA990]  }
0x125: {  	[tilespmem:$0xAB50] =	vst v8;
	v8 =	vld [tilespmem:$0xA9A0]  }
0x126: {  	v61 =	vld [tilespmem:$0xA9B0];
	[tilespmem:$0xAB60] =	vst v58  }
0x127: {  	v62 =	vld [tilespmem:$0xA9C0];
	[tilespmem:$0xAB70] =	vst v59  }
0x128: {  	v63 =	vld [tilespmem:$0xA9D0];
	[tilespmem:$0xAB80] =	vst v60  }
0x129: {  	[tilespmem:$0xAB90] =	vst v7;
	v7 =	vld [tilespmem:$0xA9E0]  }
0x12a: {  	[tilespmem:$0xABA0] =	vst v8;
	v8 =	vld [tilespmem:$0xA9F0]  }
0x12b: {  	[tilespmem:$0xABB0] =	vst v61  }
0x12c: {  	[tilespmem:$0xABC0] =	vst v62  }
0x12d: {  	[tilespmem:$0xABD0] =	vst v63  }
0x12e: {  	[tilespmem:$0xABE0] =	vst v7  }
0x12f: {  	s15 =	simm.s32 $0x0;
	[tilespmem:$0xABF0] =	vst v8  }
0x130: {  	v7 =	vld [tilespmem:s15+$0x1AC00];
	_ =	sdelay $0x3  }
0x131: {  	s1 =	simm.s32 $0x40  }
.LBB2_43:
0x132: {  	s15 =	sshra.s32 s1, $0x2;
	p0 =	sne.s32 s1, $0x1FC0;
	s1 =	sadd.s32 $0x40, s1;
	[tilespmem:s0+$0x0] =	vst v7  }
.Ltmp8:
0x133: {  	v7 =	vld [tilespmem:s15+$0x1AC00];
	(pc) =	sbr.rel @p0 .LBB2_43-.Ltmp8, $2  }
0x134: {  	_ =	sdelay $0x2  }
0x135: {  	s0 =	sadd.s32 $0x80, s0  }
0x136: {  	[tilespmem:s0+$0x0] =	vst v7  }
0x137: {  	_ =	swait.ge [sflag:s24], $0x80  }
0x138: {  	[sflag:s24] =	ssyncset.done $0x0  }
0x139: {  	s25 =	sadd.s32 $0x1, s25;
	[sflag:s24] =	ssyncadd.s32 $0xFFFFFF80  }
0x13a: {  	p0 =	sne.s32 s25, s13;
	_ =	swait.ge [sflag:s24], $0x80  }
.Ltmp9:
0x13b: {  	[sflag:s24] =	ssyncset.done $0x0;
	(pc) =	sbr.rel @p0 .LBB2_1-.Ltmp9, $4  }
.Ltmp10:
0x13c: {  	[sflag:s24] =	ssyncadd.s32 $0xFFFFFF80;
	(pc) =	sbr.rel @!p0 .LBB2_45-.Ltmp10, $4  }
0x13d: {  	_ =	swait.ge [sflag:s24], $0x80  }
0x13e: {  	[sflag:s24] =	ssyncset.done $0x0  }
0x13f: {  	[sflag:s24] =	ssyncadd.s32 $0xFFFFFF80  }
0x140: {  	_ = 	snop  }
.LBB2_14:
0x141: {  	s0 =	sshll.u32 s28, $0x9  }
0x142: {  	s0 =	sshra.s32 s0, $0x2  }
0x143: {  	v16 =	vld [tilespmem:s0+$0xAC00]  }
0x144: {  	v17 =	vld [tilespmem:s0+$0xAC10]  }
0x145: {  	v19 =	vld [tilespmem:s0+$0xAC30]  }
0x146: {  	v18 =	vld [tilespmem:s0+$0xAC20]  }
0x147: {  	v59 =	vld [tilespmem:s0+$0xAC50]  }
0x148: {  	v20 =	vld [tilespmem:s0+$0xAC40];
	v7 =	vadd.f32 v16, v7  }
0x149: {  	v61 =	vld [tilespmem:s0+$0xAC70];
	v11 =	vadd.f32 v17, v11  }
0x14a: {  	v60 =	vld [tilespmem:s0+$0xAC60];
	v62 =	vadd.f32 v19, v12;
	[tilespmem:s0+$0xAC00] =	vst v7  }
0x14b: {  	v7 =	vadd.f32 v18, v10;
	[tilespmem:s0+$0xAC10] =	vst v11  }
0x14c: {  	v9 =	vadd.f32 v59, v9;
	[tilespmem:s0+$0xAC30] =	vst v62  }
0x14d: {  	[tilespmem:s0+$0xAC20] =	vst v7;
	v7 =	vadd.f32 v20, v13  }
0x14e: {  	v63 =	vadd.f32 v61, v15;
	[tilespmem:s0+$0xAC50] =	vst v9  }
0x14f: {  	[tilespmem:s0+$0xAC40] =	vst v7;
	v7 =	vadd.f32 v60, v14  }
0x150: {  	s1 =	sshll.u32 s28, $0x6;
	[tilespmem:s0+$0xAC70] =	vst v63  }
0x151: {  	s31 =	sshra.s32 s1, $0x2;
	[tilespmem:s0+$0xAC60] =	vst v7  }
0x152: {  	v7 =	vld [tilespmem:s31+$0x1AC00]  }
0x153: {  	s28 =	sadd.s32 $0x1, s28  }
0x154: {  	p0 =	sne.s32 s28, s26  }
.Ltmp11:
0x155: {  	_ = 	snop;
	(pc) =	sbr.rel @!p0 .LBB2_15-.Ltmp11, $3  }
0x156: {  	_ = 	snop  }
0x157: {  	v7 =	vadd.f32 v7, v8;
	_ =	sdelay $0x1  }
0x158: {  	[tilespmem:s31+$0x1AC00] =	vst v7  }
.LBB2_7:
0x159: {  	v7 =	vld [tilespmem:s28+$0xA500]  }
0x15a: {  	v8 =	vld [tilespmem:s28+$0xA501];
	_ =	sdelay $0x3  }
0x15b: {  	v7 =	vxor.u32 $0x80000000, v7  }
0x15c: {  	(xrf0) =	vmin.scan.msk.u32 $0xffff, v7;
	v7 =	vxor.u32 $0x80000000, v8  }
0x15d: {  	(xrf0) =	vmin.scan.msk.u32 $0xffff, v7;
	_ =	sdelay $0x4  }
0x15e: {  	v7, _, _ =	vpop (xrf0)  }
0x15f: {  	(v2sf) =	vpush v7, $0xF;
	v7, _, _ =	vpop (xrf0)  }
0x160: {  	(v2sf) =	vpush v7, $0xF;
	_ =	sdelay $0xd  }
0x161: {  	s0 =	spop (v2sf)  }
0x162: {  	s1 =	spop (v2sf)  }
0x163: {  	s15 =	sxor.u32 $0x80000000, s0;
	s29 =	sxor.u32 $0x80000000, s1  }
0x164: {  	p0 =	sgt.s32 s15, $0x0;
	p1 =	slt.s32 s29, $0x80  }
0x165: {  	s15 =	simm.s32 @!p0 $0x0;
	s29 =	simm.s32 @!p1 $0x80  }
0x166: {  	s30 =	ssub.s32 s29, s15  }
0x167: {  	s22 =	sshrl.u32 s30, $0x1F  }
0x168: {  	s0 =	sadd.s32 s22, s30  }
0x169: {  	s31 =	sand.u32 $0xFFFFFFFE, s0  }
0x16a: {  	s0 =	sadd.s32 s15, s31  }
0x16b: {  	p0 =	sge.s32 s15, s0  }
.Ltmp12:
0x16c: {  	_ = 	snop;
	(pc) =	sbr.rel @p0 .LBB2_11-.Ltmp12, $4  }
0x16d: {  	_ = 	snop  }
0x16e: {  	v11 =	vimm.f32 $0.0e+00;
	v10 =	vimm.f32 $0.0e+00;
	v12 =	vimm.f32 $0.0e+00  }
0x16f: {  	v13 =	vimm.f32 $0.0e+00;
	v9 =	vimm.f32 $0.0e+00;
	v14 =	vimm.f32 $0.0e+00  }
0x170: {  	v15 =	vimm.f32 $0.0e+00;
	v8 =	vimm.f32 $0.0e+00;
	v7 =	vimm.f32 $0.0e+00  }
0x171: {  	s1 =	sshll.u32 s15, $0x6  }
0x172: {  	s21 =	sshll.u32 s15, $0x9;
	s1 =	sshra.s32 s1, $0x2  }
0x173: {  	s22 =	sshra.s32 s21, $0x2;
	s21 =	sadd.s32 $0x8010, s1  }
0x174: {  	s1 =	sadd.s32 $0x80, s22;
	v8 =	vld [tilespmem:s21+$0x0]  }
0x175: {  	v7 =	vld [tilespmem:s1+$0x0]  }
0x176: {  	v11 =	vld [tilespmem:s1+$0x10]  }
0x177: {  	v13 =	vld [tilespmem:s1+$0x20]  }
0x178: {  	v14 =	vld [tilespmem:s1+$0x30]  }
0x179: {  	v9 =	vld [tilespmem:s21+$0xFFFFFFF0]  }
0x17a: {  	v12 =	vld [tilespmem:s1+$0xFFFFFF80]  }
0x17b: {  	v15 =	vld [tilespmem:s1+$0x40]  }
0x17c: {  	v16 =	vld [tilespmem:s1+$0xFFFFFF90]  }
0x17d: {  	v20 =	vld [tilespmem:s1+$0xFFFFFFB0]  }
0x17e: {  	v23 =	vld [tilespmem:s1+$0xFFFFFFC0]  }
0x17f: {  	v17 =	vld [tilespmem:s1+$0xFFFFFFA0]  }
0x180: {  	v25 =	vld [tilespmem:s1+$0x50];
	v18 =	vmul.f32 v12, v9;
	v7 =	vmul.f32 v7, v8  }
0x181: {  	s15 =	sadd.s32 $0x2, s15;
	v12 =	vmul.f32 v11, v8;
	v13 =	vmul.f32 v13, v8  }
0x182: {  	v10 =	vimm.f32 $0.0e+00;
	p0 =	slt.s32 s15, s0;
	v19 =	vmul.f32 v15, v8;
	v26 =	vmul.f32 v20, v9  }
.Ltmp13:
0x183: {  	v21 =	vld [tilespmem:s1+$0xFFFFFFD0];
	v29 =	vmul.f32 v23, v9;
	v11 =	vadd.f32 v18, v10;
	v18 =	vmul.f32 v14, v8;
	(pc) =	sbr.rel @!p0 .LBB2_10-.Ltmp13, $4  }
0x184: {  	v22 =	vld [tilespmem:s1+$0xFFFFFFE0];
	v14 =	vmul.f32 v16, v9;
	v16 =	vmul.f32 v17, v9  }
0x185: {  	v24 =	vld [tilespmem:s1+$0xFFFFFFF0];
	v20 =	vmul.f32 v25, v8;
	v15 =	vimm.f32 $0.0e+00;
	v7 =	vadd.f32 v7, v11  }
0x186: {  	v23 =	vld [tilespmem:s1+$0x60];
	v17 =	vimm.f32 $0.0e+00;
	v27 =	vadd.f32 v14, v10;
	v28 =	vadd.f32 v16, v10  }
0x187: {  	s21 =	sadd.s32 $0x20, s21;
	v25 =	vld [tilespmem:s1+$0x70];
	v11 =	vimm.f32 $0.0e+00;
	v14 =	vimm.f32 $0.0e+00;
	v16 =	vimm.f32 $0.0e+00  }
.LBB2_9:
0x188: {  	v30 =	vld [tilespmem:s21+$0x0];
	v10 =	vadd.f32 v26, v10;
	v11 =	vadd.f32 v29, v11;
	v21 =	vmul.f32 v21, v9;
	s1 =	sadd.s32 $0x100, s1  }
0x189: {  	v26 =	vld [tilespmem:s1+$0x0];
	v22 =	vmul.f32 v22, v9;
	v27 =	vadd.f32 v12, v27;
	v28 =	vadd.f32 v13, v28  }
0x18a: {  	v12 =	vld [tilespmem:s1+$0x10];
	v13 =	vmul.f32 v24, v9;
	v10 =	vadd.f32 v18, v10;
	v11 =	vadd.f32 v19, v11  }
0x18b: {  	v14 =	vadd.f32 v21, v14;
	v18 =	vld [tilespmem:s1+$0x20];
	v17 =	vadd.f32 v22, v17;
	v19 =	vmul.f32 v23, v8  }
0x18c: {  	v16 =	vadd.f32 v9, v16;
	v23 =	vld [tilespmem:s1+$0x30];
	v13 =	vadd.f32 v13, v15;
	v15 =	vmul.f32 v25, v8  }
0x18d: {  	v14 =	vadd.f32 v20, v14;
	v24 =	vld [tilespmem:s1+$0x40];
	v17 =	vadd.f32 v19, v17  }
0x18e: {  	v16 =	vadd.f32 v8, v16;
	v8 =	vmov v30;
	v9 =	vld [tilespmem:s21+$0xFFFFFFF0];
	v15 =	vadd.f32 v15, v13  }
0x18f: {  	v13 =	vld [tilespmem:s1+$0xFFFFFF80]  }
0x190: {  	v20 =	vld [tilespmem:s1+$0xFFFFFF90]  }
0x191: {  	v25 =	vld [tilespmem:s1+$0xFFFFFFA0]  }
0x192: {  	v29 =	vld [tilespmem:s1+$0xFFFFFFB0]  }
0x193: {  	s15 =	sadd.s32 $0x2, s15;
	v30 =	vld [tilespmem:s1+$0xFFFFFFC0]  }
0x194: {  	p0 =	slt.s32 s15, s0;
	v31 =	vmul.f32 v26, v8;
	v19 =	vmul.f32 v13, v9;
	v32 =	vld [tilespmem:s1+$0x50]  }
.Ltmp14:
0x195: {  	v12 =	vmul.f32 v12, v8;
	v13 =	vmul.f32 v18, v8;
	v21 =	vld [tilespmem:s1+$0xFFFFFFD0];
	(pc) =	sbr.rel @p0 .LBB2_9-.Ltmp14, $4  }
0x196: {  	v18 =	vmul.f32 v23, v8;
	v7 =	vadd.f32 v19, v7;
	v22 =	vld [tilespmem:s1+$0xFFFFFFE0];
	v19 =	vmul.f32 v24, v8  }
0x197: {  	v20 =	vmul.f32 v20, v9;
	v25 =	vmul.f32 v25, v9;
	v24 =	vld [tilespmem:s1+$0xFFFFFFF0]  }
0x198: {  	v26 =	vmul.f32 v29, v9;
	v29 =	vmul.f32 v30, v9;
	v7 =	vadd.f32 v31, v7;
	v23 =	vld [tilespmem:s1+$0x60]  }
0x199: {  	s21 =	sadd.s32 $0x20, s21;
	v27 =	vadd.f32 v20, v27;
	v28 =	vadd.f32 v25, v28;
	v20 =	vmul.f32 v32, v8;
	v25 =	vld [tilespmem:s1+$0x70]  }
.LBB2_10:
0x19a: {  	v26 =	vadd.f32 v26, v10  }
0x19b: {  	v29 =	vadd.f32 v29, v11;
	v21 =	vmul.f32 v21, v9;
	v16 =	vadd.f32 v9, v16  }
0x19c: {  	v22 =	vmul.f32 v22, v9;
	v11 =	vadd.f32 v12, v27;
	v10 =	vadd.f32 v13, v28  }
0x19d: {  	v24 =	vmul.f32 v24, v9;
	v12 =	vadd.f32 v18, v26;
	v13 =	vadd.f32 v19, v29  }
0x19e: {  	v14 =	vadd.f32 v21, v14;
	v17 =	vadd.f32 v22, v17  }
0x19f: {  	v62 =	vmul.f32 v23, v8;
	v15 =	vadd.f32 v24, v15;
	v63 =	vmul.f32 v25, v8  }
0x1a0: {  	v9 =	vadd.f32 v20, v14;
	v8 =	vadd.f32 v8, v16  }
0x1a1: {  	v14 =	vadd.f32 v62, v17;
	v15 =	vadd.f32 v63, v15  }
.LBB2_11:
0x1a2: {  	p0 =	sge.s32 s0, s29  }
.Ltmp15:
0x1a3: {  	_ = 	snop;
	(pc) =	sbr.rel @p0 .LBB2_14-.Ltmp15, $1  }
0x1a4: {  	_ =	sdelay $0x3  }
0x1a5: {  	s0 =	ssub.s32 s30, s31;
	s1 =	sshll.u32 s29, $0x6  }
0x1a6: {  	s21 =	sshll.u32 s29, $0x9;
	s15 =	sshll.u32 s0, $0x6;
	s22 =	sshll.u32 s0, $0x9  }
0x1a7: {  	s1 =	ssub.s32 s1, s15;
	s31 =	ssub.s32 s21, s22  }
0x1a8: {  	s1 =	sshra.s32 s1, $0x2;
	s15 =	sshra.s32 s31, $0x2  }
0x1a9: {  	s1 =	sadd.s32 $0x8000, s1;
	s15 =	sor.u32 $0x40, s15  }
.LBB2_13:
0x1aa: {  	v16 =	vld [tilespmem:s1+$0x0]  }
0x1ab: {  	v17 =	vld [tilespmem:s15+$0xFFFFFFC0]  }
0x1ac: {  	v18 =	vld [tilespmem:s15+$0xFFFFFFD0]  }
0x1ad: {  	v19 =	vld [tilespmem:s15+$0xFFFFFFE0]  }
0x1ae: {  	v20 =	vld [tilespmem:s15+$0xFFFFFFF0]  }
0x1af: {  	v21 =	vld [tilespmem:s15+$0x0]  }
0x1b0: {  	v23 =	vld [tilespmem:s15+$0x20]  }
0x1b1: {  	v24 =	vld [tilespmem:s15+$0x30]  }
0x1b2: {  	v22 =	vld [tilespmem:s15+$0x10]  }
0x1b3: {  	v17 =	vmul.f32 v17, v16;
	v18 =	vmul.f32 v18, v16  }
0x1b4: {  	p0 =	sne.s32 s0, $0x1;
	v60 =	vmul.f32 v20, v16;
	v61 =	vmul.f32 v21, v16  }
.Ltmp16:
0x1b5: {  	v62 =	vmul.f32 v23, v16;
	v7 =	vadd.f32 v17, v7;
	v17 =	vmul.f32 v19, v16;
	(pc) =	sbr.rel @p0 .LBB2_13-.Ltmp16, $4  }
0x1b6: {  	v63 =	vmul.f32 v24, v16;
	v8 =	vadd.f32 v16, v8;
	v11 =	vadd.f32 v18, v11  }
0x1b7: {  	v12 =	vadd.f32 v60, v12;
	v10 =	vadd.f32 v17, v10;
	v17 =	vmul.f32 v22, v16  }
0x1b8: {  	v13 =	vadd.f32 v61, v13;
	v14 =	vadd.f32 v62, v14  }
0x1b9: {  	s1 =	sadd.s32 $0x10, s1;
	s15 =	sadd.s32 $0x80, s15;
	s0 =	sadd.s32 $0xFFFFFFFF, s0;
	v15 =	vadd.f32 v63, v15;
	v9 =	vadd.f32 v17, v9  }
.Ltmp17:
0x1ba: {  	_ = 	snop;
	(pc) =	sbr.rel .LBB2_14-.Ltmp17, $1  }
0x1bb: {  	_ =	sdelay $0x3  }
.LBB2_23:
0x1bc: {  	s0 =	sshll.u32 s28, $0x9  }
0x1bd: {  	s0 =	sshra.s32 s0, $0x2  }
0x1be: {  	v16 =	vld [tilespmem:s0+$0xAC00]  }
0x1bf: {  	v17 =	vld [tilespmem:s0+$0xAC10]  }
0x1c0: {  	v19 =	vld [tilespmem:s0+$0xAC30]  }
0x1c1: {  	v18 =	vld [tilespmem:s0+$0xAC20]  }
0x1c2: {  	v59 =	vld [tilespmem:s0+$0xAC50]  }
0x1c3: {  	v20 =	vld [tilespmem:s0+$0xAC40];
	v7 =	vadd.f32 v16, v7  }
0x1c4: {  	v61 =	vld [tilespmem:s0+$0xAC70];
	v11 =	vadd.f32 v17, v11  }
0x1c5: {  	v60 =	vld [tilespmem:s0+$0xAC60];
	v62 =	vadd.f32 v19, v12;
	[tilespmem:s0+$0xAC00] =	vst v7  }
0x1c6: {  	v7 =	vadd.f32 v18, v10;
	[tilespmem:s0+$0xAC10] =	vst v11  }
0x1c7: {  	v9 =	vadd.f32 v59, v9;
	[tilespmem:s0+$0xAC30] =	vst v62  }
0x1c8: {  	[tilespmem:s0+$0xAC20] =	vst v7;
	v7 =	vadd.f32 v20, v13  }
0x1c9: {  	v63 =	vadd.f32 v61, v15;
	[tilespmem:s0+$0xAC50] =	vst v9  }
0x1ca: {  	[tilespmem:s0+$0xAC40] =	vst v7;
	v7 =	vadd.f32 v60, v14  }
0x1cb: {  	s1 =	sshll.u32 s28, $0x6;
	[tilespmem:s0+$0xAC70] =	vst v63  }
0x1cc: {  	s31 =	sshra.s32 s1, $0x2;
	[tilespmem:s0+$0xAC60] =	vst v7  }
0x1cd: {  	v7 =	vld [tilespmem:s31+$0x1AC00]  }
0x1ce: {  	s28 =	sadd.s32 $0x1, s28  }
0x1cf: {  	p0 =	sne.s32 s28, s26  }
.Ltmp18:
0x1d0: {  	_ = 	snop;
	(pc) =	sbr.rel @!p0 .LBB2_24-.Ltmp18, $3  }
0x1d1: {  	_ = 	snop  }
0x1d2: {  	v7 =	vadd.f32 v7, v8;
	_ =	sdelay $0x1  }
0x1d3: {  	[tilespmem:s31+$0x1AC00] =	vst v7  }
.LBB2_16:
0x1d4: {  	v7 =	vld [tilespmem:s28+$0xA500]  }
0x1d5: {  	v8 =	vld [tilespmem:s28+$0xA501];
	_ =	sdelay $0x3  }
0x1d6: {  	v7 =	vxor.u32 $0x80000000, v7  }
0x1d7: {  	(xrf0) =	vmin.scan.msk.u32 $0xffff, v7;
	v7 =	vxor.u32 $0x80000000, v8  }
0x1d8: {  	(xrf0) =	vmin.scan.msk.u32 $0xffff, v7;
	_ =	sdelay $0x4  }
0x1d9: {  	v7, _, _ =	vpop (xrf0)  }
0x1da: {  	(v2sf) =	vpush v7, $0xF;
	v7, _, _ =	vpop (xrf0)  }
0x1db: {  	(v2sf) =	vpush v7, $0xF;
	_ =	sdelay $0xd  }
0x1dc: {  	s0 =	spop (v2sf)  }
0x1dd: {  	s1 =	spop (v2sf)  }
0x1de: {  	s15 =	sxor.u32 $0x80000000, s0;
	s29 =	sxor.u32 $0x80000000, s1  }
0x1df: {  	p0 =	sgt.s32 s15, $0x80;
	p1 =	slt.s32 s29, $0x100  }
0x1e0: {  	s15 =	simm.s32 @!p0 $0x80;
	s29 =	simm.s32 @!p1 $0x100  }
0x1e1: {  	s30 =	ssub.s32 s29, s15  }
0x1e2: {  	s22 =	sshrl.u32 s30, $0x1F  }
0x1e3: {  	s0 =	sadd.s32 s22, s30  }
0x1e4: {  	s31 =	sand.u32 $0xFFFFFFFE, s0  }
0x1e5: {  	s0 =	sadd.s32 s15, s31  }
0x1e6: {  	p0 =	sge.s32 s15, s0  }
.Ltmp19:
0x1e7: {  	_ = 	snop;
	(pc) =	sbr.rel @p0 .LBB2_20-.Ltmp19, $4  }
0x1e8: {  	_ = 	snop  }
0x1e9: {  	v11 =	vimm.f32 $0.0e+00;
	v10 =	vimm.f32 $0.0e+00;
	v12 =	vimm.f32 $0.0e+00  }
0x1ea: {  	v13 =	vimm.f32 $0.0e+00;
	v9 =	vimm.f32 $0.0e+00;
	v14 =	vimm.f32 $0.0e+00  }
0x1eb: {  	v15 =	vimm.f32 $0.0e+00;
	v8 =	vimm.f32 $0.0e+00;
	v7 =	vimm.f32 $0.0e+00  }
0x1ec: {  	s1 =	sshll.u32 s15, $0x6;
	s21 =	sshll.u32 s15, $0x9  }
0x1ed: {  	s22 =	sshra.s32 s1, $0x2;
	s1 =	sshra.s32 s21, $0x2  }
0x1ee: {  	v7 =	vld [tilespmem:s1+$0x80]  }
0x1ef: {  	v11 =	vld [tilespmem:s1+$0x90]  }
0x1f0: {  	v13 =	vld [tilespmem:s1+$0xA0]  }
0x1f1: {  	v14 =	vld [tilespmem:s1+$0xB0]  }
0x1f2: {  	v12 =	vld [tilespmem:s1+$0x0]  }
0x1f3: {  	s22 =	sadd.s32 $0x8010, s22;
	v15 =	vld [tilespmem:s1+$0xC0]  }
0x1f4: {  	v8 =	vld [tilespmem:s22+$0x0]  }
0x1f5: {  	v9 =	vld [tilespmem:s22+$0xFFFFFFF0]  }
0x1f6: {  	v16 =	vld [tilespmem:s1+$0x10]  }
0x1f7: {  	v20 =	vld [tilespmem:s1+$0x30]  }
0x1f8: {  	v23 =	vld [tilespmem:s1+$0x40]  }
0x1f9: {  	v17 =	vld [tilespmem:s1+$0x20]  }
0x1fa: {  	v25 =	vld [tilespmem:s1+$0xD0];
	v18 =	vmul.f32 v12, v9;
	v7 =	vmul.f32 v7, v8  }
0x1fb: {  	s15 =	sadd.s32 $0x2, s15;
	v12 =	vmul.f32 v11, v8;
	v13 =	vmul.f32 v13, v8  }
0x1fc: {  	v10 =	vimm.f32 $0.0e+00;
	p0 =	slt.s32 s15, s0;
	v19 =	vmul.f32 v15, v8;
	v26 =	vmul.f32 v20, v9  }
.Ltmp20:
0x1fd: {  	v21 =	vld [tilespmem:s1+$0x50];
	v29 =	vmul.f32 v23, v9;
	v11 =	vadd.f32 v18, v10;
	v18 =	vmul.f32 v14, v8;
	(pc) =	sbr.rel @!p0 .LBB2_19-.Ltmp20, $4  }
0x1fe: {  	v22 =	vld [tilespmem:s1+$0x60];
	v14 =	vmul.f32 v16, v9;
	v16 =	vmul.f32 v17, v9  }
0x1ff: {  	v24 =	vld [tilespmem:s1+$0x70];
	v20 =	vmul.f32 v25, v8;
	v15 =	vimm.f32 $0.0e+00;
	v7 =	vadd.f32 v7, v11  }
0x200: {  	v23 =	vld [tilespmem:s1+$0xE0];
	v17 =	vimm.f32 $0.0e+00;
	v27 =	vadd.f32 v14, v10;
	v28 =	vadd.f32 v16, v10  }
0x201: {  	s21 =	sadd.s32 $0x20, s22;
	v25 =	vld [tilespmem:s1+$0xF0];
	v11 =	vimm.f32 $0.0e+00;
	v14 =	vimm.f32 $0.0e+00;
	v16 =	vimm.f32 $0.0e+00  }
.LBB2_18:
0x202: {  	v30 =	vld [tilespmem:s21+$0x0];
	v10 =	vadd.f32 v26, v10;
	v11 =	vadd.f32 v29, v11;
	v21 =	vmul.f32 v21, v9;
	s1 =	sadd.s32 $0x100, s1  }
0x203: {  	v26 =	vld [tilespmem:s1+$0x80];
	v22 =	vmul.f32 v22, v9;
	v27 =	vadd.f32 v12, v27;
	v28 =	vadd.f32 v13, v28  }
0x204: {  	v12 =	vld [tilespmem:s1+$0x90];
	v13 =	vmul.f32 v24, v9;
	v10 =	vadd.f32 v18, v10;
	v11 =	vadd.f32 v19, v11  }
0x205: {  	v14 =	vadd.f32 v21, v14;
	v18 =	vld [tilespmem:s1+$0xA0];
	v17 =	vadd.f32 v22, v17;
	v19 =	vmul.f32 v23, v8  }
0x206: {  	v16 =	vadd.f32 v9, v16;
	v23 =	vld [tilespmem:s1+$0xB0];
	v13 =	vadd.f32 v13, v15;
	v15 =	vmul.f32 v25, v8  }
0x207: {  	v14 =	vadd.f32 v20, v14;
	v24 =	vld [tilespmem:s1+$0xC0];
	v17 =	vadd.f32 v19, v17  }
0x208: {  	v16 =	vadd.f32 v8, v16;
	v8 =	vmov v30;
	v9 =	vld [tilespmem:s21+$0xFFFFFFF0];
	v15 =	vadd.f32 v15, v13  }
0x209: {  	v13 =	vld [tilespmem:s1+$0x0]  }
0x20a: {  	v20 =	vld [tilespmem:s1+$0x10]  }
0x20b: {  	v25 =	vld [tilespmem:s1+$0x20]  }
0x20c: {  	v29 =	vld [tilespmem:s1+$0x30]  }
0x20d: {  	s15 =	sadd.s32 $0x2, s15;
	v30 =	vld [tilespmem:s1+$0x40]  }
0x20e: {  	p0 =	slt.s32 s15, s0;
	v31 =	vmul.f32 v26, v8;
	v19 =	vmul.f32 v13, v9;
	v32 =	vld [tilespmem:s1+$0xD0]  }
.Ltmp21:
0x20f: {  	v12 =	vmul.f32 v12, v8;
	v13 =	vmul.f32 v18, v8;
	v21 =	vld [tilespmem:s1+$0x50];
	(pc) =	sbr.rel @p0 .LBB2_18-.Ltmp21, $4  }
0x210: {  	v18 =	vmul.f32 v23, v8;
	v7 =	vadd.f32 v19, v7;
	v22 =	vld [tilespmem:s1+$0x60];
	v19 =	vmul.f32 v24, v8  }
0x211: {  	v20 =	vmul.f32 v20, v9;
	v25 =	vmul.f32 v25, v9;
	v24 =	vld [tilespmem:s1+$0x70]  }
0x212: {  	v26 =	vmul.f32 v29, v9;
	v29 =	vmul.f32 v30, v9;
	v7 =	vadd.f32 v31, v7;
	v23 =	vld [tilespmem:s1+$0xE0]  }
0x213: {  	s21 =	sadd.s32 $0x20, s21;
	v27 =	vadd.f32 v20, v27;
	v28 =	vadd.f32 v25, v28;
	v20 =	vmul.f32 v32, v8;
	v25 =	vld [tilespmem:s1+$0xF0]  }
.LBB2_19:
0x214: {  	v26 =	vadd.f32 v26, v10  }
0x215: {  	v29 =	vadd.f32 v29, v11;
	v21 =	vmul.f32 v21, v9;
	v16 =	vadd.f32 v9, v16  }
0x216: {  	v22 =	vmul.f32 v22, v9;
	v11 =	vadd.f32 v12, v27;
	v10 =	vadd.f32 v13, v28  }
0x217: {  	v24 =	vmul.f32 v24, v9;
	v12 =	vadd.f32 v18, v26;
	v13 =	vadd.f32 v19, v29  }
0x218: {  	v14 =	vadd.f32 v21, v14;
	v17 =	vadd.f32 v22, v17  }
0x219: {  	v62 =	vmul.f32 v23, v8;
	v15 =	vadd.f32 v24, v15;
	v63 =	vmul.f32 v25, v8  }
0x21a: {  	v9 =	vadd.f32 v20, v14;
	v8 =	vadd.f32 v8, v16  }
0x21b: {  	v14 =	vadd.f32 v62, v17;
	v15 =	vadd.f32 v63, v15  }
.LBB2_20:
0x21c: {  	p0 =	sge.s32 s0, s29  }
.Ltmp22:
0x21d: {  	_ = 	snop;
	(pc) =	sbr.rel @p0 .LBB2_23-.Ltmp22, $1  }
0x21e: {  	_ =	sdelay $0x3  }
0x21f: {  	s0 =	ssub.s32 s30, s31  }
0x220: {  	s1 =	sshll.u32 s29, $0x6;
	s15 =	sshll.u32 s0, $0x6  }
0x221: {  	s31 =	sshll.u32 s29, $0x9;
	s21 =	sshll.u32 s0, $0x9;
	s1 =	ssub.s32 s1, s15  }
0x222: {  	s15 =	ssub.s32 s31, s21;
	s1 =	sshra.s32 s1, $0x2  }
0x223: {  	s15 =	sshra.s32 s15, $0x2;
	s1 =	sadd.s32 $0x8000, s1  }
.LBB2_22:
0x224: {  	v16 =	vld [tilespmem:s1+$0x0]  }
0x225: {  	v17 =	vld [tilespmem:s15+$0x0]  }
0x226: {  	v18 =	vld [tilespmem:s15+$0x10]  }
0x227: {  	v19 =	vld [tilespmem:s15+$0x20]  }
0x228: {  	v20 =	vld [tilespmem:s15+$0x30]  }
0x229: {  	v21 =	vld [tilespmem:s15+$0x40]  }
0x22a: {  	v23 =	vld [tilespmem:s15+$0x60]  }
0x22b: {  	v24 =	vld [tilespmem:s15+$0x70]  }
0x22c: {  	v22 =	vld [tilespmem:s15+$0x50]  }
0x22d: {  	v17 =	vmul.f32 v17, v16;
	v18 =	vmul.f32 v18, v16  }
0x22e: {  	p0 =	sne.s32 s0, $0x1;
	v60 =	vmul.f32 v20, v16;
	v61 =	vmul.f32 v21, v16  }
.Ltmp23:
0x22f: {  	v62 =	vmul.f32 v23, v16;
	v7 =	vadd.f32 v17, v7;
	v17 =	vmul.f32 v19, v16;
	(pc) =	sbr.rel @p0 .LBB2_22-.Ltmp23, $4  }
0x230: {  	v63 =	vmul.f32 v24, v16;
	v8 =	vadd.f32 v16, v8;
	v11 =	vadd.f32 v18, v11  }
0x231: {  	v12 =	vadd.f32 v60, v12;
	v10 =	vadd.f32 v17, v10;
	v17 =	vmul.f32 v22, v16  }
0x232: {  	v13 =	vadd.f32 v61, v13;
	v14 =	vadd.f32 v62, v14  }
0x233: {  	s1 =	sadd.s32 $0x10, s1;
	s15 =	sadd.s32 $0x80, s15;
	s0 =	sadd.s32 $0xFFFFFFFF, s0;
	v15 =	vadd.f32 v63, v15;
	v9 =	vadd.f32 v17, v9  }
.Ltmp24:
0x234: {  	_ = 	snop;
	(pc) =	sbr.rel .LBB2_23-.Ltmp24, $1  }
0x235: {  	_ =	sdelay $0x3  }
.LBB2_32:
0x236: {  	s0 =	sshll.u32 s28, $0x9  }
0x237: {  	s0 =	sshra.s32 s0, $0x2  }
0x238: {  	v16 =	vld [tilespmem:s0+$0xAC00]  }
0x239: {  	v17 =	vld [tilespmem:s0+$0xAC10]  }
0x23a: {  	v19 =	vld [tilespmem:s0+$0xAC30]  }
0x23b: {  	v18 =	vld [tilespmem:s0+$0xAC20]  }
0x23c: {  	v59 =	vld [tilespmem:s0+$0xAC50]  }
0x23d: {  	v20 =	vld [tilespmem:s0+$0xAC40];
	v7 =	vadd.f32 v16, v7  }
0x23e: {  	v61 =	vld [tilespmem:s0+$0xAC70];
	v11 =	vadd.f32 v17, v11  }
0x23f: {  	v60 =	vld [tilespmem:s0+$0xAC60];
	v62 =	vadd.f32 v19, v12;
	[tilespmem:s0+$0xAC00] =	vst v7  }
0x240: {  	v7 =	vadd.f32 v18, v10;
	[tilespmem:s0+$0xAC10] =	vst v11  }
0x241: {  	v9 =	vadd.f32 v59, v9;
	[tilespmem:s0+$0xAC30] =	vst v62  }
0x242: {  	[tilespmem:s0+$0xAC20] =	vst v7;
	v7 =	vadd.f32 v20, v13  }
0x243: {  	v63 =	vadd.f32 v61, v15;
	[tilespmem:s0+$0xAC50] =	vst v9  }
0x244: {  	[tilespmem:s0+$0xAC40] =	vst v7;
	v7 =	vadd.f32 v60, v14  }
0x245: {  	s1 =	sshll.u32 s28, $0x6;
	[tilespmem:s0+$0xAC70] =	vst v63  }
0x246: {  	s31 =	sshra.s32 s1, $0x2;
	[tilespmem:s0+$0xAC60] =	vst v7  }
0x247: {  	v7 =	vld [tilespmem:s31+$0x1AC00]  }
0x248: {  	s28 =	sadd.s32 $0x1, s28  }
0x249: {  	p0 =	sne.s32 s28, s26  }
.Ltmp25:
0x24a: {  	_ = 	snop;
	(pc) =	sbr.rel @!p0 .LBB2_33-.Ltmp25, $3  }
0x24b: {  	_ = 	snop  }
0x24c: {  	v7 =	vadd.f32 v7, v8;
	_ =	sdelay $0x1  }
0x24d: {  	[tilespmem:s31+$0x1AC00] =	vst v7  }
.LBB2_25:
0x24e: {  	v7 =	vld [tilespmem:s28+$0xA500]  }
0x24f: {  	v8 =	vld [tilespmem:s28+$0xA501];
	_ =	sdelay $0x3  }
0x250: {  	v7 =	vxor.u32 $0x80000000, v7  }
0x251: {  	(xrf0) =	vmin.scan.msk.u32 $0xffff, v7;
	v7 =	vxor.u32 $0x80000000, v8  }
0x252: {  	(xrf0) =	vmin.scan.msk.u32 $0xffff, v7;
	_ =	sdelay $0x4  }
0x253: {  	v7, _, _ =	vpop (xrf0)  }
0x254: {  	(v2sf) =	vpush v7, $0xF;
	v7, _, _ =	vpop (xrf0)  }
0x255: {  	(v2sf) =	vpush v7, $0xF;
	_ =	sdelay $0xd  }
0x256: {  	s0 =	spop (v2sf)  }
0x257: {  	s1 =	spop (v2sf)  }
0x258: {  	s15 =	sxor.u32 $0x80000000, s0;
	s29 =	sxor.u32 $0x80000000, s1  }
0x259: {  	p0 =	sgt.s32 s15, $0x100;
	p1 =	slt.s32 s29, $0x180  }
0x25a: {  	s15 =	simm.s32 @!p0 $0x100;
	s29 =	simm.s32 @!p1 $0x180  }
0x25b: {  	s30 =	ssub.s32 s29, s15  }
0x25c: {  	s22 =	sshrl.u32 s30, $0x1F  }
0x25d: {  	s0 =	sadd.s32 s22, s30  }
0x25e: {  	s31 =	sand.u32 $0xFFFFFFFE, s0  }
0x25f: {  	s0 =	sadd.s32 s15, s31  }
0x260: {  	p0 =	sge.s32 s15, s0  }
.Ltmp26:
0x261: {  	_ = 	snop;
	(pc) =	sbr.rel @p0 .LBB2_29-.Ltmp26, $4  }
0x262: {  	_ = 	snop  }
0x263: {  	v11 =	vimm.f32 $0.0e+00;
	v10 =	vimm.f32 $0.0e+00;
	v12 =	vimm.f32 $0.0e+00  }
0x264: {  	v13 =	vimm.f32 $0.0e+00;
	v9 =	vimm.f32 $0.0e+00;
	v14 =	vimm.f32 $0.0e+00  }
0x265: {  	v15 =	vimm.f32 $0.0e+00;
	v8 =	vimm.f32 $0.0e+00;
	v7 =	vimm.f32 $0.0e+00  }
0x266: {  	s21 =	sshll.u32 s15, $0x6  }
0x267: {  	s1 =	sshll.u32 s15, $0x9;
	s21 =	sshra.s32 s21, $0x2  }
0x268: {  	s1 =	sshra.s32 s1, $0x2;
	s21 =	sadd.s32 $0x8010, s21  }
0x269: {  	s1 =	sadd.s32 $0xFFFF8000, s1;
	v8 =	vld [tilespmem:s21+$0x0]  }
0x26a: {  	v7 =	vld [tilespmem:s1+$0x80]  }
0x26b: {  	v11 =	vld [tilespmem:s1+$0x90]  }
0x26c: {  	v13 =	vld [tilespmem:s1+$0xA0]  }
0x26d: {  	v14 =	vld [tilespmem:s1+$0xB0]  }
0x26e: {  	v9 =	vld [tilespmem:s21+$0xFFFFFFF0]  }
0x26f: {  	v12 =	vld [tilespmem:s1+$0x0]  }
0x270: {  	v15 =	vld [tilespmem:s1+$0xC0]  }
0x271: {  	v16 =	vld [tilespmem:s1+$0x10]  }
0x272: {  	v20 =	vld [tilespmem:s1+$0x30]  }
0x273: {  	v23 =	vld [tilespmem:s1+$0x40]  }
0x274: {  	v17 =	vld [tilespmem:s1+$0x20]  }
0x275: {  	v25 =	vld [tilespmem:s1+$0xD0];
	v18 =	vmul.f32 v12, v9;
	v7 =	vmul.f32 v7, v8  }
0x276: {  	s15 =	sadd.s32 $0x2, s15;
	v12 =	vmul.f32 v11, v8;
	v13 =	vmul.f32 v13, v8  }
0x277: {  	v10 =	vimm.f32 $0.0e+00;
	p0 =	slt.s32 s15, s0;
	v19 =	vmul.f32 v15, v8;
	v26 =	vmul.f32 v20, v9  }
.Ltmp27:
0x278: {  	v21 =	vld [tilespmem:s1+$0x50];
	v29 =	vmul.f32 v23, v9;
	v11 =	vadd.f32 v18, v10;
	v18 =	vmul.f32 v14, v8;
	(pc) =	sbr.rel @!p0 .LBB2_28-.Ltmp27, $4  }
0x279: {  	v22 =	vld [tilespmem:s1+$0x60];
	v14 =	vmul.f32 v16, v9;
	v16 =	vmul.f32 v17, v9  }
0x27a: {  	v24 =	vld [tilespmem:s1+$0x70];
	v20 =	vmul.f32 v25, v8;
	v15 =	vimm.f32 $0.0e+00;
	v7 =	vadd.f32 v7, v11  }
0x27b: {  	v23 =	vld [tilespmem:s1+$0xE0];
	v17 =	vimm.f32 $0.0e+00;
	v27 =	vadd.f32 v14, v10;
	v28 =	vadd.f32 v16, v10  }
0x27c: {  	s21 =	sadd.s32 $0x20, s21;
	v25 =	vld [tilespmem:s1+$0xF0];
	v11 =	vimm.f32 $0.0e+00;
	v14 =	vimm.f32 $0.0e+00;
	v16 =	vimm.f32 $0.0e+00  }
.LBB2_27:
0x27d: {  	v30 =	vld [tilespmem:s21+$0x0];
	v10 =	vadd.f32 v26, v10;
	v11 =	vadd.f32 v29, v11;
	v21 =	vmul.f32 v21, v9;
	s1 =	sadd.s32 $0x100, s1  }
0x27e: {  	v26 =	vld [tilespmem:s1+$0x80];
	v22 =	vmul.f32 v22, v9;
	v27 =	vadd.f32 v12, v27;
	v28 =	vadd.f32 v13, v28  }
0x27f: {  	v12 =	vld [tilespmem:s1+$0x90];
	v13 =	vmul.f32 v24, v9;
	v10 =	vadd.f32 v18, v10;
	v11 =	vadd.f32 v19, v11  }
0x280: {  	v14 =	vadd.f32 v21, v14;
	v18 =	vld [tilespmem:s1+$0xA0];
	v17 =	vadd.f32 v22, v17;
	v19 =	vmul.f32 v23, v8  }
0x281: {  	v16 =	vadd.f32 v9, v16;
	v23 =	vld [tilespmem:s1+$0xB0];
	v13 =	vadd.f32 v13, v15;
	v15 =	vmul.f32 v25, v8  }
0x282: {  	v14 =	vadd.f32 v20, v14;
	v24 =	vld [tilespmem:s1+$0xC0];
	v17 =	vadd.f32 v19, v17  }
0x283: {  	v16 =	vadd.f32 v8, v16;
	v8 =	vmov v30;
	v9 =	vld [tilespmem:s21+$0xFFFFFFF0];
	v15 =	vadd.f32 v15, v13  }
0x284: {  	v13 =	vld [tilespmem:s1+$0x0]  }
0x285: {  	v20 =	vld [tilespmem:s1+$0x10]  }
0x286: {  	v25 =	vld [tilespmem:s1+$0x20]  }
0x287: {  	v29 =	vld [tilespmem:s1+$0x30]  }
0x288: {  	s15 =	sadd.s32 $0x2, s15;
	v30 =	vld [tilespmem:s1+$0x40]  }
0x289: {  	p0 =	slt.s32 s15, s0;
	v31 =	vmul.f32 v26, v8;
	v19 =	vmul.f32 v13, v9;
	v32 =	vld [tilespmem:s1+$0xD0]  }
.Ltmp28:
0x28a: {  	v12 =	vmul.f32 v12, v8;
	v13 =	vmul.f32 v18, v8;
	v21 =	vld [tilespmem:s1+$0x50];
	(pc) =	sbr.rel @p0 .LBB2_27-.Ltmp28, $4  }
0x28b: {  	v18 =	vmul.f32 v23, v8;
	v7 =	vadd.f32 v19, v7;
	v22 =	vld [tilespmem:s1+$0x60];
	v19 =	vmul.f32 v24, v8  }
0x28c: {  	v20 =	vmul.f32 v20, v9;
	v25 =	vmul.f32 v25, v9;
	v24 =	vld [tilespmem:s1+$0x70]  }
0x28d: {  	v26 =	vmul.f32 v29, v9;
	v29 =	vmul.f32 v30, v9;
	v7 =	vadd.f32 v31, v7;
	v23 =	vld [tilespmem:s1+$0xE0]  }
0x28e: {  	s21 =	sadd.s32 $0x20, s21;
	v27 =	vadd.f32 v20, v27;
	v28 =	vadd.f32 v25, v28;
	v20 =	vmul.f32 v32, v8;
	v25 =	vld [tilespmem:s1+$0xF0]  }
.LBB2_28:
0x28f: {  	v26 =	vadd.f32 v26, v10  }
0x290: {  	v29 =	vadd.f32 v29, v11;
	v21 =	vmul.f32 v21, v9;
	v16 =	vadd.f32 v9, v16  }
0x291: {  	v22 =	vmul.f32 v22, v9;
	v11 =	vadd.f32 v12, v27;
	v10 =	vadd.f32 v13, v28  }
0x292: {  	v24 =	vmul.f32 v24, v9;
	v12 =	vadd.f32 v18, v26;
	v13 =	vadd.f32 v19, v29  }
0x293: {  	v14 =	vadd.f32 v21, v14;
	v17 =	vadd.f32 v22, v17  }
0x294: {  	v62 =	vmul.f32 v23, v8;
	v15 =	vadd.f32 v24, v15;
	v63 =	vmul.f32 v25, v8  }
0x295: {  	v9 =	vadd.f32 v20, v14;
	v8 =	vadd.f32 v8, v16  }
0x296: {  	v14 =	vadd.f32 v62, v17;
	v15 =	vadd.f32 v63, v15  }
.LBB2_29:
0x297: {  	p0 =	sge.s32 s0, s29  }
.Ltmp29:
0x298: {  	_ = 	snop;
	(pc) =	sbr.rel @p0 .LBB2_32-.Ltmp29, $1  }
0x299: {  	_ =	sdelay $0x3  }
0x29a: {  	s0 =	ssub.s32 s30, s31;
	s1 =	sshll.u32 s29, $0x6  }
0x29b: {  	s21 =	sshll.u32 s29, $0x9;
	s15 =	sshll.u32 s0, $0x6;
	s22 =	sshll.u32 s0, $0x9  }
0x29c: {  	s1 =	ssub.s32 s1, s15;
	s31 =	ssub.s32 s21, s22  }
0x29d: {  	s1 =	sshra.s32 s1, $0x2;
	s15 =	sshra.s32 s31, $0x2  }
0x29e: {  	s1 =	sadd.s32 $0x8000, s1;
	s15 =	sadd.s32 $0xFFFF8000, s15  }
.LBB2_31:
0x29f: {  	v16 =	vld [tilespmem:s1+$0x0]  }
0x2a0: {  	v17 =	vld [tilespmem:s15+$0x0]  }
0x2a1: {  	v18 =	vld [tilespmem:s15+$0x10]  }
0x2a2: {  	v19 =	vld [tilespmem:s15+$0x20]  }
0x2a3: {  	v20 =	vld [tilespmem:s15+$0x30]  }
0x2a4: {  	v21 =	vld [tilespmem:s15+$0x40]  }
0x2a5: {  	v23 =	vld [tilespmem:s15+$0x60]  }
0x2a6: {  	v24 =	vld [tilespmem:s15+$0x70]  }
0x2a7: {  	v22 =	vld [tilespmem:s15+$0x50]  }
0x2a8: {  	v17 =	vmul.f32 v17, v16;
	v18 =	vmul.f32 v18, v16  }
0x2a9: {  	p0 =	sne.s32 s0, $0x1;
	v60 =	vmul.f32 v20, v16;
	v61 =	vmul.f32 v21, v16  }
.Ltmp30:
0x2aa: {  	v62 =	vmul.f32 v23, v16;
	v7 =	vadd.f32 v17, v7;
	v17 =	vmul.f32 v19, v16;
	(pc) =	sbr.rel @p0 .LBB2_31-.Ltmp30, $4  }
0x2ab: {  	v63 =	vmul.f32 v24, v16;
	v8 =	vadd.f32 v16, v8;
	v11 =	vadd.f32 v18, v11  }
0x2ac: {  	v12 =	vadd.f32 v60, v12;
	v10 =	vadd.f32 v17, v10;
	v17 =	vmul.f32 v22, v16  }
0x2ad: {  	v13 =	vadd.f32 v61, v13;
	v14 =	vadd.f32 v62, v14  }
0x2ae: {  	s1 =	sadd.s32 $0x10, s1;
	s15 =	sadd.s32 $0x80, s15;
	s0 =	sadd.s32 $0xFFFFFFFF, s0;
	v15 =	vadd.f32 v63, v15;
	v9 =	vadd.f32 v17, v9  }
.Ltmp31:
0x2af: {  	_ = 	snop;
	(pc) =	sbr.rel .LBB2_32-.Ltmp31, $1  }
0x2b0: {  	_ =	sdelay $0x3  }
.LBB2_41:
0x2b1: {  	s0 =	sshll.u32 s28, $0x9  }
0x2b2: {  	s0 =	sshra.s32 s0, $0x2  }
0x2b3: {  	v16 =	vld [tilespmem:s0+$0xAC00]  }
0x2b4: {  	v17 =	vld [tilespmem:s0+$0xAC10]  }
0x2b5: {  	v19 =	vld [tilespmem:s0+$0xAC30]  }
0x2b6: {  	v18 =	vld [tilespmem:s0+$0xAC20]  }
0x2b7: {  	v59 =	vld [tilespmem:s0+$0xAC50]  }
0x2b8: {  	v20 =	vld [tilespmem:s0+$0xAC40];
	v7 =	vadd.f32 v16, v7  }
0x2b9: {  	v61 =	vld [tilespmem:s0+$0xAC70];
	v11 =	vadd.f32 v17, v11  }
0x2ba: {  	v60 =	vld [tilespmem:s0+$0xAC60];
	v62 =	vadd.f32 v19, v12;
	[tilespmem:s0+$0xAC00] =	vst v7  }
0x2bb: {  	v7 =	vadd.f32 v18, v10;
	[tilespmem:s0+$0xAC10] =	vst v11  }
0x2bc: {  	v9 =	vadd.f32 v59, v9;
	[tilespmem:s0+$0xAC30] =	vst v62  }
0x2bd: {  	[tilespmem:s0+$0xAC20] =	vst v7;
	v7 =	vadd.f32 v20, v13  }
0x2be: {  	v63 =	vadd.f32 v61, v15;
	[tilespmem:s0+$0xAC50] =	vst v9  }
0x2bf: {  	[tilespmem:s0+$0xAC40] =	vst v7;
	v7 =	vadd.f32 v60, v14  }
0x2c0: {  	s1 =	sshll.u32 s28, $0x6;
	[tilespmem:s0+$0xAC70] =	vst v63  }
0x2c1: {  	s31 =	sshra.s32 s1, $0x2;
	[tilespmem:s0+$0xAC60] =	vst v7  }
0x2c2: {  	v7 =	vld [tilespmem:s31+$0x1AC00]  }
0x2c3: {  	s28 =	sadd.s32 $0x1, s28  }
0x2c4: {  	p0 =	sne.s32 s28, s26  }
.Ltmp32:
0x2c5: {  	_ = 	snop;
	(pc) =	sbr.rel @!p0 .LBB2_42-.Ltmp32, $3  }
0x2c6: {  	_ = 	snop  }
0x2c7: {  	v7 =	vadd.f32 v7, v8;
	_ =	sdelay $0x1  }
0x2c8: {  	[tilespmem:s31+$0x1AC00] =	vst v7  }
.LBB2_34:
0x2c9: {  	v7 =	vld [tilespmem:s28+$0xA500]  }
0x2ca: {  	v8 =	vld [tilespmem:s28+$0xA501];
	_ =	sdelay $0x3  }
0x2cb: {  	v7 =	vxor.u32 $0x80000000, v7  }
0x2cc: {  	(xrf0) =	vmin.scan.msk.u32 $0xffff, v7;
	v7 =	vxor.u32 $0x80000000, v8  }
0x2cd: {  	(xrf0) =	vmin.scan.msk.u32 $0xffff, v7;
	_ =	sdelay $0x4  }
0x2ce: {  	v7, _, _ =	vpop (xrf0)  }
0x2cf: {  	(v2sf) =	vpush v7, $0xF;
	v7, _, _ =	vpop (xrf0)  }
0x2d0: {  	(v2sf) =	vpush v7, $0xF;
	_ =	sdelay $0xd  }
0x2d1: {  	s0 =	spop (v2sf)  }
0x2d2: {  	s1 =	spop (v2sf)  }
0x2d3: {  	s15 =	sxor.u32 $0x80000000, s0;
	s29 =	sxor.u32 $0x80000000, s1  }
0x2d4: {  	p0 =	sgt.s32 s15, $0x180;
	p1 =	slt.s32 s29, $0x200  }
0x2d5: {  	s15 =	simm.s32 @!p0 $0x180;
	s29 =	simm.s32 @!p1 $0x200  }
0x2d6: {  	s30 =	ssub.s32 s29, s15  }
0x2d7: {  	s22 =	sshrl.u32 s30, $0x1F  }
0x2d8: {  	s0 =	sadd.s32 s22, s30  }
0x2d9: {  	s31 =	sand.u32 $0xFFFFFFFE, s0  }
0x2da: {  	s0 =	sadd.s32 s15, s31  }
0x2db: {  	p0 =	sge.s32 s15, s0  }
.Ltmp33:
0x2dc: {  	_ = 	snop;
	(pc) =	sbr.rel @p0 .LBB2_38-.Ltmp33, $4  }
0x2dd: {  	_ = 	snop  }
0x2de: {  	v11 =	vimm.f32 $0.0e+00;
	v10 =	vimm.f32 $0.0e+00;
	v12 =	vimm.f32 $0.0e+00  }
0x2df: {  	v13 =	vimm.f32 $0.0e+00;
	v9 =	vimm.f32 $0.0e+00;
	v14 =	vimm.f32 $0.0e+00  }
0x2e0: {  	v15 =	vimm.f32 $0.0e+00;
	v8 =	vimm.f32 $0.0e+00;
	v7 =	vimm.f32 $0.0e+00  }
0x2e1: {  	s21 =	sshll.u32 s15, $0x6  }
0x2e2: {  	s1 =	sshll.u32 s15, $0x9;
	s21 =	sshra.s32 s21, $0x2  }
0x2e3: {  	s1 =	sshra.s32 s1, $0x2;
	s21 =	sadd.s32 $0x8010, s21  }
0x2e4: {  	s1 =	sadd.s32 $0xFFFF8000, s1;
	v8 =	vld [tilespmem:s21+$0x0]  }
0x2e5: {  	v7 =	vld [tilespmem:s1+$0x80]  }
0x2e6: {  	v11 =	vld [tilespmem:s1+$0x90]  }
0x2e7: {  	v13 =	vld [tilespmem:s1+$0xA0]  }
0x2e8: {  	v14 =	vld [tilespmem:s1+$0xB0]  }
0x2e9: {  	v9 =	vld [tilespmem:s21+$0xFFFFFFF0]  }
0x2ea: {  	v12 =	vld [tilespmem:s1+$0x0]  }
0x2eb: {  	v15 =	vld [tilespmem:s1+$0xC0]  }
0x2ec: {  	v16 =	vld [tilespmem:s1+$0x10]  }
0x2ed: {  	v20 =	vld [tilespmem:s1+$0x30]  }
0x2ee: {  	v23 =	vld [tilespmem:s1+$0x40]  }
0x2ef: {  	v17 =	vld [tilespmem:s1+$0x20]  }
0x2f0: {  	v25 =	vld [tilespmem:s1+$0xD0];
	v18 =	vmul.f32 v12, v9;
	v7 =	vmul.f32 v7, v8  }
0x2f1: {  	s15 =	sadd.s32 $0x2, s15;
	v12 =	vmul.f32 v11, v8;
	v13 =	vmul.f32 v13, v8  }
0x2f2: {  	v10 =	vimm.f32 $0.0e+00;
	p0 =	slt.s32 s15, s0;
	v19 =	vmul.f32 v15, v8;
	v26 =	vmul.f32 v20, v9  }
.Ltmp34:
0x2f3: {  	v21 =	vld [tilespmem:s1+$0x50];
	v29 =	vmul.f32 v23, v9;
	v11 =	vadd.f32 v18, v10;
	v18 =	vmul.f32 v14, v8;
	(pc) =	sbr.rel @!p0 .LBB2_37-.Ltmp34, $4  }
0x2f4: {  	v22 =	vld [tilespmem:s1+$0x60];
	v14 =	vmul.f32 v16, v9;
	v16 =	vmul.f32 v17, v9  }
0x2f5: {  	v24 =	vld [tilespmem:s1+$0x70];
	v20 =	vmul.f32 v25, v8;
	v15 =	vimm.f32 $0.0e+00;
	v7 =	vadd.f32 v7, v11  }
0x2f6: {  	v23 =	vld [tilespmem:s1+$0xE0];
	v17 =	vimm.f32 $0.0e+00;
	v27 =	vadd.f32 v14, v10;
	v28 =	vadd.f32 v16, v10  }
0x2f7: {  	s21 =	sadd.s32 $0x20, s21;
	v25 =	vld [tilespmem:s1+$0xF0];
	v11 =	vimm.f32 $0.0e+00;
	v14 =	vimm.f32 $0.0e+00;
	v16 =	vimm.f32 $0.0e+00  }
.LBB2_36:
0x2f8: {  	v30 =	vld [tilespmem:s21+$0x0];
	v10 =	vadd.f32 v26, v10;
	v11 =	vadd.f32 v29, v11;
	v21 =	vmul.f32 v21, v9;
	s1 =	sadd.s32 $0x100, s1  }
0x2f9: {  	v26 =	vld [tilespmem:s1+$0x80];
	v22 =	vmul.f32 v22, v9;
	v27 =	vadd.f32 v12, v27;
	v28 =	vadd.f32 v13, v28  }
0x2fa: {  	v12 =	vld [tilespmem:s1+$0x90];
	v13 =	vmul.f32 v24, v9;
	v10 =	vadd.f32 v18, v10;
	v11 =	vadd.f32 v19, v11  }
0x2fb: {  	v14 =	vadd.f32 v21, v14;
	v18 =	vld [tilespmem:s1+$0xA0];
	v17 =	vadd.f32 v22, v17;
	v19 =	vmul.f32 v23, v8  }
0x2fc: {  	v16 =	vadd.f32 v9, v16;
	v23 =	vld [tilespmem:s1+$0xB0];
	v13 =	vadd.f32 v13, v15;
	v15 =	vmul.f32 v25, v8  }
0x2fd: {  	v14 =	vadd.f32 v20, v14;
	v24 =	vld [tilespmem:s1+$0xC0];
	v17 =	vadd.f32 v19, v17  }
0x2fe: {  	v16 =	vadd.f32 v8, v16;
	v8 =	vmov v30;
	v9 =	vld [tilespmem:s21+$0xFFFFFFF0];
	v15 =	vadd.f32 v15, v13  }
0x2ff: {  	v13 =	vld [tilespmem:s1+$0x0]  }
0x300: {  	v20 =	vld [tilespmem:s1+$0x10]  }
0x301: {  	v25 =	vld [tilespmem:s1+$0x20]  }
0x302: {  	v29 =	vld [tilespmem:s1+$0x30]  }
0x303: {  	s15 =	sadd.s32 $0x2, s15;
	v30 =	vld [tilespmem:s1+$0x40]  }
0x304: {  	p0 =	slt.s32 s15, s0;
	v31 =	vmul.f32 v26, v8;
	v19 =	vmul.f32 v13, v9;
	v32 =	vld [tilespmem:s1+$0xD0]  }
.Ltmp35:
0x305: {  	v12 =	vmul.f32 v12, v8;
	v13 =	vmul.f32 v18, v8;
	v21 =	vld [tilespmem:s1+$0x50];
	(pc) =	sbr.rel @p0 .LBB2_36-.Ltmp35, $4  }
0x306: {  	v18 =	vmul.f32 v23, v8;
	v7 =	vadd.f32 v19, v7;
	v22 =	vld [tilespmem:s1+$0x60];
	v19 =	vmul.f32 v24, v8  }
0x307: {  	v20 =	vmul.f32 v20, v9;
	v25 =	vmul.f32 v25, v9;
	v24 =	vld [tilespmem:s1+$0x70]  }
0x308: {  	v26 =	vmul.f32 v29, v9;
	v29 =	vmul.f32 v30, v9;
	v7 =	vadd.f32 v31, v7;
	v23 =	vld [tilespmem:s1+$0xE0]  }
0x309: {  	s21 =	sadd.s32 $0x20, s21;
	v27 =	vadd.f32 v20, v27;
	v28 =	vadd.f32 v25, v28;
	v20 =	vmul.f32 v32, v8;
	v25 =	vld [tilespmem:s1+$0xF0]  }
.LBB2_37:
0x30a: {  	v26 =	vadd.f32 v26, v10  }
0x30b: {  	v29 =	vadd.f32 v29, v11;
	v21 =	vmul.f32 v21, v9;
	v16 =	vadd.f32 v9, v16  }
0x30c: {  	v22 =	vmul.f32 v22, v9;
	v11 =	vadd.f32 v12, v27;
	v10 =	vadd.f32 v13, v28  }
0x30d: {  	v24 =	vmul.f32 v24, v9;
	v12 =	vadd.f32 v18, v26;
	v13 =	vadd.f32 v19, v29  }
0x30e: {  	v14 =	vadd.f32 v21, v14;
	v17 =	vadd.f32 v22, v17  }
0x30f: {  	v62 =	vmul.f32 v23, v8;
	v15 =	vadd.f32 v24, v15;
	v63 =	vmul.f32 v25, v8  }
0x310: {  	v9 =	vadd.f32 v20, v14;
	v8 =	vadd.f32 v8, v16  }
0x311: {  	v14 =	vadd.f32 v62, v17;
	v15 =	vadd.f32 v63, v15  }
.LBB2_38:
0x312: {  	p0 =	sge.s32 s0, s29  }
.Ltmp36:
0x313: {  	_ = 	snop;
	(pc) =	sbr.rel @p0 .LBB2_41-.Ltmp36, $1  }
0x314: {  	_ =	sdelay $0x3  }
0x315: {  	s0 =	ssub.s32 s30, s31;
	s1 =	sshll.u32 s29, $0x6  }
0x316: {  	s21 =	sshll.u32 s29, $0x9;
	s15 =	sshll.u32 s0, $0x6;
	s22 =	sshll.u32 s0, $0x9  }
0x317: {  	s1 =	ssub.s32 s1, s15;
	s31 =	ssub.s32 s21, s22  }
0x318: {  	s1 =	sshra.s32 s1, $0x2;
	s15 =	sshra.s32 s31, $0x2  }
0x319: {  	s1 =	sadd.s32 $0x8000, s1;
	s15 =	sadd.s32 $0xFFFF8000, s15  }
.LBB2_40:
0x31a: {  	v16 =	vld [tilespmem:s1+$0x0]  }
0x31b: {  	v17 =	vld [tilespmem:s15+$0x0]  }
0x31c: {  	v18 =	vld [tilespmem:s15+$0x10]  }
0x31d: {  	v19 =	vld [tilespmem:s15+$0x20]  }
0x31e: {  	v20 =	vld [tilespmem:s15+$0x30]  }
0x31f: {  	v21 =	vld [tilespmem:s15+$0x40]  }
0x320: {  	v23 =	vld [tilespmem:s15+$0x60]  }
0x321: {  	v24 =	vld [tilespmem:s15+$0x70]  }
0x322: {  	v22 =	vld [tilespmem:s15+$0x50]  }
0x323: {  	v17 =	vmul.f32 v17, v16;
	v18 =	vmul.f32 v18, v16  }
0x324: {  	p0 =	sne.s32 s0, $0x1;
	v60 =	vmul.f32 v20, v16;
	v61 =	vmul.f32 v21, v16  }
.Ltmp37:
0x325: {  	v62 =	vmul.f32 v23, v16;
	v7 =	vadd.f32 v17, v7;
	v17 =	vmul.f32 v19, v16;
	(pc) =	sbr.rel @p0 .LBB2_40-.Ltmp37, $4  }
0x326: {  	v63 =	vmul.f32 v24, v16;
	v8 =	vadd.f32 v16, v8;
	v11 =	vadd.f32 v18, v11  }
0x327: {  	v12 =	vadd.f32 v60, v12;
	v10 =	vadd.f32 v17, v10;
	v17 =	vmul.f32 v22, v16  }
0x328: {  	v13 =	vadd.f32 v61, v13;
	v14 =	vadd.f32 v62, v14  }
0x329: {  	s1 =	sadd.s32 $0x10, s1;
	s15 =	sadd.s32 $0x80, s15;
	s0 =	sadd.s32 $0xFFFFFFFF, s0;
	v15 =	vadd.f32 v63, v15;
	v9 =	vadd.f32 v17, v9  }
.Ltmp38:
0x32a: {  	_ = 	snop;
	(pc) =	sbr.rel .LBB2_41-.Ltmp38, $1  }
0x32b: {  	_ =	sdelay $0x3  }
.LBB2_45:
0x32c: {  	_ =	sfence.sel $0x180000  }
0x32d: {  	[bflag:$0x0] =	sbarrier.arrive $0xFFFF  }
0x32e: {  	_ =	strace $0x90000047  }
0x32f: {  	s0 =	stileid.u32;
	[bflag:$0x2] =	sbarrier.arrive $0xFFFF  }
0x330: {  	p0 =	sne.s32 s0, $0x0;
	s0 =	rddreg [dreg:$0x4]  }
0x331: {  	s0 =	sadd.s32 @!p0 $0x100000, s0  }
0x332: {  	[sflag:s0] =	ssyncadd.tile.s32 @!p0 $0x1;
	_ =	shalt  }
.Lfunc_end2:
_tile_overlayer_lowered:
.L_overlay_start_2:
0x333: {  	(tag) =	ssettag $0x2  }
0x334: {  	s0 =	rddreg [dreg:$0x0];
	s2 =	stileid.u32  }
0x335: {  	s1 =	rddreg [dreg:$0x1];
	p0 =	sne.s32 s2, $0x0  }
0x336: {  	s3 =	rddreg [dreg:$0x2];
	[bflag:$0x3] =	sbarrier.arrive $0xFFFF;
	s2 =	simm.s32 @!p0 $0x1C04  }
0x337: {  	[timem:s3], [sflag:s2] =	dma.local @!p0 [hbm:s0], s1  }
0x338: {  	s0 =	simm.s32 @!p0 $0x4  }
0x339: {  	_ =	swait.ge @!p0 [sflag:s0], s1  }
0x33a: {  	s1 =	ssub.s32 @!p0 $0x0, s1;
	[sflag:s0] =	ssyncset.done @!p0 $0x0  }
0x33b: {  	[sflag:s0] =	ssyncadd.s32 @!p0 s1  }
0x33c: {  	[bflag:$0x3] =	sbarrier.arrive $0xFFFF  }
0x33d: {  	_ =	shalt  }

</sc_bundles>
